<compile_context>
chip_gen: v7x
topology: tpu7x:2x2x1
jax: 0.10.2.dev20260603
libtpu: 0.0.44.dev20260713+nightly
codegen_flags: <defaults>
</compile_context>

<pallas_src>
import functools

import jax
import jax.numpy as jnp
from jax import lax
from jax.experimental import pallas as pl
from jax.experimental.pallas import tpu as pltpu
from jax.experimental.pallas import tpu_sc as plsc

F32 = jnp.float32
I32 = jnp.int32

N = 10000
E = 320000
D_HID = 256
D_OUT = 128

NC, NS = 2, 16
NW = NC * NS
K = 64
WPW = 162
CWPW = 324
EP = NW * WPW * K
ROWS = EP // K
TROWS = 10032
RPT = TROWS // NS
NWB = 11
WBR = RPT // NWB
DTROWS = 10240
DRPT = DTROWS // NS
NBUF = 6
DBUF = 9

_mesh = plsc.VectorSubcoreMesh(core_axis_name="c", subcore_axis_name="s")


def _deg_body(dst_hbm, deg0_out, deg1_out, deg_sh, dst_v, ones_v, wb_v,
              dsem):
    cid = lax.axis_index("c")
    sid = lax.axis_index("s")
    wid = cid * NS + sid

    for l in range(K // 16):
        ones_v[pl.ds(l * 16, 16)] = jnp.full((16,), 1.0, F32)

    def zr(i, carry):
        wb_v[pl.ds(i * 16, 16)] = jnp.zeros((16,), F32)
        return carry
    lax.fori_loop(0, DRPT // 16, zr, 0)

    pltpu.sync_copy(wb_v, deg_sh.at[pl.ds(sid * DRPT, DRPT)])
    plsc.subcore_barrier()

    pltpu.sync_copy(dst_hbm.at[pl.ds(wid * WPW, WPW)], dst_v)

    def step(g, carry):
        for b in range(DBUF):
            j = g * DBUF + b
            pltpu.async_copy(ones_v, deg_sh.at[dst_v.at[j]], dsem, add=True)
        for b in range(DBUF):
            j = g * DBUF + b
            pltpu.make_async_copy(ones_v, deg_sh.at[dst_v.at[j]],
                                  dsem).wait()
        return carry
    lax.fori_loop(0, WPW // DBUF, step, 0)

    plsc.subcore_barrier()
    pltpu.sync_copy(deg_sh.at[pl.ds(sid * DRPT, DRPT)], wb_v)

    @pl.when(cid == 0)
    def _wb0():
        pltpu.sync_copy(wb_v, deg0_out.at[pl.ds(sid * DRPT, DRPT)])

    @pl.when(cid == 1)
    def _wb1():
        pltpu.sync_copy(wb_v, deg1_out.at[pl.ds(sid * DRPT, DRPT)])


_deg_kernel = pl.kernel(
    _deg_body,
    out_type=[jax.ShapeDtypeStruct((DTROWS,), F32)] * 2,
    mesh=_mesh,
    compiler_params=pltpu.CompilerParams(use_tc_tiling_on_sc=False),
    scratch_types=[
        pltpu.VMEM_SHARED((DTROWS,), F32),
        pltpu.VMEM((WPW, K), I32),
        pltpu.VMEM((K,), F32),
        pltpu.VMEM((DRPT,), F32),
        pltpu.SemaphoreType.DMA,
    ],
)


def _conv_body(split_edges, src_hbm, dst_hbm, y_hbm, out_hbm,
               src_v, dst_v, acc_sh, rbuf, gsem, ssem, isem):
    cid = lax.axis_index("c")
    sid = lax.axis_index("s")
    if split_edges:
        nwin = WPW
        slab = (cid * NS + sid) * WPW
        yv = y_hbm
    else:
        nwin = CWPW
        slab = sid * CWPW
        yv = y_hbm.at[cid]
    ngrp = nwin // NBUF
    ov = out_hbm.at[cid]

    pltpu.async_copy(src_hbm.at[pl.ds(slab, NBUF)], src_v.at[0], isem.at[0])
    pltpu.async_copy(dst_hbm.at[pl.ds(slab, NBUF)], dst_v.at[0], isem.at[0])

    def zrow(i, carry):
        for l in range(8):
            rbuf[0, i, pl.ds(l * 16, 16)] = jnp.zeros((16,), F32)
        return carry
    lax.fori_loop(0, WBR, zrow, 0)

    def zcp(q, carry):
        pltpu.async_copy(rbuf.at[0, pl.ds(0, WBR)],
                         acc_sh.at[pl.ds(sid * RPT + q * WBR, WBR), :],
                         ssem.at[0])
        return carry
    lax.fori_loop(0, NWB, zcp, 0)

    def zdr(q, carry):
        pltpu.make_async_copy(
            rbuf.at[0, pl.ds(0, WBR)],
            acc_sh.at[pl.ds(sid * RPT, WBR), :], ssem.at[0]).wait()
        return carry
    lax.fori_loop(0, NWB, zdr, 0)
    plsc.subcore_barrier()

    pltpu.make_async_copy(src_hbm.at[pl.ds(slab, NBUF)], src_v.at[0],
                          isem.at[0]).wait()
    pltpu.make_async_copy(dst_hbm.at[pl.ds(slab, NBUF)], dst_v.at[0],
                          isem.at[0]).wait()
    pltpu.async_copy(src_hbm.at[pl.ds(slab + NBUF, NBUF)], src_v.at[1],
                     isem.at[1])
    pltpu.async_copy(dst_hbm.at[pl.ds(slab + NBUF, NBUF)], dst_v.at[1],
                     isem.at[1])

    def prime(b, carry):
        pltpu.async_copy(yv.at[src_v.at[0, b]], rbuf.at[b], gsem.at[b])
        return carry
    lax.fori_loop(0, NBUF, prime, 0)

    def step(g, carry):
        gb = lax.rem(g, 2)
        nb = lax.rem(g + 1, 2)

        def ph1(b, carry):
            pltpu.make_async_copy(
                yv.at[src_v.at[gb, b]], rbuf.at[b], gsem.at[b]).wait()
            pltpu.async_copy(
                rbuf.at[b], acc_sh.at[dst_v.at[gb, b]], ssem.at[b],
                add=True)
            return carry
        lax.fori_loop(0, NBUF, ph1, 0)

        @pl.when(g + 1 < ngrp)
        def _wi():
            pltpu.make_async_copy(
                src_hbm.at[pl.ds(slab, NBUF)], src_v.at[nb],
                isem.at[nb]).wait()
            pltpu.make_async_copy(
                dst_hbm.at[pl.ds(slab, NBUF)], dst_v.at[nb],
                isem.at[nb]).wait()

        def ph2(b, carry):
            pltpu.make_async_copy(
                rbuf.at[b], acc_sh.at[dst_v.at[gb, b]], ssem.at[b]).wait()

            @pl.when(g + 1 < ngrp)
            def _issue_next():
                pltpu.async_copy(
                    yv.at[src_v.at[nb, b]], rbuf.at[b], gsem.at[b])
            return carry
        lax.fori_loop(0, NBUF, ph2, 0)

        @pl.when(g + 2 < ngrp)
        def _pf():
            base = slab + (g + 2) * NBUF
            pltpu.async_copy(src_hbm.at[pl.ds(base, NBUF)], src_v.at[gb],
                             isem.at[gb])
            pltpu.async_copy(dst_hbm.at[pl.ds(base, NBUF)], dst_v.at[gb],
                             isem.at[gb])
        return carry
    lax.fori_loop(0, ngrp, step, 0)

    plsc.subcore_barrier()
    def wprime(q, carry):
        pltpu.async_copy(
            acc_sh.at[pl.ds(sid * RPT + q * WBR, WBR), :],
            rbuf.at[lax.rem(q, NBUF), pl.ds(0, WBR)],
            gsem.at[lax.rem(q, NBUF)])
        return carry
    lax.fori_loop(0, NBUF, wprime, 0)

    def wchain(q, carry):
        b = lax.rem(q, NBUF)
        pltpu.make_async_copy(
            acc_sh.at[pl.ds(sid * RPT, WBR), :],
            rbuf.at[b, pl.ds(0, WBR)], gsem.at[b]).wait()
        pltpu.async_copy(
            rbuf.at[b, pl.ds(0, WBR)],
            ov.at[pl.ds(sid * RPT + q * WBR, WBR), :], ssem.at[b])

        @pl.when(q + NBUF < NWB)
        def _next_rd():
            pltpu.make_async_copy(
                rbuf.at[b, pl.ds(0, WBR)],
                ov.at[pl.ds(sid * RPT, WBR), :], ssem.at[b]).wait()
            pltpu.async_copy(
                acc_sh.at[pl.ds(sid * RPT + (q + NBUF) * WBR, WBR), :],
                rbuf.at[b, pl.ds(0, WBR)], gsem.at[b])
        return carry
    lax.fori_loop(0, NWB, wchain, 0)

    def wdrain(q, carry):
        b = lax.rem(q, NBUF)
        pltpu.make_async_copy(
            rbuf.at[b, pl.ds(0, WBR)],
            ov.at[pl.ds(sid * RPT, WBR), :], ssem.at[b]).wait()
        return carry
    lax.fori_loop(NWB - NBUF, NWB, wdrain, 0)


def _make_conv(split_edges, y_shape):
    return pl.kernel(
        functools.partial(_conv_body, split_edges),
        out_type=jax.ShapeDtypeStruct((NC, TROWS, 128), F32),
        mesh=_mesh,
        compiler_params=pltpu.CompilerParams(use_tc_tiling_on_sc=False),
        scratch_types=[
            pltpu.VMEM((2, NBUF, K), I32),
            pltpu.VMEM((2, NBUF, K), I32),
            pltpu.VMEM_SHARED((TROWS, 128), F32),
            pltpu.VMEM((NBUF, K, 128), F32),
            pltpu.SemaphoreType.DMA((NBUF,)),
            pltpu.SemaphoreType.DMA((NBUF,)),
            pltpu.SemaphoreType.DMA((2,)),
        ],
    )


_conv1_kernel = _make_conv(False, (NC, N, 128))
_conv2_kernel = _make_conv(True, (N, 128))


RB = 2000
GRID = N // RB


def _dinv_block(d0_ref, d1_ref):
    return lax.rsqrt(d0_ref[...] + d1_ref[...] + 1.0)


def _tc1_body(x_ref, d0_ref, d1_ref, w1_ref, y1_ref):
    dinv = _dinv_block(d0_ref, d1_ref)
    xw = jnp.dot(x_ref[...], w1_ref[...], preferred_element_type=F32)
    y = xw * dinv
    y1_ref[0] = y[:, :128]
    y1_ref[1] = y[:, 128:]


def _tc2_body(s1_ref, y1_ref, d0_ref, d1_ref, b1_ref, w2_ref, y2_ref):
    dinv = _dinv_block(d0_ref, d1_ref)
    b1 = b1_ref[...]
    h0 = jnp.maximum(dinv * (s1_ref[0] + y1_ref[0]) + b1[:, :128], 0.0)
    h1 = jnp.maximum(dinv * (s1_ref[1] + y1_ref[1]) + b1[:, 128:], 0.0)
    h = jnp.concatenate([h0, h1], axis=1)
    y2_ref[...] = jnp.dot(h, w2_ref[...], preferred_element_type=F32) * dinv


def _tc3_body(s2_ref, y2_ref, d0_ref, d1_ref, b2_ref,
              f1w_ref, f1b_ref, f2w_ref, f2b_ref, o_ref):
    dinv = _dinv_block(d0_ref, d1_ref)
    z = jnp.maximum(dinv * (s2_ref[0] + s2_ref[1] + y2_ref[...])
                    + b2_ref[...], 0.0)
    t = jnp.dot(z, f1w_ref[...], preferred_element_type=F32) + f1b_ref[...]
    p = jnp.where(t > 0.0, t, jnp.exp(t) - 1.0)
    o_ref[...] = jnp.dot(p, f2w_ref[...], preferred_element_type=F32) \
        + f2b_ref[...]


def _row_spec(shape):
    nd = len(shape)
    if nd == 2:
        return pl.BlockSpec((RB, shape[1]), lambda i: (i, 0))
    return pl.BlockSpec((shape[0], RB, shape[2]), lambda i: (0, i, 0))


def _full_spec(shape):
    return pl.BlockSpec(shape, lambda i: (0,) * len(shape))


def _tc_call(body, ins_row, ins_full, out_shapes):
    in_specs = [_row_spec(a.shape) for a in ins_row] + \
               [_full_spec(a.shape) for a in ins_full]
    out_specs = [_row_spec(s.shape) for s in out_shapes]
    outs = pl.pallas_call(
        body,
        grid=(GRID,),
        in_specs=in_specs,
        out_specs=out_specs if len(out_shapes) > 1 else out_specs[0],
        out_shape=out_shapes if len(out_shapes) > 1 else out_shapes[0],
    )(*ins_row, *ins_full)
    return outs


def kernel(x, edge_index, W1, b1, W2, b2, fc1_W, fc1_b, fc2_W, fc2_b):
    ei = edge_index.astype(I32)
    src, dst = ei[0], ei[1]
    pad = EP - E
    fk = jnp.arange(pad, dtype=I32)
    fake_src = (fk * 7) & 8191
    fake_dst = N + (fk & 31)
    srcp = jnp.concatenate([src, fake_src]).reshape(ROWS, K)
    dstp = jnp.concatenate([dst, fake_dst]).reshape(ROWS, K)

    d0, d1 = _deg_kernel(dstp)
    d0 = d0.reshape(DTROWS, 1)
    d1 = d1.reshape(DTROWS, 1)

    sds = jax.ShapeDtypeStruct
    y1 = _tc_call(
        _tc1_body, [x, d0, d1], [W1],
        [sds((NC, N, 128), F32)])

    s1 = _conv1_kernel(srcp, dstp, y1)

    y2 = _tc_call(
        _tc2_body, [s1, y1, d0, d1],
        [b1.reshape(1, D_HID), W2],
        [sds((N, 128), F32)])

    s2 = _conv2_kernel(srcp, dstp, y2)

    out = _tc_call(
        _tc3_body, [s2, y2, d0, d1],
        [b2.reshape(1, 128), fc1_W, fc1_b.reshape(1, 128),
         fc2_W, fc2_b.reshape(1, 128)],
        [sds((N, D_OUT), F32)])
    return out

# --- scband reference (transcript-rebuilt; emitter-appended) ---
"""Pipeline reference for scband-svmodel-18554258718860 (READ-ONLY COPY).

The authoritative reference and input builder live on the scoring server;
editing this copy changes nothing except your own understanding.
"""

import jax, jax.numpy as jnp
import numpy as np

N_NODES = 10000
N_EDGES = 320000
D_IN = 128
D_HID = 256  # 2 * out_channels for k=2 encoder
D_OUT = 128  # num_hidden
D_PROJ = 128  # num_proj_hidden


def gcn_conv(x, edge_index, W, b):
    # Faithful GCNConv: x' = D^{-1/2} (A + I) D^{-1/2} (x W) + b
    N = x.shape[0]
    src = edge_index[0]
    dst = edge_index[1]
    self_loops = jnp.arange(N, dtype=edge_index.dtype)
    src = jnp.concatenate([src, self_loops])
    dst = jnp.concatenate([dst, self_loops])
    xw = x @ W
    deg = jax.ops.segment_sum(jnp.ones_like(dst, dtype=x.dtype), dst, num_segments=N)
    dinv = jnp.where(deg > 0, 1.0 / jnp.sqrt(deg), 0.0)
    norm = dinv[src] * dinv[dst]
    msgs = jnp.take(xw, src, axis=0) * norm[:, None]
    agg = jax.ops.segment_sum(msgs, dst, num_segments=N)
    return agg + b


def setup_inputs(seed: int = 0) -> dict:
    key = jax.random.key(seed)
    ks = jax.random.split(key, 12)
    x = jax.random.normal(ks[0], (N_NODES, D_IN), dtype=jnp.float32)
    edge_index = jax.random.randint(ks[1], (2, N_EDGES), 0, N_NODES, dtype=jnp.int64)
    # Encoder conv weights (k=2): conv1 in->2*out, conv2 2*out->out
    W1 = jax.random.normal(ks[2], (D_IN, D_HID), dtype=jnp.float32) * (1.0 / np.sqrt(D_IN))
    b1 = jnp.zeros((D_HID,), dtype=jnp.float32)
    W2 = jax.random.normal(ks[3], (D_HID, D_OUT), dtype=jnp.float32) * (1.0 / np.sqrt(D_HID))
    b2 = jnp.zeros((D_OUT,), dtype=jnp.float32)
    # Projection head fc1: num_hidden -> num_proj_hidden, fc2: num_proj_hidden -> num_hidden
    fc1_W = jax.random.normal(ks[4], (D_OUT, D_PROJ), dtype=jnp.float32) * (1.0 / np.sqrt(D_OUT))
    fc1_b = jnp.zeros((D_PROJ,), dtype=jnp.float32)
    fc2_W = jax.random.normal(ks[5], (D_PROJ, D_OUT), dtype=jnp.float32) * (1.0 / np.sqrt(D_PROJ))
    fc2_b = jnp.zeros((D_OUT,), dtype=jnp.float32)
    return {"x": x, "edge_index": edge_index, "W1": W1, "b1": b1, "W2": W2, "b2": b2,
            "fc1_W": fc1_W, "fc1_b": fc1_b, "fc2_W": fc2_W, "fc2_b": fc2_b}


def reference(x, edge_index, W1, b1, W2, b2, fc1_W, fc1_b, fc2_W, fc2_b):
    # Encoder: k=2 GCN layers with relu activation
    h = jax.nn.relu(gcn_conv(x, edge_index, W1, b1))
    z = jax.nn.relu(gcn_conv(h, edge_index, W2, b2))
    # Projection head: elu(fc1(z)) -> fc2
    p = jax.nn.elu(z @ fc1_W + fc1_b)
    out = p @ fc2_W + fc2_b
    return out

if __name__ == "__main__":
    import jax
    _d = setup_inputs()
    print(jax.jit(kernel)(*tuple(_d.values())))

</pallas_src>

<mosaic_0001>
#map = affine_map<(d0, d1) -> (0, 0)>
#map1 = affine_map<(d0, d1) -> (0)>
module attributes {stable_mosaic.version = 14 : i64} {
  func.func @_deg_body(%arg0: i32, %arg1: i32, %arg2: memref<5184x64xi32, #tpu.memory_space<hbm>>, %arg3: memref<10240xf32, #tpu.memory_space<hbm>>, %arg4: memref<10240xf32, #tpu.memory_space<hbm>>, %arg5: memref<10240xf32, #tpu.memory_space<vmem_shared>>, %arg6: memref<162x64xi32, #tpu.memory_space<vmem>>, %arg7: memref<64xf32, #tpu.memory_space<vmem>>, %arg8: memref<640xf32, #tpu.memory_space<vmem>>, %arg9: memref<!tpu.dma_semaphore, #tpu.memory_space<semaphore_mem>>) attributes {dimension_semantics = [#tpu.dimension_semantics<core_parallel>, #tpu.dimension_semantics<subcore_parallel>], iteration_bounds = array<i64: 2, 16>, scalar_prefetch = 0 : i64, scratch_operands = 5 : i64, tpu.core_type = #tpu.core_type<sc_vector_subcore>, window_params = [{transform_indices = #map}, {transform_indices = #map1}, {transform_indices = #map1}]} {
    %mul3A = arith.constant 16 : i32
    %mul3A_0 = arith.muli %arg0, %mul3A : i32
    %add3A = arith.addi %mul3A_0, %arg1 : i32
    %broadcast_in_dim3A = arith.constant 1.000000e+00 : f32
    %broadcast_in_dim3A_1 = vector.broadcast %broadcast_in_dim3A : f32 to vector<16xf32>
    %swap3A = arith.constant 0 : index
    %swap3A_2 = tpu.vector_load %arg7[%swap3A] {strides = array<i32>} : memref<64xf32, #tpu.memory_space<vmem>>, vector<16xf32>,
    %swap3A_3 = vector.shape_cast %swap3A_2 : vector<16xf32> to vector<16xf32>
    %swap3A_4 = vector.shape_cast %broadcast_in_dim3A_1 : vector<16xf32> to vector<16xf32>
    tpu.vector_store %arg7[%swap3A], %swap3A_4 {strides = array<i32>} : memref<64xf32, #tpu.memory_space<vmem>>, vector<16xf32>,
    %broadcast_in_dim3A_5 = arith.constant 1.000000e+00 : f32
    %broadcast_in_dim3A_6 = vector.broadcast %broadcast_in_dim3A_5 : f32 to vector<16xf32>
    %swap3A_7 = arith.constant 16 : index
    %swap3A_8 = tpu.vector_load %arg7[%swap3A_7] {strides = array<i32>} : memref<64xf32, #tpu.memory_space<vmem>>, vector<16xf32>,
    %swap3A_9 = vector.shape_cast %swap3A_8 : vector<16xf32> to vector<16xf32>
    %swap3A_10 = vector.shape_cast %broadcast_in_dim3A_6 : vector<16xf32> to vector<16xf32>
    tpu.vector_store %arg7[%swap3A_7], %swap3A_10 {strides = array<i32>} : memref<64xf32, #tpu.memory_space<vmem>>, vector<16xf32>,
    %broadcast_in_dim3A_11 = arith.constant 1.000000e+00 : f32
    %broadcast_in_dim3A_12 = vector.broadcast %broadcast_in_dim3A_11 : f32 to vector<16xf32>
    %swap3A_13 = arith.constant 32 : index
    %swap3A_14 = tpu.vector_load %arg7[%swap3A_13] {strides = array<i32>} : memref<64xf32, #tpu.memory_space<vmem>>, vector<16xf32>,
    %swap3A_15 = vector.shape_cast %swap3A_14 : vector<16xf32> to vector<16xf32>
    %swap3A_16 = vector.shape_cast %broadcast_in_dim3A_12 : vector<16xf32> to vector<16xf32>
    tpu.vector_store %arg7[%swap3A_13], %swap3A_16 {strides = array<i32>} : memref<64xf32, #tpu.memory_space<vmem>>, vector<16xf32>,
    %broadcast_in_dim3A_17 = arith.constant 1.000000e+00 : f32
    %broadcast_in_dim3A_18 = vector.broadcast %broadcast_in_dim3A_17 : f32 to vector<16xf32>
    %swap3A_19 = arith.constant 48 : index
    %swap3A_20 = tpu.vector_load %arg7[%swap3A_19] {strides = array<i32>} : memref<64xf32, #tpu.memory_space<vmem>>, vector<16xf32>,
    %swap3A_21 = vector.shape_cast %swap3A_20 : vector<16xf32> to vector<16xf32>
    %swap3A_22 = vector.shape_cast %broadcast_in_dim3A_18 : vector<16xf32> to vector<16xf32>
    tpu.vector_store %arg7[%swap3A_19], %swap3A_22 {strides = array<i32>} : memref<64xf32, #tpu.memory_space<vmem>>, vector<16xf32>,
    %scan3A = arith.constant 0 : i32
    %scan3A_23 = arith.constant 0 : i32
    %scan3A_24 = arith.constant 40 : i32
    %scan3A_25 = arith.addi %scan3A_23, %scan3A_24 : i32
    %scan3A_26 = arith.constant 1 : i32
    scf.for %scan3A_48 = %scan3A_23 to %scan3A_25 step %scan3A_26  : i32 {
      %broadcast_in_dim3A_49 = arith.constant 0.000000e+00 : f32
      %broadcast_in_dim3A_50 = vector.broadcast %broadcast_in_dim3A_49 : f32 to vector<16xf32>
      %mul3A_51 = arith.constant 16 : i32
      %mul3A_52 = arith.muli %scan3A_48, %mul3A_51 : i32
      %swap3A_53 = arith.index_cast %mul3A_52 : i32 to index
      %swap3A_54 = tpu.vector_load %arg8[%swap3A_53] {strides = array<i32>} : memref<640xf32, #tpu.memory_space<vmem>>, vector<16xf32>,
      %swap3A_55 = vector.shape_cast %swap3A_54 : vector<16xf32> to vector<16xf32>
      %swap3A_56 = vector.shape_cast %broadcast_in_dim3A_50 : vector<16xf32> to vector<16xf32>
      tpu.vector_store %arg8[%swap3A_53], %swap3A_56 {strides = array<i32>} : memref<640xf32, #tpu.memory_space<vmem>>, vector<16xf32>,
    }
    %scan3A_27 = arith.constant 40 : i32
    %mul3A_28 = arith.constant 640 : i32
    %mul3A_29 = arith.muli %arg1, %mul3A_28 : i32
    "tpu.region"() ({
      %run_scoped3A = tpu.sem_alloc : memref<!tpu.dma_semaphore, #tpu.memory_space<semaphore_mem>>
      %dma_start3A = tpu.memref_slice %arg5[%mul3A_29] : memref<10240xf32, #tpu.memory_space<vmem_shared>> -> memref<640xf32, #tpu.memory_space<vmem_shared>>
      %dma_start3A_48 = tpu.memref_slice %arg5[%mul3A_29] : memref<10240xf32, #tpu.memory_space<vmem_shared>> -> memref<640xf32, #tpu.memory_space<vmem_shared>>
      tpu.enqueue_dma source(%arg8 : memref<640xf32, #tpu.memory_space<vmem>>) target(%dma_start3A_48 : memref<640xf32, #tpu.memory_space<vmem_shared>>) target_semaphore(%run_scoped3A : memref<!tpu.dma_semaphore, #tpu.memory_space<semaphore_mem>>)
      %dma_wait3A = tpu.memref_slice %arg5[%mul3A_29] : memref<10240xf32, #tpu.memory_space<vmem_shared>> -> memref<640xf32, #tpu.memory_space<vmem_shared>>
      %dma_wait3A_49 = tpu.memref_slice %arg5[%mul3A_29] : memref<10240xf32, #tpu.memory_space<vmem_shared>> -> memref<640xf32, #tpu.memory_space<vmem_shared>>
      tpu.wait_dma2 semaphore(%run_scoped3A : memref<!tpu.dma_semaphore, #tpu.memory_space<semaphore_mem>>) src(%arg8 : memref<640xf32, #tpu.memory_space<vmem>>) dst(%dma_wait3A_49 : memref<640xf32, #tpu.memory_space<vmem_shared>>)
      tpu.yield
    }) : () -> ()
    %barrier3A = arith.constant 0 : index
    tpu.barrier barrier_id(%barrier3A)
    %mul3A_30 = arith.constant 162 : i32
    %mul3A_31 = arith.muli %add3A, %mul3A_30 : i32
    "tpu.region"() ({
      %run_scoped3A = tpu.sem_alloc : memref<!tpu.dma_semaphore, #tpu.memory_space<semaphore_mem>>
      %dma_start3A = arith.constant 0 : i32
      %dma_start3A_48 = tpu.memref_slice %arg2[%mul3A_31, %dma_start3A] : memref<5184x64xi32, #tpu.memory_space<hbm>> -> memref<162x64xi32, #tpu.memory_space<hbm>>
      %dma_start3A_49 = arith.constant 0 : i32
      %dma_start3A_50 = tpu.memref_slice %arg2[%mul3A_31, %dma_start3A_49] : memref<5184x64xi32, #tpu.memory_space<hbm>> -> memref<162x64xi32, #tpu.memory_space<hbm>>
      tpu.enqueue_dma source(%dma_start3A_50 : memref<162x64xi32, #tpu.memory_space<hbm>>) target(%arg6 : memref<162x64xi32, #tpu.memory_space<vmem>>) target_semaphore(%run_scoped3A : memref<!tpu.dma_semaphore, #tpu.memory_space<semaphore_mem>>)
      %dma_wait3A = arith.constant 0 : i32
      %dma_wait3A_51 = tpu.memref_slice %arg2[%mul3A_31, %dma_wait3A] : memref<5184x64xi32, #tpu.memory_space<hbm>> -> memref<162x64xi32, #tpu.memory_space<hbm>>
      %dma_wait3A_52 = arith.constant 0 : i32
      %dma_wait3A_53 = tpu.memref_slice %arg2[%mul3A_31, %dma_wait3A_52] : memref<5184x64xi32, #tpu.memory_space<hbm>> -> memref<162x64xi32, #tpu.memory_space<hbm>>
      tpu.wait_dma2 semaphore(%run_scoped3A : memref<!tpu.dma_semaphore, #tpu.memory_space<semaphore_mem>>) src(%dma_wait3A_53 : memref<162x64xi32, #tpu.memory_space<hbm>>) dst(%arg6 : memref<162x64xi32, #tpu.memory_space<vmem>>)
      tpu.yield
    }) : () -> ()
    %scan3A_32 = arith.constant 0 : i32
    %scan3A_33 = arith.constant 0 : i32
    %scan3A_34 = arith.constant 18 : i32
    %scan3A_35 = arith.addi %scan3A_33, %scan3A_34 : i32
    %scan3A_36 = arith.constant 1 : i32
    scf.for %scan3A_48 = %scan3A_33 to %scan3A_35 step %scan3A_36  : i32 {
      %mul3A_49 = arith.constant 9 : i32
      %mul3A_50 = arith.muli %scan3A_48, %mul3A_49 : i32
      %add3A_51 = arith.constant 0 : i32
      %add3A_52 = arith.addi %mul3A_50, %add3A_51 : i32
      %dma_start3A = arith.constant 0 : i32
      %dma_start3A_53 = tpu.memref_slice %arg6[%add3A_52, %dma_start3A] : memref<162x64xi32, #tpu.memory_space<vmem>> -> memref<1x64xi32, #tpu.memory_space<vmem>>
      %dma_start3A_54 = tpu.memref_squeeze %dma_start3A_53 : memref<1x64xi32, #tpu.memory_space<vmem>> -> memref<64xi32, #tpu.memory_space<vmem>>
      %dma_start3A_55 = arith.constant 0 : i32
      %dma_start3A_56 = tpu.memref_slice %arg5[%dma_start3A_55] : memref<10240xf32, #tpu.memory_space<vmem_shared>> -> memref<10240xf32, #tpu.memory_space<vmem_shared>>
      tpu.enqueue_indirect_dma source(%arg7 : memref<64xf32, #tpu.memory_space<vmem>>) target(%dma_start3A_56 : memref<10240xf32, #tpu.memory_space<vmem_shared>>) offsets(%dma_start3A_54 : memref<64xi32, #tpu.memory_space<vmem>>) semaphore(%arg9 : memref<!tpu.dma_semaphore, #tpu.memory_space<semaphore_mem>>) {add = true}
      %mul3A_57 = arith.constant 9 : i32
      %mul3A_58 = arith.muli %scan3A_48, %mul3A_57 : i32
      %add3A_59 = arith.constant 1 : i32
      %add3A_60 = arith.addi %mul3A_58, %add3A_59 : i32
      %dma_start3A_61 = arith.constant 0 : i32
      %dma_start3A_62 = tpu.memref_slice %arg6[%add3A_60, %dma_start3A_61] : memref<162x64xi32, #tpu.memory_space<vmem>> -> memref<1x64xi32, #tpu.memory_space<vmem>>
      %dma_start3A_63 = tpu.memref_squeeze %dma_start3A_62 : memref<1x64xi32, #tpu.memory_space<vmem>> -> memref<64xi32, #tpu.memory_space<vmem>>
      %dma_start3A_64 = arith.constant 0 : i32
      %dma_start3A_65 = tpu.memref_slice %arg5[%dma_start3A_64] : memref<10240xf32, #tpu.memory_space<vmem_shared>> -> memref<10240xf32, #tpu.memory_space<vmem_shared>>
      tpu.enqueue_indirect_dma source(%arg7 : memref<64xf32, #tpu.memory_space<vmem>>) target(%dma_start3A_65 : memref<10240xf32, #tpu.memory_space<vmem_shared>>) offsets(%dma_start3A_63 : memref<64xi32, #tpu.memory_space<vmem>>) semaphore(%arg9 : memref<!tpu.dma_semaphore, #tpu.memory_space<semaphore_mem>>) {add = true}
      %mul3A_66 = arith.constant 9 : i32
      %mul3A_67 = arith.muli %scan3A_48, %mul3A_66 : i32
      %add3A_68 = arith.constant 2 : i32
      %add3A_69 = arith.addi %mul3A_67, %add3A_68 : i32
      %dma_start3A_70 = arith.constant 0 : i32
      %dma_start3A_71 = tpu.memref_slice %arg6[%add3A_69, %dma_start3A_70] : memref<162x64xi32, #tpu.memory_space<vmem>> -> memref<1x64xi32, #tpu.memory_space<vmem>>
      %dma_start3A_72 = tpu.memref_squeeze %dma_start3A_71 : memref<1x64xi32, #tpu.memory_space<vmem>> -> memref<64xi32, #tpu.memory_space<vmem>>
      %dma_start3A_73 = arith.constant 0 : i32
      %dma_start3A_74 = tpu.memref_slice %arg5[%dma_start3A_73] : memref<10240xf32, #tpu.memory_space<vmem_shared>> -> memref<10240xf32, #tpu.memory_space<vmem_shared>>
      tpu.enqueue_indirect_dma source(%arg7 : memref<64xf32, #tpu.memory_space<vmem>>) target(%dma_start3A_74 : memref<10240xf32, #tpu.memory_space<vmem_shared>>) offsets(%dma_start3A_72 : memref<64xi32, #tpu.memory_space<vmem>>) semaphore(%arg9 : memref<!tpu.dma_semaphore, #tpu.memory_space<semaphore_mem>>) {add = true}
      %mul3A_75 = arith.constant 9 : i32
      %mul3A_76 = arith.muli %scan3A_48, %mul3A_75 : i32
      %add3A_77 = arith.constant 3 : i32
      %add3A_78 = arith.addi %mul3A_76, %add3A_77 : i32
      %dma_start3A_79 = arith.constant 0 : i32
      %dma_start3A_80 = tpu.memref_slice %arg6[%add3A_78, %dma_start3A_79] : memref<162x64xi32, #tpu.memory_space<vmem>> -> memref<1x64xi32, #tpu.memory_space<vmem>>
      %dma_start3A_81 = tpu.memref_squeeze %dma_start3A_80 : memref<1x64xi32, #tpu.memory_space<vmem>> -> memref<64xi32, #tpu.memory_space<vmem>>
      %dma_start3A_82 = arith.constant 0 : i32
      %dma_start3A_83 = tpu.memref_slice %arg5[%dma_start3A_82] : memref<10240xf32, #tpu.memory_space<vmem_shared>> -> memref<10240xf32, #tpu.memory_space<vmem_shared>>
      tpu.enqueue_indirect_dma source(%arg7 : memref<64xf32, #tpu.memory_space<vmem>>) target(%dma_start3A_83 : memref<10240xf32, #tpu.memory_space<vmem_shared>>) offsets(%dma_start3A_81 : memref<64xi32, #tpu.memory_space<vmem>>) semaphore(%arg9 : memref<!tpu.dma_semaphore, #tpu.memory_space<semaphore_mem>>) {add = true}
      %mul3A_84 = arith.constant 9 : i32
      %mul3A_85 = arith.muli %scan3A_48, %mul3A_84 : i32
      %add3A_86 = arith.constant 4 : i32
      %add3A_87 = arith.addi %mul3A_85, %add3A_86 : i32
      %dma_start3A_88 = arith.constant 0 : i32
      %dma_start3A_89 = tpu.memref_slice %arg6[%add3A_87, %dma_start3A_88] : memref<162x64xi32, #tpu.memory_space<vmem>> -> memref<1x64xi32, #tpu.memory_space<vmem>>
      %dma_start3A_90 = tpu.memref_squeeze %dma_start3A_89 : memref<1x64xi32, #tpu.memory_space<vmem>> -> memref<64xi32, #tpu.memory_space<vmem>>
      %dma_start3A_91 = arith.constant 0 : i32
      %dma_start3A_92 = tpu.memref_slice %arg5[%dma_start3A_91] : memref<10240xf32, #tpu.memory_space<vmem_shared>> -> memref<10240xf32, #tpu.memory_space<vmem_shared>>
      tpu.enqueue_indirect_dma source(%arg7 : memref<64xf32, #tpu.memory_space<vmem>>) target(%dma_start3A_92 : memref<10240xf32, #tpu.memory_space<vmem_shared>>) offsets(%dma_start3A_90 : memref<64xi32, #tpu.memory_space<vmem>>) semaphore(%arg9 : memref<!tpu.dma_semaphore, #tpu.memory_space<semaphore_mem>>) {add = true}
      %mul3A_93 = arith.constant 9 : i32
      %mul3A_94 = arith.muli %scan3A_48, %mul3A_93 : i32
      %add3A_95 = arith.constant 5 : i32
      %add3A_96 = arith.addi %mul3A_94, %add3A_95 : i32
      %dma_start3A_97 = arith.constant 0 : i32
      %dma_start3A_98 = tpu.memref_slice %arg6[%add3A_96, %dma_start3A_97] : memref<162x64xi32, #tpu.memory_space<vmem>> -> memref<1x64xi32, #tpu.memory_space<vmem>>
      %dma_start3A_99 = tpu.memref_squeeze %dma_start3A_98 : memref<1x64xi32, #tpu.memory_space<vmem>> -> memref<64xi32, #tpu.memory_space<vmem>>
      %dma_start3A_100 = arith.constant 0 : i32
      %dma_start3A_101 = tpu.memref_slice %arg5[%dma_start3A_100] : memref<10240xf32, #tpu.memory_space<vmem_shared>> -> memref<10240xf32, #tpu.memory_space<vmem_shared>>
      tpu.enqueue_indirect_dma source(%arg7 : memref<64xf32, #tpu.memory_space<vmem>>) target(%dma_start3A_101 : memref<10240xf32, #tpu.memory_space<vmem_shared>>) offsets(%dma_start3A_99 : memref<64xi32, #tpu.memory_space<vmem>>) semaphore(%arg9 : memref<!tpu.dma_semaphore, #tpu.memory_space<semaphore_mem>>) {add = true}
      %mul3A_102 = arith.constant 9 : i32
      %mul3A_103 = arith.muli %scan3A_48, %mul3A_102 : i32
      %add3A_104 = arith.constant 6 : i32
      %add3A_105 = arith.addi %mul3A_103, %add3A_104 : i32
      %dma_start3A_106 = arith.constant 0 : i32
      %dma_start3A_107 = tpu.memref_slice %arg6[%add3A_105, %dma_start3A_106] : memref<162x64xi32, #tpu.memory_space<vmem>> -> memref<1x64xi32, #tpu.memory_space<vmem>>
      %dma_start3A_108 = tpu.memref_squeeze %dma_start3A_107 : memref<1x64xi32, #tpu.memory_space<vmem>> -> memref<64xi32, #tpu.memory_space<vmem>>
      %dma_start3A_109 = arith.constant 0 : i32
      %dma_start3A_110 = tpu.memref_slice %arg5[%dma_start3A_109] : memref<10240xf32, #tpu.memory_space<vmem_shared>> -> memref<10240xf32, #tpu.memory_space<vmem_shared>>
      tpu.enqueue_indirect_dma source(%arg7 : memref<64xf32, #tpu.memory_space<vmem>>) target(%dma_start3A_110 : memref<10240xf32, #tpu.memory_space<vmem_shared>>) offsets(%dma_start3A_108 : memref<64xi32, #tpu.memory_space<vmem>>) semaphore(%arg9 : memref<!tpu.dma_semaphore, #tpu.memory_space<semaphore_mem>>) {add = true}
      %mul3A_111 = arith.constant 9 : i32
      %mul3A_112 = arith.muli %scan3A_48, %mul3A_111 : i32
      %add3A_113 = arith.constant 7 : i32
      %add3A_114 = arith.addi %mul3A_112, %add3A_113 : i32
      %dma_start3A_115 = arith.constant 0 : i32
      %dma_start3A_116 = tpu.memref_slice %arg6[%add3A_114, %dma_start3A_115] : memref<162x64xi32, #tpu.memory_space<vmem>> -> memref<1x64xi32, #tpu.memory_space<vmem>>
      %dma_start3A_117 = tpu.memref_squeeze %dma_start3A_116 : memref<1x64xi32, #tpu.memory_space<vmem>> -> memref<64xi32, #tpu.memory_space<vmem>>
      %dma_start3A_118 = arith.constant 0 : i32
      %dma_start3A_119 = tpu.memref_slice %arg5[%dma_start3A_118] : memref<10240xf32, #tpu.memory_space<vmem_shared>> -> memref<10240xf32, #tpu.memory_space<vmem_shared>>
      tpu.enqueue_indirect_dma source(%arg7 : memref<64xf32, #tpu.memory_space<vmem>>) target(%dma_start3A_119 : memref<10240xf32, #tpu.memory_space<vmem_shared>>) offsets(%dma_start3A_117 : memref<64xi32, #tpu.memory_space<vmem>>) semaphore(%arg9 : memref<!tpu.dma_semaphore, #tpu.memory_space<semaphore_mem>>) {add = true}
      %mul3A_120 = arith.constant 9 : i32
      %mul3A_121 = arith.muli %scan3A_48, %mul3A_120 : i32
      %add3A_122 = arith.constant 8 : i32
      %add3A_123 = arith.addi %mul3A_121, %add3A_122 : i32
      %dma_start3A_124 = arith.constant 0 : i32
      %dma_start3A_125 = tpu.memref_slice %arg6[%add3A_123, %dma_start3A_124] : memref<162x64xi32, #tpu.memory_space<vmem>> -> memref<1x64xi32, #tpu.memory_space<vmem>>
      %dma_start3A_126 = tpu.memref_squeeze %dma_start3A_125 : memref<1x64xi32, #tpu.memory_space<vmem>> -> memref<64xi32, #tpu.memory_space<vmem>>
      %dma_start3A_127 = arith.constant 0 : i32
      %dma_start3A_128 = tpu.memref_slice %arg5[%dma_start3A_127] : memref<10240xf32, #tpu.memory_space<vmem_shared>> -> memref<10240xf32, #tpu.memory_space<vmem_shared>>
      tpu.enqueue_indirect_dma source(%arg7 : memref<64xf32, #tpu.memory_space<vmem>>) target(%dma_start3A_128 : memref<10240xf32, #tpu.memory_space<vmem_shared>>) offsets(%dma_start3A_126 : memref<64xi32, #tpu.memory_space<vmem>>) semaphore(%arg9 : memref<!tpu.dma_semaphore, #tpu.memory_space<semaphore_mem>>) {add = true}
      %mul3A_129 = arith.constant 9 : i32
      %mul3A_130 = arith.muli %scan3A_48, %mul3A_129 : i32
      %add3A_131 = arith.constant 0 : i32
      %add3A_132 = arith.addi %mul3A_130, %add3A_131 : i32
      %dma_wait3A = arith.constant 0 : i32
      %dma_wait3A_133 = tpu.memref_slice %arg6[%add3A_132, %dma_wait3A] : memref<162x64xi32, #tpu.memory_space<vmem>> -> memref<1x64xi32, #tpu.memory_space<vmem>>
      %dma_wait3A_134 = tpu.memref_squeeze %dma_wait3A_133 : memref<1x64xi32, #tpu.memory_space<vmem>> -> memref<64xi32, #tpu.memory_space<vmem>>
      %dma_wait3A_135 = arith.constant 0 : i32
      %dma_wait3A_136 = tpu.memref_slice %arg5[%dma_wait3A_135] : memref<10240xf32, #tpu.memory_space<vmem_shared>> -> memref<10240xf32, #tpu.memory_space<vmem_shared>>
      tpu.wait_indirect_dma semaphore(%arg9 : memref<!tpu.dma_semaphore, #tpu.memory_space<semaphore_mem>>) src(%arg7 : memref<64xf32, #tpu.memory_space<vmem>>) dst(%dma_wait3A_136 : memref<10240xf32, #tpu.memory_space<vmem_shared>>)
      %mul3A_137 = arith.constant 9 : i32
      %mul3A_138 = arith.muli %scan3A_48, %mul3A_137 : i32
      %add3A_139 = arith.constant 1 : i32
      %add3A_140 = arith.addi %mul3A_138, %add3A_139 : i32
      %dma_wait3A_141 = arith.constant 0 : i32
      %dma_wait3A_142 = tpu.memref_slice %arg6[%add3A_140, %dma_wait3A_141] : memref<162x64xi32, #tpu.memory_space<vmem>> -> memref<1x64xi32, #tpu.memory_space<vmem>>
      %dma_wait3A_143 = tpu.memref_squeeze %dma_wait3A_142 : memref<1x64xi32, #tpu.memory_space<vmem>> -> memref<64xi32, #tpu.memory_space<vmem>>
      %dma_wait3A_144 = arith.constant 0 : i32
      %dma_wait3A_145 = tpu.memref_slice %arg5[%dma_wait3A_144] : memref<10240xf32, #tpu.memory_space<vmem_shared>> -> memref<10240xf32, #tpu.memory_space<vmem_shared>>
      tpu.wait_indirect_dma semaphore(%arg9 : memref<!tpu.dma_semaphore, #tpu.memory_space<semaphore_mem>>) src(%arg7 : memref<64xf32, #tpu.memory_space<vmem>>) dst(%dma_wait3A_145 : memref<10240xf32, #tpu.memory_space<vmem_shared>>)
      %mul3A_146 = arith.constant 9 : i32
      %mul3A_147 = arith.muli %scan3A_48, %mul3A_146 : i32
      %add3A_148 = arith.constant 2 : i32
      %add3A_149 = arith.addi %mul3A_147, %add3A_148 : i32
      %dma_wait3A_150 = arith.constant 0 : i32
      %dma_wait3A_151 = tpu.memref_slice %arg6[%add3A_149, %dma_wait3A_150] : memref<162x64xi32, #tpu.memory_space<vmem>> -> memref<1x64xi32, #tpu.memory_space<vmem>>
      %dma_wait3A_152 = tpu.memref_squeeze %dma_wait3A_151 : memref<1x64xi32, #tpu.memory_space<vmem>> -> memref<64xi32, #tpu.memory_space<vmem>>
      %dma_wait3A_153 = arith.constant 0 : i32
      %dma_wait3A_154 = tpu.memref_slice %arg5[%dma_wait3A_153] : memref<10240xf32, #tpu.memory_space<vmem_shared>> -> memref<10240xf32, #tpu.memory_space<vmem_shared>>
      tpu.wait_indirect_dma semaphore(%arg9 : memref<!tpu.dma_semaphore, #tpu.memory_space<semaphore_mem>>) src(%arg7 : memref<64xf32, #tpu.memory_space<vmem>>) dst(%dma_wait3A_154 : memref<10240xf32, #tpu.memory_space<vmem_shared>>)
      %mul3A_155 = arith.constant 9 : i32
      %mul3A_156 = arith.muli %scan3A_48, %mul3A_155 : i32
      %add3A_157 = arith.constant 3 : i32
      %add3A_158 = arith.addi %mul3A_156, %add3A_157 : i32
      %dma_wait3A_159 = arith.constant 0 : i32
      %dma_wait3A_160 = tpu.memref_slice %arg6[%add3A_158, %dma_wait3A_159] : memref<162x64xi32, #tpu.memory_space<vmem>> -> memref<1x64xi32, #tpu.memory_space<vmem>>
      %dma_wait3A_161 = tpu.memref_squeeze %dma_wait3A_160 : memref<1x64xi32, #tpu.memory_space<vmem>> -> memref<64xi32, #tpu.memory_space<vmem>>
      %dma_wait3A_162 = arith.constant 0 : i32
      %dma_wait3A_163 = tpu.memref_slice %arg5[%dma_wait3A_162] : memref<10240xf32, #tpu.memory_space<vmem_shared>> -> memref<10240xf32, #tpu.memory_space<vmem_shared>>
      tpu.wait_indirect_dma semaphore(%arg9 : memref<!tpu.dma_semaphore, #tpu.memory_space<semaphore_mem>>) src(%arg7 : memref<64xf32, #tpu.memory_space<vmem>>) dst(%dma_wait3A_163 : memref<10240xf32, #tpu.memory_space<vmem_shared>>)
      %mul3A_164 = arith.constant 9 : i32
      %mul3A_165 = arith.muli %scan3A_48, %mul3A_164 : i32
      %add3A_166 = arith.constant 4 : i32
      %add3A_167 = arith.addi %mul3A_165, %add3A_166 : i32
      %dma_wait3A_168 = arith.constant 0 : i32
      %dma_wait3A_169 = tpu.memref_slice %arg6[%add3A_167, %dma_wait3A_168] : memref<162x64xi32, #tpu.memory_space<vmem>> -> memref<1x64xi32, #tpu.memory_space<vmem>>
      %dma_wait3A_170 = tpu.memref_squeeze %dma_wait3A_169 : memref<1x64xi32, #tpu.memory_space<vmem>> -> memref<64xi32, #tpu.memory_space<vmem>>
      %dma_wait3A_171 = arith.constant 0 : i32
      %dma_wait3A_172 = tpu.memref_slice %arg5[%dma_wait3A_171] : memref<10240xf32, #tpu.memory_space<vmem_shared>> -> memref<10240xf32, #tpu.memory_space<vmem_shared>>
      tpu.wait_indirect_dma semaphore(%arg9 : memref<!tpu.dma_semaphore, #tpu.memory_space<semaphore_mem>>) src(%arg7 : memref<64xf32, #tpu.memory_space<vmem>>) dst(%dma_wait3A_172 : memref<10240xf32, #tpu.memory_space<vmem_shared>>)
      %mul3A_173 = arith.constant 9 : i32
      %mul3A_174 = arith.muli %scan3A_48, %mul3A_173 : i32
      %add3A_175 = arith.constant 5 : i32
      %add3A_176 = arith.addi %mul3A_174, %add3A_175 : i32
      %dma_wait3A_177 = arith.constant 0 : i32
      %dma_wait3A_178 = tpu.memref_slice %arg6[%add3A_176, %dma_wait3A_177] : memref<162x64xi32, #tpu.memory_space<vmem>> -> memref<1x64xi32, #tpu.memory_space<vmem>>
      %dma_wait3A_179 = tpu.memref_squeeze %dma_wait3A_178 : memref<1x64xi32, #tpu.memory_space<vmem>> -> memref<64xi32, #tpu.memory_space<vmem>>
      %dma_wait3A_180 = arith.constant 0 : i32
      %dma_wait3A_181 = tpu.memref_slice %arg5[%dma_wait3A_180] : memref<10240xf32, #tpu.memory_space<vmem_shared>> -> memref<10240xf32, #tpu.memory_space<vmem_shared>>
      tpu.wait_indirect_dma semaphore(%arg9 : memref<!tpu.dma_semaphore, #tpu.memory_space<semaphore_mem>>) src(%arg7 : memref<64xf32, #tpu.memory_space<vmem>>) dst(%dma_wait3A_181 : memref<10240xf32, #tpu.memory_space<vmem_shared>>)
      %mul3A_182 = arith.constant 9 : i32
      %mul3A_183 = arith.muli %scan3A_48, %mul3A_182 : i32
      %add3A_184 = arith.constant 6 : i32
      %add3A_185 = arith.addi %mul3A_183, %add3A_184 : i32
      %dma_wait3A_186 = arith.constant 0 : i32
      %dma_wait3A_187 = tpu.memref_slice %arg6[%add3A_185, %dma_wait3A_186] : memref<162x64xi32, #tpu.memory_space<vmem>> -> memref<1x64xi32, #tpu.memory_space<vmem>>
      %dma_wait3A_188 = tpu.memref_squeeze %dma_wait3A_187 : memref<1x64xi32, #tpu.memory_space<vmem>> -> memref<64xi32, #tpu.memory_space<vmem>>
      %dma_wait3A_189 = arith.constant 0 : i32
      %dma_wait3A_190 = tpu.memref_slice %arg5[%dma_wait3A_189] : memref<10240xf32, #tpu.memory_space<vmem_shared>> -> memref<10240xf32, #tpu.memory_space<vmem_shared>>
      tpu.wait_indirect_dma semaphore(%arg9 : memref<!tpu.dma_semaphore, #tpu.memory_space<semaphore_mem>>) src(%arg7 : memref<64xf32, #tpu.memory_space<vmem>>) dst(%dma_wait3A_190 : memref<10240xf32, #tpu.memory_space<vmem_shared>>)
      %mul3A_191 = arith.constant 9 : i32
      %mul3A_192 = arith.muli %scan3A_48, %mul3A_191 : i32
      %add3A_193 = arith.constant 7 : i32
      %add3A_194 = arith.addi %mul3A_192, %add3A_193 : i32
      %dma_wait3A_195 = arith.constant 0 : i32
      %dma_wait3A_196 = tpu.memref_slice %arg6[%add3A_194, %dma_wait3A_195] : memref<162x64xi32, #tpu.memory_space<vmem>> -> memref<1x64xi32, #tpu.memory_space<vmem>>
      %dma_wait3A_197 = tpu.memref_squeeze %dma_wait3A_196 : memref<1x64xi32, #tpu.memory_space<vmem>> -> memref<64xi32, #tpu.memory_space<vmem>>
      %dma_wait3A_198 = arith.constant 0 : i32
      %dma_wait3A_199 = tpu.memref_slice %arg5[%dma_wait3A_198] : memref<10240xf32, #tpu.memory_space<vmem_shared>> -> memref<10240xf32, #tpu.memory_space<vmem_shared>>
      tpu.wait_indirect_dma semaphore(%arg9 : memref<!tpu.dma_semaphore, #tpu.memory_space<semaphore_mem>>) src(%arg7 : memref<64xf32, #tpu.memory_space<vmem>>) dst(%dma_wait3A_199 : memref<10240xf32, #tpu.memory_space<vmem_shared>>)
      %mul3A_200 = arith.constant 9 : i32
      %mul3A_201 = arith.muli %scan3A_48, %mul3A_200 : i32
      %add3A_202 = arith.constant 8 : i32
      %add3A_203 = arith.addi %mul3A_201, %add3A_202 : i32
      %dma_wait3A_204 = arith.constant 0 : i32
      %dma_wait3A_205 = tpu.memref_slice %arg6[%add3A_203, %dma_wait3A_204] : memref<162x64xi32, #tpu.memory_space<vmem>> -> memref<1x64xi32, #tpu.memory_space<vmem>>
      %dma_wait3A_206 = tpu.memref_squeeze %dma_wait3A_205 : memref<1x64xi32, #tpu.memory_space<vmem>> -> memref<64xi32, #tpu.memory_space<vmem>>
      %dma_wait3A_207 = arith.constant 0 : i32
      %dma_wait3A_208 = tpu.memref_slice %arg5[%dma_wait3A_207] : memref<10240xf32, #tpu.memory_space<vmem_shared>> -> memref<10240xf32, #tpu.memory_space<vmem_shared>>
      tpu.wait_indirect_dma semaphore(%arg9 : memref<!tpu.dma_semaphore, #tpu.memory_space<semaphore_mem>>) src(%arg7 : memref<64xf32, #tpu.memory_space<vmem>>) dst(%dma_wait3A_208 : memref<10240xf32, #tpu.memory_space<vmem_shared>>)
    }
    %scan3A_37 = arith.constant 18 : i32
    %barrier3A_38 = arith.constant 0 : index
    tpu.barrier barrier_id(%barrier3A_38)
    %mul3A_39 = arith.constant 640 : i32
    %mul3A_40 = arith.muli %arg1, %mul3A_39 : i32
    "tpu.region"() ({
      %run_scoped3A = tpu.sem_alloc : memref<!tpu.dma_semaphore, #tpu.memory_space<semaphore_mem>>
      %dma_start3A = tpu.memref_slice %arg5[%mul3A_40] : memref<10240xf32, #tpu.memory_space<vmem_shared>> -> memref<640xf32, #tpu.memory_space<vmem_shared>>
      %dma_start3A_48 = tpu.memref_slice %arg5[%mul3A_40] : memref<10240xf32, #tpu.memory_space<vmem_shared>> -> memref<640xf32, #tpu.memory_space<vmem_shared>>
      tpu.enqueue_dma source(%dma_start3A_48 : memref<640xf32, #tpu.memory_space<vmem_shared>>) target(%arg8 : memref<640xf32, #tpu.memory_space<vmem>>) target_semaphore(%run_scoped3A : memref<!tpu.dma_semaphore, #tpu.memory_space<semaphore_mem>>)
      %dma_wait3A = tpu.memref_slice %arg5[%mul3A_40] : memref<10240xf32, #tpu.memory_space<vmem_shared>> -> memref<640xf32, #tpu.memory_space<vmem_shared>>
      %dma_wait3A_49 = tpu.memref_slice %arg5[%mul3A_40] : memref<10240xf32, #tpu.memory_space<vmem_shared>> -> memref<640xf32, #tpu.memory_space<vmem_shared>>
      tpu.wait_dma2 semaphore(%run_scoped3A : memref<!tpu.dma_semaphore, #tpu.memory_space<semaphore_mem>>) src(%dma_wait3A_49 : memref<640xf32, #tpu.memory_space<vmem_shared>>) dst(%arg8 : memref<640xf32, #tpu.memory_space<vmem>>)
      tpu.yield
    }) : () -> ()
    %eq3A = arith.constant 0 : i32
    %eq3A_41 = arith.cmpi eq, %arg0, %eq3A : i32
    %convert_element_type3A = arith.extui %eq3A_41 : i1 to i32
    %cond3A = arith.constant 0 : i32
    %cond3A_42 = arith.cmpi ne, %convert_element_type3A, %cond3A : i32
    scf.if %cond3A_42 {
      %mul3A_48 = arith.constant 640 : i32
      %mul3A_49 = arith.muli %arg1, %mul3A_48 : i32
      "tpu.region"() ({
        %run_scoped3A = tpu.sem_alloc : memref<!tpu.dma_semaphore, #tpu.memory_space<semaphore_mem>>
        %dma_start3A = tpu.memref_slice %arg3[%mul3A_49] : memref<10240xf32, #tpu.memory_space<hbm>> -> memref<640xf32, #tpu.memory_space<hbm>>
        %dma_start3A_50 = tpu.memref_slice %arg3[%mul3A_49] : memref<10240xf32, #tpu.memory_space<hbm>> -> memref<640xf32, #tpu.memory_space<hbm>>
        tpu.enqueue_dma source(%arg8 : memref<640xf32, #tpu.memory_space<vmem>>) target(%dma_start3A_50 : memref<640xf32, #tpu.memory_space<hbm>>) target_semaphore(%run_scoped3A : memref<!tpu.dma_semaphore, #tpu.memory_space<semaphore_mem>>)
        %dma_wait3A = tpu.memref_slice %arg3[%mul3A_49] : memref<10240xf32, #tpu.memory_space<hbm>> -> memref<640xf32, #tpu.memory_space<hbm>>
        %dma_wait3A_51 = tpu.memref_slice %arg3[%mul3A_49] : memref<10240xf32, #tpu.memory_space<hbm>> -> memref<640xf32, #tpu.memory_space<hbm>>
        tpu.wait_dma2 semaphore(%run_scoped3A : memref<!tpu.dma_semaphore, #tpu.memory_space<semaphore_mem>>) src(%arg8 : memref<640xf32, #tpu.memory_space<vmem>>) dst(%dma_wait3A_51 : memref<640xf32, #tpu.memory_space<hbm>>)
        tpu.yield
      }) : () -> ()
    } else {
    }
    %eq3A_43 = arith.constant 1 : i32
    %eq3A_44 = arith.cmpi eq, %arg0, %eq3A_43 : i32
    %convert_element_type3A_45 = arith.extui %eq3A_44 : i1 to i32
    %cond3A_46 = arith.constant 0 : i32
    %cond3A_47 = arith.cmpi ne, %convert_element_type3A_45, %cond3A_46 : i32
    scf.if %cond3A_47 {
      %mul3A_48 = arith.constant 640 : i32
      %mul3A_49 = arith.muli %arg1, %mul3A_48 : i32
      "tpu.region"() ({
        %run_scoped3A = tpu.sem_alloc : memref<!tpu.dma_semaphore, #tpu.memory_space<semaphore_mem>>
        %dma_start3A = tpu.memref_slice %arg4[%mul3A_49] : memref<10240xf32, #tpu.memory_space<hbm>> -> memref<640xf32, #tpu.memory_space<hbm>>
        %dma_start3A_50 = tpu.memref_slice %arg4[%mul3A_49] : memref<10240xf32, #tpu.memory_space<hbm>> -> memref<640xf32, #tpu.memory_space<hbm>>
        tpu.enqueue_dma source(%arg8 : memref<640xf32, #tpu.memory_space<vmem>>) target(%dma_start3A_50 : memref<640xf32, #tpu.memory_space<hbm>>) target_semaphore(%run_scoped3A : memref<!tpu.dma_semaphore, #tpu.memory_space<semaphore_mem>>)
        %dma_wait3A = tpu.memref_slice %arg4[%mul3A_49] : memref<10240xf32, #tpu.memory_space<hbm>> -> memref<640xf32, #tpu.memory_space<hbm>>
        %dma_wait3A_51 = tpu.memref_slice %arg4[%mul3A_49] : memref<10240xf32, #tpu.memory_space<hbm>> -> memref<640xf32, #tpu.memory_space<hbm>>
        tpu.wait_dma2 semaphore(%run_scoped3A : memref<!tpu.dma_semaphore, #tpu.memory_space<semaphore_mem>>) src(%arg8 : memref<640xf32, #tpu.memory_space<vmem>>) dst(%dma_wait3A_51 : memref<640xf32, #tpu.memory_space<hbm>>)
        tpu.yield
      }) : () -> ()
    } else {
    }
    return
  }
}

#map = affine_map<(d0, d1) -> (0, 0)>
#map1 = affine_map<(d0, d1) -> (0, 0, 0)>
module attributes {stable_mosaic.version = 14 : i64} {
  func.func @_conv_body(%arg0: i32, %arg1: i32, %arg2: memref<5184x64xi32, #tpu.memory_space<hbm>>, %arg3: memref<5184x64xi32, #tpu.memory_space<hbm>>, %arg4: memref<2x10000x128xf32, #tpu.memory_space<hbm>>, %arg5: memref<2x10032x128xf32, #tpu.memory_space<hbm>>, %arg6: memref<2x6x64xi32, #tpu.memory_space<vmem>>, %arg7: memref<2x6x64xi32, #tpu.memory_space<vmem>>, %arg8: memref<10032x128xf32, #tpu.memory_space<vmem_shared>>, %arg9: memref<6x64x128xf32, #tpu.memory_space<vmem>>, %arg10: memref<6x!tpu.dma_semaphore, #tpu.memory_space<semaphore_mem>>, %arg11: memref<6x!tpu.dma_semaphore, #tpu.memory_space<semaphore_mem>>, %arg12: memref<2x!tpu.dma_semaphore, #tpu.memory_space<semaphore_mem>>) attributes {dimension_semantics = [#tpu.dimension_semantics<core_parallel>, #tpu.dimension_semantics<subcore_parallel>], iteration_bounds = array<i64: 2, 16>, scalar_prefetch = 0 : i64, scratch_operands = 7 : i64, tpu.core_type = #tpu.core_type<sc_vector_subcore>, window_params = [{transform_indices = #map}, {transform_indices = #map}, {transform_indices = #map1}, {transform_indices = #map1}]} {
    %mul3A = arith.constant 324 : i32
    %mul3A_0 = arith.muli %arg1, %mul3A : i32
    %dma_start3A = arith.constant 0 : i32
    %dma_start3A_1 = arith.constant 0 : i32
    %dma_start3A_2 = arith.constant 0 : i32
    %dma_start3A_3 = arith.constant 0 : i32
    %dma_start3A_4 = tpu.memref_slice %arg6[%dma_start3A, %dma_start3A_2, %dma_start3A_3] : memref<2x6x64xi32, #tpu.memory_space<vmem>> -> memref<1x6x64xi32, #tpu.memory_space<vmem>>
    %dma_start3A_5 = tpu.memref_squeeze %dma_start3A_4 : memref<1x6x64xi32, #tpu.memory_space<vmem>> -> memref<6x64xi32, #tpu.memory_space<vmem>>
    %dma_start3A_6 = arith.constant 0 : i32
    %dma_start3A_7 = tpu.memref_slice %arg2[%mul3A_0, %dma_start3A_6] : memref<5184x64xi32, #tpu.memory_space<hbm>> -> memref<6x64xi32, #tpu.memory_space<hbm>>
    %dma_start3A_8 = tpu.memref_slice %arg12[%dma_start3A_1] : memref<2x!tpu.dma_semaphore, #tpu.memory_space<semaphore_mem>> -> memref<1x!tpu.dma_semaphore, #tpu.memory_space<semaphore_mem>>
    %dma_start3A_9 = tpu.memref_squeeze %dma_start3A_8 : memref<1x!tpu.dma_semaphore, #tpu.memory_space<semaphore_mem>> -> memref<!tpu.dma_semaphore, #tpu.memory_space<semaphore_mem>>
    %dma_start3A_10 = arith.constant 0 : i32
    %dma_start3A_11 = arith.constant 0 : i32
    %dma_start3A_12 = tpu.memref_slice %arg6[%dma_start3A, %dma_start3A_10, %dma_start3A_11] : memref<2x6x64xi32, #tpu.memory_space<vmem>> -> memref<1x6x64xi32, #tpu.memory_space<vmem>>
    %dma_start3A_13 = tpu.memref_squeeze %dma_start3A_12 : memref<1x6x64xi32, #tpu.memory_space<vmem>> -> memref<6x64xi32, #tpu.memory_space<vmem>>
    %dma_start3A_14 = arith.constant 0 : i32
    %dma_start3A_15 = tpu.memref_slice %arg2[%mul3A_0, %dma_start3A_14] : memref<5184x64xi32, #tpu.memory_space<hbm>> -> memref<6x64xi32, #tpu.memory_space<hbm>>
    tpu.enqueue_dma source(%dma_start3A_15 : memref<6x64xi32, #tpu.memory_space<hbm>>) target(%dma_start3A_13 : memref<6x64xi32, #tpu.memory_space<vmem>>) target_semaphore(%dma_start3A_9 : memref<!tpu.dma_semaphore, #tpu.memory_space<semaphore_mem>>)
    %dma_start3A_16 = arith.constant 0 : i32
    %dma_start3A_17 = arith.constant 0 : i32
    %dma_start3A_18 = arith.constant 0 : i32
    %dma_start3A_19 = arith.constant 0 : i32
    %dma_start3A_20 = tpu.memref_slice %arg7[%dma_start3A_16, %dma_start3A_18, %dma_start3A_19] : memref<2x6x64xi32, #tpu.memory_space<vmem>> -> memref<1x6x64xi32, #tpu.memory_space<vmem>>
    %dma_start3A_21 = tpu.memref_squeeze %dma_start3A_20 : memref<1x6x64xi32, #tpu.memory_space<vmem>> -> memref<6x64xi32, #tpu.memory_space<vmem>>
    %dma_start3A_22 = arith.constant 0 : i32
    %dma_start3A_23 = tpu.memref_slice %arg3[%mul3A_0, %dma_start3A_22] : memref<5184x64xi32, #tpu.memory_space<hbm>> -> memref<6x64xi32, #tpu.memory_space<hbm>>
    %dma_start3A_24 = tpu.memref_slice %arg12[%dma_start3A_17] : memref<2x!tpu.dma_semaphore, #tpu.memory_space<semaphore_mem>> -> memref<1x!tpu.dma_semaphore, #tpu.memory_space<semaphore_mem>>
    %dma_start3A_25 = tpu.memref_squeeze %dma_start3A_24 : memref<1x!tpu.dma_semaphore, #tpu.memory_space<semaphore_mem>> -> memref<!tpu.dma_semaphore, #tpu.memory_space<semaphore_mem>>
    %dma_start3A_26 = arith.constant 0 : i32
    %dma_start3A_27 = arith.constant 0 : i32
    %dma_start3A_28 = tpu.memref_slice %arg7[%dma_start3A_16, %dma_start3A_26, %dma_start3A_27] : memref<2x6x64xi32, #tpu.memory_space<vmem>> -> memref<1x6x64xi32, #tpu.memory_space<vmem>>
    %dma_start3A_29 = tpu.memref_squeeze %dma_start3A_28 : memref<1x6x64xi32, #tpu.memory_space<vmem>> -> memref<6x64xi32, #tpu.memory_space<vmem>>
    %dma_start3A_30 = arith.constant 0 : i32
    %dma_start3A_31 = tpu.memref_slice %arg3[%mul3A_0, %dma_start3A_30] : memref<5184x64xi32, #tpu.memory_space<hbm>> -> memref<6x64xi32, #tpu.memory_space<hbm>>
    tpu.enqueue_dma source(%dma_start3A_31 : memref<6x64xi32, #tpu.memory_space<hbm>>) target(%dma_start3A_29 : memref<6x64xi32, #tpu.memory_space<vmem>>) target_semaphore(%dma_start3A_25 : memref<!tpu.dma_semaphore, #tpu.memory_space<semaphore_mem>>)
    %scan3A = arith.constant 0 : i32
    %scan3A_32 = arith.constant 0 : i32
    %scan3A_33 = arith.constant 57 : i32
    %scan3A_34 = arith.addi %scan3A_32, %scan3A_33 : i32
    %scan3A_35 = arith.constant 1 : i32
    scf.for %scan3A_146 = %scan3A_32 to %scan3A_34 step %scan3A_35  : i32 {
      %broadcast_in_dim3A = arith.constant 0.000000e+00 : f32
      %broadcast_in_dim3A_147 = vector.broadcast %broadcast_in_dim3A : f32 to vector<16xf32>
      %swap3A = arith.constant 0 : i32
      %swap3A_148 = arith.index_cast %swap3A : i32 to index
      %swap3A_149 = arith.index_cast %scan3A_146 : i32 to index
      %swap3A_150 = arith.constant 0 : index
      %swap3A_151 = tpu.vector_load %arg9[%swap3A_148, %swap3A_149, %swap3A_150] {strides = array<i32>} : memref<6x64x128xf32, #tpu.memory_space<vmem>>, vector<1x1x16xf32>,
      %swap3A_152 = vector.shape_cast %swap3A_151 : vector<1x1x16xf32> to vector<16xf32>
      %swap3A_153 = vector.shape_cast %broadcast_in_dim3A_147 : vector<16xf32> to vector<1x1x16xf32>
      tpu.vector_store %arg9[%swap3A_148, %swap3A_149, %swap3A_150], %swap3A_153 {strides = array<i32>} : memref<6x64x128xf32, #tpu.memory_space<vmem>>, vector<1x1x16xf32>,
      %broadcast_in_dim3A_154 = arith.constant 0.000000e+00 : f32
      %broadcast_in_dim3A_155 = vector.broadcast %broadcast_in_dim3A_154 : f32 to vector<16xf32>
      %swap3A_156 = arith.constant 0 : i32
      %swap3A_157 = arith.index_cast %swap3A_156 : i32 to index
      %swap3A_158 = arith.index_cast %scan3A_146 : i32 to index
      %swap3A_159 = arith.constant 16 : index
      %swap3A_160 = tpu.vector_load %arg9[%swap3A_157, %swap3A_158, %swap3A_159] {strides = array<i32>} : memref<6x64x128xf32, #tpu.memory_space<vmem>>, vector<1x1x16xf32>,
      %swap3A_161 = vector.shape_cast %swap3A_160 : vector<1x1x16xf32> to vector<16xf32>
      %swap3A_162 = vector.shape_cast %broadcast_in_dim3A_155 : vector<16xf32> to vector<1x1x16xf32>
      tpu.vector_store %arg9[%swap3A_157, %swap3A_158, %swap3A_159], %swap3A_162 {strides = array<i32>} : memref<6x64x128xf32, #tpu.memory_space<vmem>>, vector<1x1x16xf32>,
      %broadcast_in_dim3A_163 = arith.constant 0.000000e+00 : f32
      %broadcast_in_dim3A_164 = vector.broadcast %broadcast_in_dim3A_163 : f32 to vector<16xf32>
      %swap3A_165 = arith.constant 0 : i32
      %swap3A_166 = arith.index_cast %swap3A_165 : i32 to index
      %swap3A_167 = arith.index_cast %scan3A_146 : i32 to index
      %swap3A_168 = arith.constant 32 : index
      %swap3A_169 = tpu.vector_load %arg9[%swap3A_166, %swap3A_167, %swap3A_168] {strides = array<i32>} : memref<6x64x128xf32, #tpu.memory_space<vmem>>, vector<1x1x16xf32>,
      %swap3A_170 = vector.shape_cast %swap3A_169 : vector<1x1x16xf32> to vector<16xf32>
      %swap3A_171 = vector.shape_cast %broadcast_in_dim3A_164 : vector<16xf32> to vector<1x1x16xf32>
      tpu.vector_store %arg9[%swap3A_166, %swap3A_167, %swap3A_168], %swap3A_171 {strides = array<i32>} : memref<6x64x128xf32, #tpu.memory_space<vmem>>, vector<1x1x16xf32>,
      %broadcast_in_dim3A_172 = arith.constant 0.000000e+00 : f32
      %broadcast_in_dim3A_173 = vector.broadcast %broadcast_in_dim3A_172 : f32 to vector<16xf32>
      %swap3A_174 = arith.constant 0 : i32
      %swap3A_175 = arith.index_cast %swap3A_174 : i32 to index
      %swap3A_176 = arith.index_cast %scan3A_146 : i32 to index
      %swap3A_177 = arith.constant 48 : index
      %swap3A_178 = tpu.vector_load %arg9[%swap3A_175, %swap3A_176, %swap3A_177] {strides = array<i32>} : memref<6x64x128xf32, #tpu.memory_space<vmem>>, vector<1x1x16xf32>,
      %swap3A_179 = vector.shape_cast %swap3A_178 : vector<1x1x16xf32> to vector<16xf32>
      %swap3A_180 = vector.shape_cast %broadcast_in_dim3A_173 : vector<16xf32> to vector<1x1x16xf32>
      tpu.vector_store %arg9[%swap3A_175, %swap3A_176, %swap3A_177], %swap3A_180 {strides = array<i32>} : memref<6x64x128xf32, #tpu.memory_space<vmem>>, vector<1x1x16xf32>,
      %broadcast_in_dim3A_181 = arith.constant 0.000000e+00 : f32
      %broadcast_in_dim3A_182 = vector.broadcast %broadcast_in_dim3A_181 : f32 to vector<16xf32>
      %swap3A_183 = arith.constant 0 : i32
      %swap3A_184 = arith.index_cast %swap3A_183 : i32 to index
      %swap3A_185 = arith.index_cast %scan3A_146 : i32 to index
      %swap3A_186 = arith.constant 64 : index
      %swap3A_187 = tpu.vector_load %arg9[%swap3A_184, %swap3A_185, %swap3A_186] {strides = array<i32>} : memref<6x64x128xf32, #tpu.memory_space<vmem>>, vector<1x1x16xf32>,
      %swap3A_188 = vector.shape_cast %swap3A_187 : vector<1x1x16xf32> to vector<16xf32>
      %swap3A_189 = vector.shape_cast %broadcast_in_dim3A_182 : vector<16xf32> to vector<1x1x16xf32>
      tpu.vector_store %arg9[%swap3A_184, %swap3A_185, %swap3A_186], %swap3A_189 {strides = array<i32>} : memref<6x64x128xf32, #tpu.memory_space<vmem>>, vector<1x1x16xf32>,
      %broadcast_in_dim3A_190 = arith.constant 0.000000e+00 : f32
      %broadcast_in_dim3A_191 = vector.broadcast %broadcast_in_dim3A_190 : f32 to vector<16xf32>
      %swap3A_192 = arith.constant 0 : i32
      %swap3A_193 = arith.index_cast %swap3A_192 : i32 to index
      %swap3A_194 = arith.index_cast %scan3A_146 : i32 to index
      %swap3A_195 = arith.constant 80 : index
      %swap3A_196 = tpu.vector_load %arg9[%swap3A_193, %swap3A_194, %swap3A_195] {strides = array<i32>} : memref<6x64x128xf32, #tpu.memory_space<vmem>>, vector<1x1x16xf32>,
      %swap3A_197 = vector.shape_cast %swap3A_196 : vector<1x1x16xf32> to vector<16xf32>
      %swap3A_198 = vector.shape_cast %broadcast_in_dim3A_191 : vector<16xf32> to vector<1x1x16xf32>
      tpu.vector_store %arg9[%swap3A_193, %swap3A_194, %swap3A_195], %swap3A_198 {strides = array<i32>} : memref<6x64x128xf32, #tpu.memory_space<vmem>>, vector<1x1x16xf32>,
      %broadcast_in_dim3A_199 = arith.constant 0.000000e+00 : f32
      %broadcast_in_dim3A_200 = vector.broadcast %broadcast_in_dim3A_199 : f32 to vector<16xf32>
      %swap3A_201 = arith.constant 0 : i32
      %swap3A_202 = arith.index_cast %swap3A_201 : i32 to index
      %swap3A_203 = arith.index_cast %scan3A_146 : i32 to index
      %swap3A_204 = arith.constant 96 : index
      %swap3A_205 = tpu.vector_load %arg9[%swap3A_202, %swap3A_203, %swap3A_204] {strides = array<i32>} : memref<6x64x128xf32, #tpu.memory_space<vmem>>, vector<1x1x16xf32>,
      %swap3A_206 = vector.shape_cast %swap3A_205 : vector<1x1x16xf32> to vector<16xf32>
      %swap3A_207 = vector.shape_cast %broadcast_in_dim3A_200 : vector<16xf32> to vector<1x1x16xf32>
      tpu.vector_store %arg9[%swap3A_202, %swap3A_203, %swap3A_204], %swap3A_207 {strides = array<i32>} : memref<6x64x128xf32, #tpu.memory_space<vmem>>, vector<1x1x16xf32>,
      %broadcast_in_dim3A_208 = arith.constant 0.000000e+00 : f32
      %broadcast_in_dim3A_209 = vector.broadcast %broadcast_in_dim3A_208 : f32 to vector<16xf32>
      %swap3A_210 = arith.constant 0 : i32
      %swap3A_211 = arith.index_cast %swap3A_210 : i32 to index
      %swap3A_212 = arith.index_cast %scan3A_146 : i32 to index
      %swap3A_213 = arith.constant 112 : index
      %swap3A_214 = tpu.vector_load %arg9[%swap3A_211, %swap3A_212, %swap3A_213] {strides = array<i32>} : memref<6x64x128xf32, #tpu.memory_space<vmem>>, vector<1x1x16xf32>,
      %swap3A_215 = vector.shape_cast %swap3A_214 : vector<1x1x16xf32> to vector<16xf32>
      %swap3A_216 = vector.shape_cast %broadcast_in_dim3A_209 : vector<16xf32> to vector<1x1x16xf32>
      tpu.vector_store %arg9[%swap3A_211, %swap3A_212, %swap3A_213], %swap3A_216 {strides = array<i32>} : memref<6x64x128xf32, #tpu.memory_space<vmem>>, vector<1x1x16xf32>,
    }
    %scan3A_36 = arith.constant 57 : i32
    %scan3A_37 = arith.constant 0 : i32
    %scan3A_38 = arith.constant 0 : i32
    %scan3A_39 = arith.constant 11 : i32
    %scan3A_40 = arith.addi %scan3A_38, %scan3A_39 : i32
    %scan3A_41 = arith.constant 1 : i32
    scf.for %scan3A_146 = %scan3A_38 to %scan3A_40 step %scan3A_41  : i32 {
      %mul3A_147 = arith.constant 627 : i32
      %mul3A_148 = arith.muli %arg1, %mul3A_147 : i32
      %mul3A_149 = arith.constant 57 : i32
      %mul3A_150 = arith.muli %scan3A_146, %mul3A_149 : i32
      %add3A_151 = arith.addi %mul3A_148, %mul3A_150 : i32
      %dma_start3A_152 = arith.constant 0 : i32
      %dma_start3A_153 = arith.constant 0 : i32
      %dma_start3A_154 = arith.constant 0 : i32
      %dma_start3A_155 = arith.constant 0 : i32
      %dma_start3A_156 = tpu.memref_slice %arg9[%dma_start3A_152, %dma_start3A_154, %dma_start3A_155] : memref<6x64x128xf32, #tpu.memory_space<vmem>> -> memref<1x57x128xf32, #tpu.memory_space<vmem>>
      %dma_start3A_157 = tpu.memref_squeeze %dma_start3A_156 : memref<1x57x128xf32, #tpu.memory_space<vmem>> -> memref<57x128xf32, #tpu.memory_space<vmem>>
      %dma_start3A_158 = arith.constant 0 : i32
      %dma_start3A_159 = tpu.memref_slice %arg8[%add3A_151, %dma_start3A_158] : memref<10032x128xf32, #tpu.memory_space<vmem_shared>> -> memref<57x128xf32, #tpu.memory_space<vmem_shared>>
      %dma_start3A_160 = tpu.memref_slice %arg11[%dma_start3A_153] : memref<6x!tpu.dma_semaphore, #tpu.memory_space<semaphore_mem>> -> memref<1x!tpu.dma_semaphore, #tpu.memory_space<semaphore_mem>>
      %dma_start3A_161 = tpu.memref_squeeze %dma_start3A_160 : memref<1x!tpu.dma_semaphore, #tpu.memory_space<semaphore_mem>> -> memref<!tpu.dma_semaphore, #tpu.memory_space<semaphore_mem>>
      %dma_start3A_162 = arith.constant 0 : i32
      %dma_start3A_163 = tpu.memref_slice %arg8[%add3A_151, %dma_start3A_162] : memref<10032x128xf32, #tpu.memory_space<vmem_shared>> -> memref<57x128xf32, #tpu.memory_space<vmem_shared>>
      %dma_start3A_164 = arith.constant 0 : i32
      %dma_start3A_165 = arith.constant 0 : i32
      %dma_start3A_166 = tpu.memref_slice %arg9[%dma_start3A_152, %dma_start3A_164, %dma_start3A_165] : memref<6x64x128xf32, #tpu.memory_space<vmem>> -> memref<1x57x128xf32, #tpu.memory_space<vmem>>
      %dma_start3A_167 = tpu.memref_squeeze %dma_start3A_166 : memref<1x57x128xf32, #tpu.memory_space<vmem>> -> memref<57x128xf32, #tpu.memory_space<vmem>>
      tpu.enqueue_dma source(%dma_start3A_167 : memref<57x128xf32, #tpu.memory_space<vmem>>) target(%dma_start3A_163 : memref<57x128xf32, #tpu.memory_space<vmem_shared>>) target_semaphore(%dma_start3A_161 : memref<!tpu.dma_semaphore, #tpu.memory_space<semaphore_mem>>)
    }
    %scan3A_42 = arith.constant 11 : i32
    %scan3A_43 = arith.constant 0 : i32
    %scan3A_44 = arith.constant 0 : i32
    %scan3A_45 = arith.constant 11 : i32
    %scan3A_46 = arith.addi %scan3A_44, %scan3A_45 : i32
    %scan3A_47 = arith.constant 1 : i32
    scf.for %scan3A_146 = %scan3A_44 to %scan3A_46 step %scan3A_47  : i32 {
      %mul3A_147 = arith.constant 627 : i32
      %mul3A_148 = arith.muli %arg1, %mul3A_147 : i32
      %dma_wait3A_149 = arith.constant 0 : i32
      %dma_wait3A_150 = arith.constant 0 : i32
      %dma_wait3A_151 = arith.constant 0 : i32
      %dma_wait3A_152 = arith.constant 0 : i32
      %dma_wait3A_153 = tpu.memref_slice %arg9[%dma_wait3A_149, %dma_wait3A_151, %dma_wait3A_152] : memref<6x64x128xf32, #tpu.memory_space<vmem>> -> memref<1x57x128xf32, #tpu.memory_space<vmem>>
      %dma_wait3A_154 = tpu.memref_squeeze %dma_wait3A_153 : memref<1x57x128xf32, #tpu.memory_space<vmem>> -> memref<57x128xf32, #tpu.memory_space<vmem>>
      %dma_wait3A_155 = arith.constant 0 : i32
      %dma_wait3A_156 = tpu.memref_slice %arg8[%mul3A_148, %dma_wait3A_155] : memref<10032x128xf32, #tpu.memory_space<vmem_shared>> -> memref<57x128xf32, #tpu.memory_space<vmem_shared>>
      %dma_wait3A_157 = tpu.memref_slice %arg11[%dma_wait3A_150] : memref<6x!tpu.dma_semaphore, #tpu.memory_space<semaphore_mem>> -> memref<1x!tpu.dma_semaphore, #tpu.memory_space<semaphore_mem>>
      %dma_wait3A_158 = tpu.memref_squeeze %dma_wait3A_157 : memref<1x!tpu.dma_semaphore, #tpu.memory_space<semaphore_mem>> -> memref<!tpu.dma_semaphore, #tpu.memory_space<semaphore_mem>>
      %dma_wait3A_159 = arith.constant 0 : i32
      %dma_wait3A_160 = tpu.memref_slice %arg8[%mul3A_148, %dma_wait3A_159] : memref<10032x128xf32, #tpu.memory_space<vmem_shared>> -> memref<57x128xf32, #tpu.memory_space<vmem_shared>>
      %dma_wait3A_161 = arith.constant 0 : i32
      %dma_wait3A_162 = arith.constant 0 : i32
      %dma_wait3A_163 = tpu.memref_slice %arg9[%dma_wait3A_149, %dma_wait3A_161, %dma_wait3A_162] : memref<6x64x128xf32, #tpu.memory_space<vmem>> -> memref<1x57x128xf32, #tpu.memory_space<vmem>>
      %dma_wait3A_164 = tpu.memref_squeeze %dma_wait3A_163 : memref<1x57x128xf32, #tpu.memory_space<vmem>> -> memref<57x128xf32, #tpu.memory_space<vmem>>
      tpu.wait_dma2 semaphore(%dma_wait3A_158 : memref<!tpu.dma_semaphore, #tpu.memory_space<semaphore_mem>>) src(%dma_wait3A_164 : memref<57x128xf32, #tpu.memory_space<vmem>>) dst(%dma_wait3A_160 : memref<57x128xf32, #tpu.memory_space<vmem_shared>>)
    }
    %scan3A_48 = arith.constant 11 : i32
    %barrier3A = arith.constant 0 : index
    tpu.barrier barrier_id(%barrier3A)
    %dma_wait3A = arith.constant 0 : i32
    %dma_wait3A_49 = arith.constant 0 : i32
    %dma_wait3A_50 = arith.constant 0 : i32
    %dma_wait3A_51 = arith.constant 0 : i32
    %dma_wait3A_52 = tpu.memref_slice %arg6[%dma_wait3A, %dma_wait3A_50, %dma_wait3A_51] : memref<2x6x64xi32, #tpu.memory_space<vmem>> -> memref<1x6x64xi32, #tpu.memory_space<vmem>>
    %dma_wait3A_53 = tpu.memref_squeeze %dma_wait3A_52 : memref<1x6x64xi32, #tpu.memory_space<vmem>> -> memref<6x64xi32, #tpu.memory_space<vmem>>
    %dma_wait3A_54 = arith.constant 0 : i32
    %dma_wait3A_55 = tpu.memref_slice %arg2[%mul3A_0, %dma_wait3A_54] : memref<5184x64xi32, #tpu.memory_space<hbm>> -> memref<6x64xi32, #tpu.memory_space<hbm>>
    %dma_wait3A_56 = tpu.memref_slice %arg12[%dma_wait3A_49] : memref<2x!tpu.dma_semaphore, #tpu.memory_space<semaphore_mem>> -> memref<1x!tpu.dma_semaphore, #tpu.memory_space<semaphore_mem>>
    %dma_wait3A_57 = tpu.memref_squeeze %dma_wait3A_56 : memref<1x!tpu.dma_semaphore, #tpu.memory_space<semaphore_mem>> -> memref<!tpu.dma_semaphore, #tpu.memory_space<semaphore_mem>>
    %dma_wait3A_58 = arith.constant 0 : i32
    %dma_wait3A_59 = arith.constant 0 : i32
    %dma_wait3A_60 = tpu.memref_slice %arg6[%dma_wait3A, %dma_wait3A_58, %dma_wait3A_59] : memref<2x6x64xi32, #tpu.memory_space<vmem>> -> memref<1x6x64xi32, #tpu.memory_space<vmem>>
    %dma_wait3A_61 = tpu.memref_squeeze %dma_wait3A_60 : memref<1x6x64xi32, #tpu.memory_space<vmem>> -> memref<6x64xi32, #tpu.memory_space<vmem>>
    %dma_wait3A_62 = arith.constant 0 : i32
    %dma_wait3A_63 = tpu.memref_slice %arg2[%mul3A_0, %dma_wait3A_62] : memref<5184x64xi32, #tpu.memory_space<hbm>> -> memref<6x64xi32, #tpu.memory_space<hbm>>
    tpu.wait_dma2 semaphore(%dma_wait3A_57 : memref<!tpu.dma_semaphore, #tpu.memory_space<semaphore_mem>>) src(%dma_wait3A_63 : memref<6x64xi32, #tpu.memory_space<hbm>>) dst(%dma_wait3A_61 : memref<6x64xi32, #tpu.memory_space<vmem>>)
    %dma_wait3A_64 = arith.constant 0 : i32
    %dma_wait3A_65 = arith.constant 0 : i32
    %dma_wait3A_66 = arith.constant 0 : i32
    %dma_wait3A_67 = arith.constant 0 : i32
    %dma_wait3A_68 = tpu.memref_slice %arg7[%dma_wait3A_64, %dma_wait3A_66, %dma_wait3A_67] : memref<2x6x64xi32, #tpu.memory_space<vmem>> -> memref<1x6x64xi32, #tpu.memory_space<vmem>>
    %dma_wait3A_69 = tpu.memref_squeeze %dma_wait3A_68 : memref<1x6x64xi32, #tpu.memory_space<vmem>> -> memref<6x64xi32, #tpu.memory_space<vmem>>
    %dma_wait3A_70 = arith.constant 0 : i32
    %dma_wait3A_71 = tpu.memref_slice %arg3[%mul3A_0, %dma_wait3A_70] : memref<5184x64xi32, #tpu.memory_space<hbm>> -> memref<6x64xi32, #tpu.memory_space<hbm>>
    %dma_wait3A_72 = tpu.memref_slice %arg12[%dma_wait3A_65] : memref<2x!tpu.dma_semaphore, #tpu.memory_space<semaphore_mem>> -> memref<1x!tpu.dma_semaphore, #tpu.memory_space<semaphore_mem>>
    %dma_wait3A_73 = tpu.memref_squeeze %dma_wait3A_72 : memref<1x!tpu.dma_semaphore, #tpu.memory_space<semaphore_mem>> -> memref<!tpu.dma_semaphore, #tpu.memory_space<semaphore_mem>>
    %dma_wait3A_74 = arith.constant 0 : i32
    %dma_wait3A_75 = arith.constant 0 : i32
    %dma_wait3A_76 = tpu.memref_slice %arg7[%dma_wait3A_64, %dma_wait3A_74, %dma_wait3A_75] : memref<2x6x64xi32, #tpu.memory_space<vmem>> -> memref<1x6x64xi32, #tpu.memory_space<vmem>>
    %dma_wait3A_77 = tpu.memref_squeeze %dma_wait3A_76 : memref<1x6x64xi32, #tpu.memory_space<vmem>> -> memref<6x64xi32, #tpu.memory_space<vmem>>
    %dma_wait3A_78 = arith.constant 0 : i32
    %dma_wait3A_79 = tpu.memref_slice %arg3[%mul3A_0, %dma_wait3A_78] : memref<5184x64xi32, #tpu.memory_space<hbm>> -> memref<6x64xi32, #tpu.memory_space<hbm>>
    tpu.wait_dma2 semaphore(%dma_wait3A_73 : memref<!tpu.dma_semaphore, #tpu.memory_space<semaphore_mem>>) src(%dma_wait3A_79 : memref<6x64xi32, #tpu.memory_space<hbm>>) dst(%dma_wait3A_77 : memref<6x64xi32, #tpu.memory_space<vmem>>)
    %add3A = arith.constant 6 : i32
    %add3A_80 = arith.addi %mul3A_0, %add3A : i32
    %dma_start3A_81 = arith.constant 1 : i32
    %dma_start3A_82 = arith.constant 1 : i32
    %dma_start3A_83 = arith.constant 0 : i32
    %dma_start3A_84 = arith.constant 0 : i32
    %dma_start3A_85 = tpu.memref_slice %arg6[%dma_start3A_81, %dma_start3A_83, %dma_start3A_84] : memref<2x6x64xi32, #tpu.memory_space<vmem>> -> memref<1x6x64xi32, #tpu.memory_space<vmem>>
    %dma_start3A_86 = tpu.memref_squeeze %dma_start3A_85 : memref<1x6x64xi32, #tpu.memory_space<vmem>> -> memref<6x64xi32, #tpu.memory_space<vmem>>
    %dma_start3A_87 = arith.constant 0 : i32
    %dma_start3A_88 = tpu.memref_slice %arg2[%add3A_80, %dma_start3A_87] : memref<5184x64xi32, #tpu.memory_space<hbm>> -> memref<6x64xi32, #tpu.memory_space<hbm>>
    %dma_start3A_89 = tpu.memref_slice %arg12[%dma_start3A_82] : memref<2x!tpu.dma_semaphore, #tpu.memory_space<semaphore_mem>> -> memref<1x!tpu.dma_semaphore, #tpu.memory_space<semaphore_mem>>
    %dma_start3A_90 = tpu.memref_squeeze %dma_start3A_89 : memref<1x!tpu.dma_semaphore, #tpu.memory_space<semaphore_mem>> -> memref<!tpu.dma_semaphore, #tpu.memory_space<semaphore_mem>>
    %dma_start3A_91 = arith.constant 0 : i32
    %dma_start3A_92 = arith.constant 0 : i32
    %dma_start3A_93 = tpu.memref_slice %arg6[%dma_start3A_81, %dma_start3A_91, %dma_start3A_92] : memref<2x6x64xi32, #tpu.memory_space<vmem>> -> memref<1x6x64xi32, #tpu.memory_space<vmem>>
    %dma_start3A_94 = tpu.memref_squeeze %dma_start3A_93 : memref<1x6x64xi32, #tpu.memory_space<vmem>> -> memref<6x64xi32, #tpu.memory_space<vmem>>
    %dma_start3A_95 = arith.constant 0 : i32
    %dma_start3A_96 = tpu.memref_slice %arg2[%add3A_80, %dma_start3A_95] : memref<5184x64xi32, #tpu.memory_space<hbm>> -> memref<6x64xi32, #tpu.memory_space<hbm>>
    tpu.enqueue_dma source(%dma_start3A_96 : memref<6x64xi32, #tpu.memory_space<hbm>>) target(%dma_start3A_94 : memref<6x64xi32, #tpu.memory_space<vmem>>) target_semaphore(%dma_start3A_90 : memref<!tpu.dma_semaphore, #tpu.memory_space<semaphore_mem>>)
    %add3A_97 = arith.constant 6 : i32
    %add3A_98 = arith.addi %mul3A_0, %add3A_97 : i32
    %dma_start3A_99 = arith.constant 1 : i32
    %dma_start3A_100 = arith.constant 1 : i32
    %dma_start3A_101 = arith.constant 0 : i32
    %dma_start3A_102 = arith.constant 0 : i32
    %dma_start3A_103 = tpu.memref_slice %arg7[%dma_start3A_99, %dma_start3A_101, %dma_start3A_102] : memref<2x6x64xi32, #tpu.memory_space<vmem>> -> memref<1x6x64xi32, #tpu.memory_space<vmem>>
    %dma_start3A_104 = tpu.memref_squeeze %dma_start3A_103 : memref<1x6x64xi32, #tpu.memory_space<vmem>> -> memref<6x64xi32, #tpu.memory_space<vmem>>
    %dma_start3A_105 = arith.constant 0 : i32
    %dma_start3A_106 = tpu.memref_slice %arg3[%add3A_98, %dma_start3A_105] : memref<5184x64xi32, #tpu.memory_space<hbm>> -> memref<6x64xi32, #tpu.memory_space<hbm>>
    %dma_start3A_107 = tpu.memref_slice %arg12[%dma_start3A_100] : memref<2x!tpu.dma_semaphore, #tpu.memory_space<semaphore_mem>> -> memref<1x!tpu.dma_semaphore, #tpu.memory_space<semaphore_mem>>
    %dma_start3A_108 = tpu.memref_squeeze %dma_start3A_107 : memref<1x!tpu.dma_semaphore, #tpu.memory_space<semaphore_mem>> -> memref<!tpu.dma_semaphore, #tpu.memory_space<semaphore_mem>>
    %dma_start3A_109 = arith.constant 0 : i32
    %dma_start3A_110 = arith.constant 0 : i32
    %dma_start3A_111 = tpu.memref_slice %arg7[%dma_start3A_99, %dma_start3A_109, %dma_start3A_110] : memref<2x6x64xi32, #tpu.memory_space<vmem>> -> memref<1x6x64xi32, #tpu.memory_space<vmem>>
    %dma_start3A_112 = tpu.memref_squeeze %dma_start3A_111 : memref<1x6x64xi32, #tpu.memory_space<vmem>> -> memref<6x64xi32, #tpu.memory_space<vmem>>
    %dma_start3A_113 = arith.constant 0 : i32
    %dma_start3A_114 = tpu.memref_slice %arg3[%add3A_98, %dma_start3A_113] : memref<5184x64xi32, #tpu.memory_space<hbm>> -> memref<6x64xi32, #tpu.memory_space<hbm>>
    tpu.enqueue_dma source(%dma_start3A_114 : memref<6x64xi32, #tpu.memory_space<hbm>>) target(%dma_start3A_112 : memref<6x64xi32, #tpu.memory_space<vmem>>) target_semaphore(%dma_start3A_108 : memref<!tpu.dma_semaphore, #tpu.memory_space<semaphore_mem>>)
    %scan3A_115 = arith.constant 0 : i32
    %scan3A_116 = arith.constant 0 : i32
    %scan3A_117 = arith.constant 6 : i32
    %scan3A_118 = arith.addi %scan3A_116, %scan3A_117 : i32
    %scan3A_119 = arith.constant 1 : i32
    scf.for %scan3A_146 = %scan3A_116 to %scan3A_118 step %scan3A_119  : i32 {
      %dma_start3A_147 = arith.constant 0 : i32
      %dma_start3A_148 = arith.constant 0 : i32
      %dma_start3A_149 = arith.constant 0 : i32
      %dma_start3A_150 = tpu.memref_slice %arg9[%scan3A_146, %dma_start3A_148, %dma_start3A_149] : memref<6x64x128xf32, #tpu.memory_space<vmem>> -> memref<1x64x128xf32, #tpu.memory_space<vmem>>
      %dma_start3A_151 = tpu.memref_squeeze %dma_start3A_150 : memref<1x64x128xf32, #tpu.memory_space<vmem>> -> memref<64x128xf32, #tpu.memory_space<vmem>>
      %dma_start3A_152 = arith.constant 0 : i32
      %dma_start3A_153 = tpu.memref_slice %arg6[%dma_start3A_147, %scan3A_146, %dma_start3A_152] : memref<2x6x64xi32, #tpu.memory_space<vmem>> -> memref<1x1x64xi32, #tpu.memory_space<vmem>>
      %dma_start3A_154 = tpu.memref_squeeze %dma_start3A_153 : memref<1x1x64xi32, #tpu.memory_space<vmem>> -> memref<64xi32, #tpu.memory_space<vmem>>
      %dma_start3A_155 = arith.constant 0 : i32
      %dma_start3A_156 = arith.constant 0 : i32
      %dma_start3A_157 = tpu.memref_slice %arg4[%arg0, %dma_start3A_155, %dma_start3A_156] : memref<2x10000x128xf32, #tpu.memory_space<hbm>> -> memref<1x10000x128xf32, #tpu.memory_space<hbm>>
      %dma_start3A_158 = tpu.memref_squeeze %dma_start3A_157 : memref<1x10000x128xf32, #tpu.memory_space<hbm>> -> memref<10000x128xf32, #tpu.memory_space<hbm>>
      %dma_start3A_159 = arith.constant 0 : i32
      %dma_start3A_160 = arith.constant 0 : i32
      %dma_start3A_161 = tpu.memref_slice %dma_start3A_158[%dma_start3A_159, %dma_start3A_160] : memref<10000x128xf32, #tpu.memory_space<hbm>> -> memref<10000x128xf32, #tpu.memory_space<hbm>>
      %dma_start3A_162 = tpu.memref_slice %arg10[%scan3A_146] : memref<6x!tpu.dma_semaphore, #tpu.memory_space<semaphore_mem>> -> memref<1x!tpu.dma_semaphore, #tpu.memory_space<semaphore_mem>>
      %dma_start3A_163 = tpu.memref_squeeze %dma_start3A_162 : memref<1x!tpu.dma_semaphore, #tpu.memory_space<semaphore_mem>> -> memref<!tpu.dma_semaphore, #tpu.memory_space<semaphore_mem>>
      tpu.enqueue_indirect_dma source(%dma_start3A_161 : memref<10000x128xf32, #tpu.memory_space<hbm>>) target(%dma_start3A_151 : memref<64x128xf32, #tpu.memory_space<vmem>>) offsets(%dma_start3A_154 : memref<64xi32, #tpu.memory_space<vmem>>) semaphore(%dma_start3A_163 : memref<!tpu.dma_semaphore, #tpu.memory_space<semaphore_mem>>)
    }
    %scan3A_120 = arith.constant 6 : i32
    %scan3A_121 = arith.constant 0 : i32
    %scan3A_122 = arith.constant 0 : i32
    %scan3A_123 = arith.constant 54 : i32
    %scan3A_124 = arith.addi %scan3A_122, %scan3A_123 : i32
    %scan3A_125 = arith.constant 1 : i32
    scf.for %scan3A_146 = %scan3A_122 to %scan3A_124 step %scan3A_125  : i32 {
      %rem3A = arith.constant 2 : i32
      %rem3A_147 = arith.remsi %scan3A_146, %rem3A : i32
      %add3A_148 = arith.constant 1 : i32
      %add3A_149 = arith.addi %scan3A_146, %add3A_148 : i32
      %rem3A_150 = arith.constant 2 : i32
      %rem3A_151 = arith.remsi %add3A_149, %rem3A_150 : i32
      %scan3A_152 = arith.constant 0 : i32
      %scan3A_153 = arith.constant 0 : i32
      %scan3A_154 = arith.constant 6 : i32
      %scan3A_155 = arith.addi %scan3A_153, %scan3A_154 : i32
      %scan3A_156 = arith.constant 1 : i32
      scf.for %scan3A_175 = %scan3A_153 to %scan3A_155 step %scan3A_156  : i32 {
        %dma_wait3A_176 = arith.constant 0 : i32
        %dma_wait3A_177 = arith.constant 0 : i32
        %dma_wait3A_178 = tpu.memref_slice %arg9[%scan3A_175, %dma_wait3A_176, %dma_wait3A_177] : memref<6x64x128xf32, #tpu.memory_space<vmem>> -> memref<1x64x128xf32, #tpu.memory_space<vmem>>
        %dma_wait3A_179 = tpu.memref_squeeze %dma_wait3A_178 : memref<1x64x128xf32, #tpu.memory_space<vmem>> -> memref<64x128xf32, #tpu.memory_space<vmem>>
        %dma_wait3A_180 = arith.constant 0 : i32
        %dma_wait3A_181 = tpu.memref_slice %arg6[%rem3A_147, %scan3A_175, %dma_wait3A_180] : memref<2x6x64xi32, #tpu.memory_space<vmem>> -> memref<1x1x64xi32, #tpu.memory_space<vmem>>
        %dma_wait3A_182 = tpu.memref_squeeze %dma_wait3A_181 : memref<1x1x64xi32, #tpu.memory_space<vmem>> -> memref<64xi32, #tpu.memory_space<vmem>>
        %dma_wait3A_183 = arith.constant 0 : i32
        %dma_wait3A_184 = arith.constant 0 : i32
        %dma_wait3A_185 = tpu.memref_slice %arg4[%arg0, %dma_wait3A_183, %dma_wait3A_184] : memref<2x10000x128xf32, #tpu.memory_space<hbm>> -> memref<1x10000x128xf32, #tpu.memory_space<hbm>>
        %dma_wait3A_186 = tpu.memref_squeeze %dma_wait3A_185 : memref<1x10000x128xf32, #tpu.memory_space<hbm>> -> memref<10000x128xf32, #tpu.memory_space<hbm>>
        %dma_wait3A_187 = arith.constant 0 : i32
        %dma_wait3A_188 = arith.constant 0 : i32
        %dma_wait3A_189 = tpu.memref_slice %dma_wait3A_186[%dma_wait3A_187, %dma_wait3A_188] : memref<10000x128xf32, #tpu.memory_space<hbm>> -> memref<10000x128xf32, #tpu.memory_space<hbm>>
        %dma_wait3A_190 = tpu.memref_slice %arg10[%scan3A_175] : memref<6x!tpu.dma_semaphore, #tpu.memory_space<semaphore_mem>> -> memref<1x!tpu.dma_semaphore, #tpu.memory_space<semaphore_mem>>
        %dma_wait3A_191 = tpu.memref_squeeze %dma_wait3A_190 : memref<1x!tpu.dma_semaphore, #tpu.memory_space<semaphore_mem>> -> memref<!tpu.dma_semaphore, #tpu.memory_space<semaphore_mem>>
        tpu.wait_indirect_dma semaphore(%dma_wait3A_191 : memref<!tpu.dma_semaphore, #tpu.memory_space<semaphore_mem>>) src(%dma_wait3A_189 : memref<10000x128xf32, #tpu.memory_space<hbm>>) dst(%dma_wait3A_179 : memref<64x128xf32, #tpu.memory_space<vmem>>)
        %dma_start3A_192 = arith.constant 0 : i32
        %dma_start3A_193 = arith.constant 0 : i32
        %dma_start3A_194 = tpu.memref_slice %arg9[%scan3A_175, %dma_start3A_192, %dma_start3A_193] : memref<6x64x128xf32, #tpu.memory_space<vmem>> -> memref<1x64x128xf32, #tpu.memory_space<vmem>>
        %dma_start3A_195 = tpu.memref_squeeze %dma_start3A_194 : memref<1x64x128xf32, #tpu.memory_space<vmem>> -> memref<64x128xf32, #tpu.memory_space<vmem>>
        %dma_start3A_196 = arith.constant 0 : i32
        %dma_start3A_197 = tpu.memref_slice %arg7[%rem3A_147, %scan3A_175, %dma_start3A_196] : memref<2x6x64xi32, #tpu.memory_space<vmem>> -> memref<1x1x64xi32, #tpu.memory_space<vmem>>
        %dma_start3A_198 = tpu.memref_squeeze %dma_start3A_197 : memref<1x1x64xi32, #tpu.memory_space<vmem>> -> memref<64xi32, #tpu.memory_space<vmem>>
        %dma_start3A_199 = arith.constant 0 : i32
        %dma_start3A_200 = arith.constant 0 : i32
        %dma_start3A_201 = tpu.memref_slice %arg8[%dma_start3A_199, %dma_start3A_200] : memref<10032x128xf32, #tpu.memory_space<vmem_shared>> -> memref<10032x128xf32, #tpu.memory_space<vmem_shared>>
        %dma_start3A_202 = tpu.memref_slice %arg11[%scan3A_175] : memref<6x!tpu.dma_semaphore, #tpu.memory_space<semaphore_mem>> -> memref<1x!tpu.dma_semaphore, #tpu.memory_space<semaphore_mem>>
        %dma_start3A_203 = tpu.memref_squeeze %dma_start3A_202 : memref<1x!tpu.dma_semaphore, #tpu.memory_space<semaphore_mem>> -> memref<!tpu.dma_semaphore, #tpu.memory_space<semaphore_mem>>
        tpu.enqueue_indirect_dma source(%dma_start3A_195 : memref<64x128xf32, #tpu.memory_space<vmem>>) target(%dma_start3A_201 : memref<10032x128xf32, #tpu.memory_space<vmem_shared>>) offsets(%dma_start3A_198 : memref<64xi32, #tpu.memory_space<vmem>>) semaphore(%dma_start3A_203 : memref<!tpu.dma_semaphore, #tpu.memory_space<semaphore_mem>>) {add = true}
      }
      %scan3A_157 = arith.constant 6 : i32
      %add3A_158 = arith.constant 1 : i32
      %add3A_159 = arith.addi %scan3A_146, %add3A_158 : i32
      %lt3A = arith.constant 54 : i32
      %lt3A_160 = arith.cmpi slt, %add3A_159, %lt3A : i32
      %convert_element_type3A = arith.extui %lt3A_160 : i1 to i32
      %cond3A = arith.constant 0 : i32
      %cond3A_161 = arith.cmpi ne, %convert_element_type3A, %cond3A : i32
      scf.if %cond3A_161 {
        %dma_wait3A_175 = arith.constant 0 : i32
        %dma_wait3A_176 = arith.constant 0 : i32
        %dma_wait3A_177 = tpu.memref_slice %arg6[%rem3A_151, %dma_wait3A_175, %dma_wait3A_176] : memref<2x6x64xi32, #tpu.memory_space<vmem>> -> memref<1x6x64xi32, #tpu.memory_space<vmem>>
        %dma_wait3A_178 = tpu.memref_squeeze %dma_wait3A_177 : memref<1x6x64xi32, #tpu.memory_space<vmem>> -> memref<6x64xi32, #tpu.memory_space<vmem>>
        %dma_wait3A_179 = arith.constant 0 : i32
        %dma_wait3A_180 = tpu.memref_slice %arg2[%mul3A_0, %dma_wait3A_179] : memref<5184x64xi32, #tpu.memory_space<hbm>> -> memref<6x64xi32, #tpu.memory_space<hbm>>
        %dma_wait3A_181 = tpu.memref_slice %arg12[%rem3A_151] : memref<2x!tpu.dma_semaphore, #tpu.memory_space<semaphore_mem>> -> memref<1x!tpu.dma_semaphore, #tpu.memory_space<semaphore_mem>>
        %dma_wait3A_182 = tpu.memref_squeeze %dma_wait3A_181 : memref<1x!tpu.dma_semaphore, #tpu.memory_space<semaphore_mem>> -> memref<!tpu.dma_semaphore, #tpu.memory_space<semaphore_mem>>
        %dma_wait3A_183 = arith.constant 0 : i32
        %dma_wait3A_184 = arith.constant 0 : i32
        %dma_wait3A_185 = tpu.memref_slice %arg6[%rem3A_151, %dma_wait3A_183, %dma_wait3A_184] : memref<2x6x64xi32, #tpu.memory_space<vmem>> -> memref<1x6x64xi32, #tpu.memory_space<vmem>>
        %dma_wait3A_186 = tpu.memref_squeeze %dma_wait3A_185 : memref<1x6x64xi32, #tpu.memory_space<vmem>> -> memref<6x64xi32, #tpu.memory_space<vmem>>
        %dma_wait3A_187 = arith.constant 0 : i32
        %dma_wait3A_188 = tpu.memref_slice %arg2[%mul3A_0, %dma_wait3A_187] : memref<5184x64xi32, #tpu.memory_space<hbm>> -> memref<6x64xi32, #tpu.memory_space<hbm>>
        tpu.wait_dma2 semaphore(%dma_wait3A_182 : memref<!tpu.dma_semaphore, #tpu.memory_space<semaphore_mem>>) src(%dma_wait3A_188 : memref<6x64xi32, #tpu.memory_space<hbm>>) dst(%dma_wait3A_186 : memref<6x64xi32, #tpu.memory_space<vmem>>)
        %dma_wait3A_189 = arith.constant 0 : i32
        %dma_wait3A_190 = arith.constant 0 : i32
        %dma_wait3A_191 = tpu.memref_slice %arg7[%rem3A_151, %dma_wait3A_189, %dma_wait3A_190] : memref<2x6x64xi32, #tpu.memory_space<vmem>> -> memref<1x6x64xi32, #tpu.memory_space<vmem>>
        %dma_wait3A_192 = tpu.memref_squeeze %dma_wait3A_191 : memref<1x6x64xi32, #tpu.memory_space<vmem>> -> memref<6x64xi32, #tpu.memory_space<vmem>>
        %dma_wait3A_193 = arith.constant 0 : i32
        %dma_wait3A_194 = tpu.memref_slice %arg3[%mul3A_0, %dma_wait3A_193] : memref<5184x64xi32, #tpu.memory_space<hbm>> -> memref<6x64xi32, #tpu.memory_space<hbm>>
        %dma_wait3A_195 = tpu.memref_slice %arg12[%rem3A_151] : memref<2x!tpu.dma_semaphore, #tpu.memory_space<semaphore_mem>> -> memref<1x!tpu.dma_semaphore, #tpu.memory_space<semaphore_mem>>
        %dma_wait3A_196 = tpu.memref_squeeze %dma_wait3A_195 : memref<1x!tpu.dma_semaphore, #tpu.memory_space<semaphore_mem>> -> memref<!tpu.dma_semaphore, #tpu.memory_space<semaphore_mem>>
        %dma_wait3A_197 = arith.constant 0 : i32
        %dma_wait3A_198 = arith.constant 0 : i32
        %dma_wait3A_199 = tpu.memref_slice %arg7[%rem3A_151, %dma_wait3A_197, %dma_wait3A_198] : memref<2x6x64xi32, #tpu.memory_space<vmem>> -> memref<1x6x64xi32, #tpu.memory_space<vmem>>
        %dma_wait3A_200 = tpu.memref_squeeze %dma_wait3A_199 : memref<1x6x64xi32, #tpu.memory_space<vmem>> -> memref<6x64xi32, #tpu.memory_space<vmem>>
        %dma_wait3A_201 = arith.constant 0 : i32
        %dma_wait3A_202 = tpu.memref_slice %arg3[%mul3A_0, %dma_wait3A_201] : memref<5184x64xi32, #tpu.memory_space<hbm>> -> memref<6x64xi32, #tpu.memory_space<hbm>>
        tpu.wait_dma2 semaphore(%dma_wait3A_196 : memref<!tpu.dma_semaphore, #tpu.memory_space<semaphore_mem>>) src(%dma_wait3A_202 : memref<6x64xi32, #tpu.memory_space<hbm>>) dst(%dma_wait3A_200 : memref<6x64xi32, #tpu.memory_space<vmem>>)
      } else {
      }
      %scan3A_162 = arith.constant 0 : i32
      %scan3A_163 = arith.constant 0 : i32
      %scan3A_164 = arith.constant 6 : i32
      %scan3A_165 = arith.addi %scan3A_163, %scan3A_164 : i32
      %scan3A_166 = arith.constant 1 : i32
      scf.for %scan3A_175 = %scan3A_163 to %scan3A_165 step %scan3A_166  : i32 {
        %dma_wait3A_176 = arith.constant 0 : i32
        %dma_wait3A_177 = arith.constant 0 : i32
        %dma_wait3A_178 = tpu.memref_slice %arg9[%scan3A_175, %dma_wait3A_176, %dma_wait3A_177] : memref<6x64x128xf32, #tpu.memory_space<vmem>> -> memref<1x64x128xf32, #tpu.memory_space<vmem>>
        %dma_wait3A_179 = tpu.memref_squeeze %dma_wait3A_178 : memref<1x64x128xf32, #tpu.memory_space<vmem>> -> memref<64x128xf32, #tpu.memory_space<vmem>>
        %dma_wait3A_180 = arith.constant 0 : i32
        %dma_wait3A_181 = tpu.memref_slice %arg7[%rem3A_147, %scan3A_175, %dma_wait3A_180] : memref<2x6x64xi32, #tpu.memory_space<vmem>> -> memref<1x1x64xi32, #tpu.memory_space<vmem>>
        %dma_wait3A_182 = tpu.memref_squeeze %dma_wait3A_181 : memref<1x1x64xi32, #tpu.memory_space<vmem>> -> memref<64xi32, #tpu.memory_space<vmem>>
        %dma_wait3A_183 = arith.constant 0 : i32
        %dma_wait3A_184 = arith.constant 0 : i32
        %dma_wait3A_185 = tpu.memref_slice %arg8[%dma_wait3A_183, %dma_wait3A_184] : memref<10032x128xf32, #tpu.memory_space<vmem_shared>> -> memref<10032x128xf32, #tpu.memory_space<vmem_shared>>
        %dma_wait3A_186 = tpu.memref_slice %arg11[%scan3A_175] : memref<6x!tpu.dma_semaphore, #tpu.memory_space<semaphore_mem>> -> memref<1x!tpu.dma_semaphore, #tpu.memory_space<semaphore_mem>>
        %dma_wait3A_187 = tpu.memref_squeeze %dma_wait3A_186 : memref<1x!tpu.dma_semaphore, #tpu.memory_space<semaphore_mem>> -> memref<!tpu.dma_semaphore, #tpu.memory_space<semaphore_mem>>
        tpu.wait_indirect_dma semaphore(%dma_wait3A_187 : memref<!tpu.dma_semaphore, #tpu.memory_space<semaphore_mem>>) src(%dma_wait3A_179 : memref<64x128xf32, #tpu.memory_space<vmem>>) dst(%dma_wait3A_185 : memref<10032x128xf32, #tpu.memory_space<vmem_shared>>)
        %add3A_188 = arith.constant 1 : i32
        %add3A_189 = arith.addi %scan3A_146, %add3A_188 : i32
        %lt3A_190 = arith.constant 54 : i32
        %lt3A_191 = arith.cmpi slt, %add3A_189, %lt3A_190 : i32
        %convert_element_type3A_192 = arith.extui %lt3A_191 : i1 to i32
        %cond3A_193 = arith.constant 0 : i32
        %cond3A_194 = arith.cmpi ne, %convert_element_type3A_192, %cond3A_193 : i32
        scf.if %cond3A_194 {
          %dma_start3A_195 = arith.constant 0 : i32
          %dma_start3A_196 = arith.constant 0 : i32
          %dma_start3A_197 = tpu.memref_slice %arg9[%scan3A_175, %dma_start3A_195, %dma_start3A_196] : memref<6x64x128xf32, #tpu.memory_space<vmem>> -> memref<1x64x128xf32, #tpu.memory_space<vmem>>
          %dma_start3A_198 = tpu.memref_squeeze %dma_start3A_197 : memref<1x64x128xf32, #tpu.memory_space<vmem>> -> memref<64x128xf32, #tpu.memory_space<vmem>>
          %dma_start3A_199 = arith.constant 0 : i32
          %dma_start3A_200 = tpu.memref_slice %arg6[%rem3A_151, %scan3A_175, %dma_start3A_199] : memref<2x6x64xi32, #tpu.memory_space<vmem>> -> memref<1x1x64xi32, #tpu.memory_space<vmem>>
          %dma_start3A_201 = tpu.memref_squeeze %dma_start3A_200 : memref<1x1x64xi32, #tpu.memory_space<vmem>> -> memref<64xi32, #tpu.memory_space<vmem>>
          %dma_start3A_202 = arith.constant 0 : i32
          %dma_start3A_203 = arith.constant 0 : i32
          %dma_start3A_204 = tpu.memref_slice %arg4[%arg0, %dma_start3A_202, %dma_start3A_203] : memref<2x10000x128xf32, #tpu.memory_space<hbm>> -> memref<1x10000x128xf32, #tpu.memory_space<hbm>>
          %dma_start3A_205 = tpu.memref_squeeze %dma_start3A_204 : memref<1x10000x128xf32, #tpu.memory_space<hbm>> -> memref<10000x128xf32, #tpu.memory_space<hbm>>
          %dma_start3A_206 = arith.constant 0 : i32
          %dma_start3A_207 = arith.constant 0 : i32
          %dma_start3A_208 = tpu.memref_slice %dma_start3A_205[%dma_start3A_206, %dma_start3A_207] : memref<10000x128xf32, #tpu.memory_space<hbm>> -> memref<10000x128xf32, #tpu.memory_space<hbm>>
          %dma_start3A_209 = tpu.memref_slice %arg10[%scan3A_175] : memref<6x!tpu.dma_semaphore, #tpu.memory_space<semaphore_mem>> -> memref<1x!tpu.dma_semaphore, #tpu.memory_space<semaphore_mem>>
          %dma_start3A_210 = tpu.memref_squeeze %dma_start3A_209 : memref<1x!tpu.dma_semaphore, #tpu.memory_space<semaphore_mem>> -> memref<!tpu.dma_semaphore, #tpu.memory_space<semaphore_mem>>
          tpu.enqueue_indirect_dma source(%dma_start3A_208 : memref<10000x128xf32, #tpu.memory_space<hbm>>) target(%dma_start3A_198 : memref<64x128xf32, #tpu.memory_space<vmem>>) offsets(%dma_start3A_201 : memref<64xi32, #tpu.memory_space<vmem>>) semaphore(%dma_start3A_210 : memref<!tpu.dma_semaphore, #tpu.memory_space<semaphore_mem>>)
        } else {
        }
      }
      %scan3A_167 = arith.constant 6 : i32
      %add3A_168 = arith.constant 2 : i32
      %add3A_169 = arith.addi %scan3A_146, %add3A_168 : i32
      %lt3A_170 = arith.constant 54 : i32
      %lt3A_171 = arith.cmpi slt, %add3A_169, %lt3A_170 : i32
      %convert_element_type3A_172 = arith.extui %lt3A_171 : i1 to i32
      %cond3A_173 = arith.constant 0 : i32
      %cond3A_174 = arith.cmpi ne, %convert_element_type3A_172, %cond3A_173 : i32
      scf.if %cond3A_174 {
        %add3A_175 = arith.constant 2 : i32
        %add3A_176 = arith.addi %scan3A_146, %add3A_175 : i32
        %mul3A_177 = arith.constant 6 : i32
        %mul3A_178 = arith.muli %add3A_176, %mul3A_177 : i32
        %add3A_179 = arith.addi %mul3A_0, %mul3A_178 : i32
        %dma_start3A_180 = arith.constant 0 : i32
        %dma_start3A_181 = arith.constant 0 : i32
        %dma_start3A_182 = tpu.memref_slice %arg6[%rem3A_147, %dma_start3A_180, %dma_start3A_181] : memref<2x6x64xi32, #tpu.memory_space<vmem>> -> memref<1x6x64xi32, #tpu.memory_space<vmem>>
        %dma_start3A_183 = tpu.memref_squeeze %dma_start3A_182 : memref<1x6x64xi32, #tpu.memory_space<vmem>> -> memref<6x64xi32, #tpu.memory_space<vmem>>
        %dma_start3A_184 = arith.constant 0 : i32
        %dma_start3A_185 = tpu.memref_slice %arg2[%add3A_179, %dma_start3A_184] : memref<5184x64xi32, #tpu.memory_space<hbm>> -> memref<6x64xi32, #tpu.memory_space<hbm>>
        %dma_start3A_186 = tpu.memref_slice %arg12[%rem3A_147] : memref<2x!tpu.dma_semaphore, #tpu.memory_space<semaphore_mem>> -> memref<1x!tpu.dma_semaphore, #tpu.memory_space<semaphore_mem>>
        %dma_start3A_187 = tpu.memref_squeeze %dma_start3A_186 : memref<1x!tpu.dma_semaphore, #tpu.memory_space<semaphore_mem>> -> memref<!tpu.dma_semaphore, #tpu.memory_space<semaphore_mem>>
        %dma_start3A_188 = arith.constant 0 : i32
        %dma_start3A_189 = arith.constant 0 : i32
        %dma_start3A_190 = tpu.memref_slice %arg6[%rem3A_147, %dma_start3A_188, %dma_start3A_189] : memref<2x6x64xi32, #tpu.memory_space<vmem>> -> memref<1x6x64xi32, #tpu.memory_space<vmem>>
        %dma_start3A_191 = tpu.memref_squeeze %dma_start3A_190 : memref<1x6x64xi32, #tpu.memory_space<vmem>> -> memref<6x64xi32, #tpu.memory_space<vmem>>
        %dma_start3A_192 = arith.constant 0 : i32
        %dma_start3A_193 = tpu.memref_slice %arg2[%add3A_179, %dma_start3A_192] : memref<5184x64xi32, #tpu.memory_space<hbm>> -> memref<6x64xi32, #tpu.memory_space<hbm>>
        tpu.enqueue_dma source(%dma_start3A_193 : memref<6x64xi32, #tpu.memory_space<hbm>>) target(%dma_start3A_191 : memref<6x64xi32, #tpu.memory_space<vmem>>) target_semaphore(%dma_start3A_187 : memref<!tpu.dma_semaphore, #tpu.memory_space<semaphore_mem>>)
        %dma_start3A_194 = arith.constant 0 : i32
        %dma_start3A_195 = arith.constant 0 : i32
        %dma_start3A_196 = tpu.memref_slice %arg7[%rem3A_147, %dma_start3A_194, %dma_start3A_195] : memref<2x6x64xi32, #tpu.memory_space<vmem>> -> memref<1x6x64xi32, #tpu.memory_space<vmem>>
        %dma_start3A_197 = tpu.memref_squeeze %dma_start3A_196 : memref<1x6x64xi32, #tpu.memory_space<vmem>> -> memref<6x64xi32, #tpu.memory_space<vmem>>
        %dma_start3A_198 = arith.constant 0 : i32
        %dma_start3A_199 = tpu.memref_slice %arg3[%add3A_179, %dma_start3A_198] : memref<5184x64xi32, #tpu.memory_space<hbm>> -> memref<6x64xi32, #tpu.memory_space<hbm>>
        %dma_start3A_200 = tpu.memref_slice %arg12[%rem3A_147] : memref<2x!tpu.dma_semaphore, #tpu.memory_space<semaphore_mem>> -> memref<1x!tpu.dma_semaphore, #tpu.memory_space<semaphore_mem>>
        %dma_start3A_201 = tpu.memref_squeeze %dma_start3A_200 : memref<1x!tpu.dma_semaphore, #tpu.memory_space<semaphore_mem>> -> memref<!tpu.dma_semaphore, #tpu.memory_space<semaphore_mem>>
        %dma_start3A_202 = arith.constant 0 : i32
        %dma_start3A_203 = arith.constant 0 : i32
        %dma_start3A_204 = tpu.memref_slice %arg7[%rem3A_147, %dma_start3A_202, %dma_start3A_203] : memref<2x6x64xi32, #tpu.memory_space<vmem>> -> memref<1x6x64xi32, #tpu.memory_space<vmem>>
        %dma_start3A_205 = tpu.memref_squeeze %dma_start3A_204 : memref<1x6x64xi32, #tpu.memory_space<vmem>> -> memref<6x64xi32, #tpu.memory_space<vmem>>
        %dma_start3A_206 = arith.constant 0 : i32
        %dma_start3A_207 = tpu.memref_slice %arg3[%add3A_179, %dma_start3A_206] : memref<5184x64xi32, #tpu.memory_space<hbm>> -> memref<6x64xi32, #tpu.memory_space<hbm>>
        tpu.enqueue_dma source(%dma_start3A_207 : memref<6x64xi32, #tpu.memory_space<hbm>>) target(%dma_start3A_205 : memref<6x64xi32, #tpu.memory_space<vmem>>) target_semaphore(%dma_start3A_201 : memref<!tpu.dma_semaphore, #tpu.memory_space<semaphore_mem>>)
      } else {
      }
    }
    %scan3A_126 = arith.constant 54 : i32
    %barrier3A_127 = arith.constant 0 : index
    tpu.barrier barrier_id(%barrier3A_127)
    %scan3A_128 = arith.constant 0 : i32
    %scan3A_129 = arith.constant 0 : i32
    %scan3A_130 = arith.constant 6 : i32
    %scan3A_131 = arith.addi %scan3A_129, %scan3A_130 : i32
    %scan3A_132 = arith.constant 1 : i32
    scf.for %scan3A_146 = %scan3A_129 to %scan3A_131 step %scan3A_132  : i32 {
      %mul3A_147 = arith.constant 627 : i32
      %mul3A_148 = arith.muli %arg1, %mul3A_147 : i32
      %mul3A_149 = arith.constant 57 : i32
      %mul3A_150 = arith.muli %scan3A_146, %mul3A_149 : i32
      %add3A_151 = arith.addi %mul3A_148, %mul3A_150 : i32
      %rem3A = arith.constant 6 : i32
      %rem3A_152 = arith.remsi %scan3A_146, %rem3A : i32
      %rem3A_153 = arith.constant 6 : i32
      %rem3A_154 = arith.remsi %scan3A_146, %rem3A_153 : i32
      %dma_start3A_155 = arith.constant 0 : i32
      %dma_start3A_156 = arith.constant 0 : i32
      %dma_start3A_157 = tpu.memref_slice %arg9[%rem3A_152, %dma_start3A_155, %dma_start3A_156] : memref<6x64x128xf32, #tpu.memory_space<vmem>> -> memref<1x57x128xf32, #tpu.memory_space<vmem>>
      %dma_start3A_158 = tpu.memref_squeeze %dma_start3A_157 : memref<1x57x128xf32, #tpu.memory_space<vmem>> -> memref<57x128xf32, #tpu.memory_space<vmem>>
      %dma_start3A_159 = arith.constant 0 : i32
      %dma_start3A_160 = tpu.memref_slice %arg8[%add3A_151, %dma_start3A_159] : memref<10032x128xf32, #tpu.memory_space<vmem_shared>> -> memref<57x128xf32, #tpu.memory_space<vmem_shared>>
      %dma_start3A_161 = tpu.memref_slice %arg10[%rem3A_154] : memref<6x!tpu.dma_semaphore, #tpu.memory_space<semaphore_mem>> -> memref<1x!tpu.dma_semaphore, #tpu.memory_space<semaphore_mem>>
      %dma_start3A_162 = tpu.memref_squeeze %dma_start3A_161 : memref<1x!tpu.dma_semaphore, #tpu.memory_space<semaphore_mem>> -> memref<!tpu.dma_semaphore, #tpu.memory_space<semaphore_mem>>
      %dma_start3A_163 = arith.constant 0 : i32
      %dma_start3A_164 = arith.constant 0 : i32
      %dma_start3A_165 = tpu.memref_slice %arg9[%rem3A_152, %dma_start3A_163, %dma_start3A_164] : memref<6x64x128xf32, #tpu.memory_space<vmem>> -> memref<1x57x128xf32, #tpu.memory_space<vmem>>
      %dma_start3A_166 = tpu.memref_squeeze %dma_start3A_165 : memref<1x57x128xf32, #tpu.memory_space<vmem>> -> memref<57x128xf32, #tpu.memory_space<vmem>>
      %dma_start3A_167 = arith.constant 0 : i32
      %dma_start3A_168 = tpu.memref_slice %arg8[%add3A_151, %dma_start3A_167] : memref<10032x128xf32, #tpu.memory_space<vmem_shared>> -> memref<57x128xf32, #tpu.memory_space<vmem_shared>>
      tpu.enqueue_dma source(%dma_start3A_168 : memref<57x128xf32, #tpu.memory_space<vmem_shared>>) target(%dma_start3A_166 : memref<57x128xf32, #tpu.memory_space<vmem>>) target_semaphore(%dma_start3A_162 : memref<!tpu.dma_semaphore, #tpu.memory_space<semaphore_mem>>)
    }
    %scan3A_133 = arith.constant 6 : i32
    %scan3A_134 = arith.constant 0 : i32
    %scan3A_135 = arith.constant 0 : i32
    %scan3A_136 = arith.constant 11 : i32
    %scan3A_137 = arith.addi %scan3A_135, %scan3A_136 : i32
    %scan3A_138 = arith.constant 1 : i32
    scf.for %scan3A_146 = %scan3A_135 to %scan3A_137 step %scan3A_138  : i32 {
      %rem3A = arith.constant 6 : i32
      %rem3A_147 = arith.remsi %scan3A_146, %rem3A : i32
      %mul3A_148 = arith.constant 627 : i32
      %mul3A_149 = arith.muli %arg1, %mul3A_148 : i32
      %dma_wait3A_150 = arith.constant 0 : i32
      %dma_wait3A_151 = arith.constant 0 : i32
      %dma_wait3A_152 = tpu.memref_slice %arg9[%rem3A_147, %dma_wait3A_150, %dma_wait3A_151] : memref<6x64x128xf32, #tpu.memory_space<vmem>> -> memref<1x57x128xf32, #tpu.memory_space<vmem>>
      %dma_wait3A_153 = tpu.memref_squeeze %dma_wait3A_152 : memref<1x57x128xf32, #tpu.memory_space<vmem>> -> memref<57x128xf32, #tpu.memory_space<vmem>>
      %dma_wait3A_154 = arith.constant 0 : i32
      %dma_wait3A_155 = tpu.memref_slice %arg8[%mul3A_149, %dma_wait3A_154] : memref<10032x128xf32, #tpu.memory_space<vmem_shared>> -> memref<57x128xf32, #tpu.memory_space<vmem_shared>>
      %dma_wait3A_156 = tpu.memref_slice %arg10[%rem3A_147] : memref<6x!tpu.dma_semaphore, #tpu.memory_space<semaphore_mem>> -> memref<1x!tpu.dma_semaphore, #tpu.memory_space<semaphore_mem>>
      %dma_wait3A_157 = tpu.memref_squeeze %dma_wait3A_156 : memref<1x!tpu.dma_semaphore, #tpu.memory_space<semaphore_mem>> -> memref<!tpu.dma_semaphore, #tpu.memory_space<semaphore_mem>>
      %dma_wait3A_158 = arith.constant 0 : i32
      %dma_wait3A_159 = arith.constant 0 : i32
      %dma_wait3A_160 = tpu.memref_slice %arg9[%rem3A_147, %dma_wait3A_158, %dma_wait3A_159] : memref<6x64x128xf32, #tpu.memory_space<vmem>> -> memref<1x57x128xf32, #tpu.memory_space<vmem>>
      %dma_wait3A_161 = tpu.memref_squeeze %dma_wait3A_160 : memref<1x57x128xf32, #tpu.memory_space<vmem>> -> memref<57x128xf32, #tpu.memory_space<vmem>>
      %dma_wait3A_162 = arith.constant 0 : i32
      %dma_wait3A_163 = tpu.memref_slice %arg8[%mul3A_149, %dma_wait3A_162] : memref<10032x128xf32, #tpu.memory_space<vmem_shared>> -> memref<57x128xf32, #tpu.memory_space<vmem_shared>>
      tpu.wait_dma2 semaphore(%dma_wait3A_157 : memref<!tpu.dma_semaphore, #tpu.memory_space<semaphore_mem>>) src(%dma_wait3A_163 : memref<57x128xf32, #tpu.memory_space<vmem_shared>>) dst(%dma_wait3A_161 : memref<57x128xf32, #tpu.memory_space<vmem>>)
      %mul3A_164 = arith.constant 627 : i32
      %mul3A_165 = arith.muli %arg1, %mul3A_164 : i32
      %mul3A_166 = arith.constant 57 : i32
      %mul3A_167 = arith.muli %scan3A_146, %mul3A_166 : i32
      %add3A_168 = arith.addi %mul3A_165, %mul3A_167 : i32
      %dma_start3A_169 = arith.constant 0 : i32
      %dma_start3A_170 = arith.constant 0 : i32
      %dma_start3A_171 = tpu.memref_slice %arg9[%rem3A_147, %dma_start3A_169, %dma_start3A_170] : memref<6x64x128xf32, #tpu.memory_space<vmem>> -> memref<1x57x128xf32, #tpu.memory_space<vmem>>
      %dma_start3A_172 = tpu.memref_squeeze %dma_start3A_171 : memref<1x57x128xf32, #tpu.memory_space<vmem>> -> memref<57x128xf32, #tpu.memory_space<vmem>>
      %dma_start3A_173 = arith.constant 0 : i32
      %dma_start3A_174 = arith.constant 0 : i32
      %dma_start3A_175 = tpu.memref_slice %arg5[%arg0, %dma_start3A_173, %dma_start3A_174] : memref<2x10032x128xf32, #tpu.memory_space<hbm>> -> memref<1x10032x128xf32, #tpu.memory_space<hbm>>
      %dma_start3A_176 = tpu.memref_squeeze %dma_start3A_175 : memref<1x10032x128xf32, #tpu.memory_space<hbm>> -> memref<10032x128xf32, #tpu.memory_space<hbm>>
      %dma_start3A_177 = arith.constant 0 : i32
      %dma_start3A_178 = tpu.memref_slice %dma_start3A_176[%add3A_168, %dma_start3A_177] : memref<10032x128xf32, #tpu.memory_space<hbm>> -> memref<57x128xf32, #tpu.memory_space<hbm>>
      %dma_start3A_179 = tpu.memref_slice %arg11[%rem3A_147] : memref<6x!tpu.dma_semaphore, #tpu.memory_space<semaphore_mem>> -> memref<1x!tpu.dma_semaphore, #tpu.memory_space<semaphore_mem>>
      %dma_start3A_180 = tpu.memref_squeeze %dma_start3A_179 : memref<1x!tpu.dma_semaphore, #tpu.memory_space<semaphore_mem>> -> memref<!tpu.dma_semaphore, #tpu.memory_space<semaphore_mem>>
      %dma_start3A_181 = arith.constant 0 : i32
      %dma_start3A_182 = arith.constant 0 : i32
      %dma_start3A_183 = tpu.memref_slice %arg5[%arg0, %dma_start3A_181, %dma_start3A_182] : memref<2x10032x128xf32, #tpu.memory_space<hbm>> -> memref<1x10032x128xf32, #tpu.memory_space<hbm>>
      %dma_start3A_184 = tpu.memref_squeeze %dma_start3A_183 : memref<1x10032x128xf32, #tpu.memory_space<hbm>> -> memref<10032x128xf32, #tpu.memory_space<hbm>>
      %dma_start3A_185 = arith.constant 0 : i32
      %dma_start3A_186 = tpu.memref_slice %dma_start3A_184[%add3A_168, %dma_start3A_185] : memref<10032x128xf32, #tpu.memory_space<hbm>> -> memref<57x128xf32, #tpu.memory_space<hbm>>
      %dma_start3A_187 = arith.constant 0 : i32
      %dma_start3A_188 = arith.constant 0 : i32
      %dma_start3A_189 = tpu.memref_slice %arg9[%rem3A_147, %dma_start3A_187, %dma_start3A_188] : memref<6x64x128xf32, #tpu.memory_space<vmem>> -> memref<1x57x128xf32, #tpu.memory_space<vmem>>
      %dma_start3A_190 = tpu.memref_squeeze %dma_start3A_189 : memref<1x57x128xf32, #tpu.memory_space<vmem>> -> memref<57x128xf32, #tpu.memory_space<vmem>>
      tpu.enqueue_dma source(%dma_start3A_190 : memref<57x128xf32, #tpu.memory_space<vmem>>) target(%dma_start3A_186 : memref<57x128xf32, #tpu.memory_space<hbm>>) target_semaphore(%dma_start3A_180 : memref<!tpu.dma_semaphore, #tpu.memory_space<semaphore_mem>>)
      %add3A_191 = arith.constant 6 : i32
      %add3A_192 = arith.addi %scan3A_146, %add3A_191 : i32
      %lt3A = arith.constant 11 : i32
      %lt3A_193 = arith.cmpi slt, %add3A_192, %lt3A : i32
      %convert_element_type3A = arith.extui %lt3A_193 : i1 to i32
      %cond3A = arith.constant 0 : i32
      %cond3A_194 = arith.cmpi ne, %convert_element_type3A, %cond3A : i32
      scf.if %cond3A_194 {
        %mul3A_195 = arith.constant 627 : i32
        %mul3A_196 = arith.muli %arg1, %mul3A_195 : i32
        %dma_wait3A_197 = arith.constant 0 : i32
        %dma_wait3A_198 = arith.constant 0 : i32
        %dma_wait3A_199 = tpu.memref_slice %arg9[%rem3A_147, %dma_wait3A_197, %dma_wait3A_198] : memref<6x64x128xf32, #tpu.memory_space<vmem>> -> memref<1x57x128xf32, #tpu.memory_space<vmem>>
        %dma_wait3A_200 = tpu.memref_squeeze %dma_wait3A_199 : memref<1x57x128xf32, #tpu.memory_space<vmem>> -> memref<57x128xf32, #tpu.memory_space<vmem>>
        %dma_wait3A_201 = arith.constant 0 : i32
        %dma_wait3A_202 = arith.constant 0 : i32
        %dma_wait3A_203 = tpu.memref_slice %arg5[%arg0, %dma_wait3A_201, %dma_wait3A_202] : memref<2x10032x128xf32, #tpu.memory_space<hbm>> -> memref<1x10032x128xf32, #tpu.memory_space<hbm>>
        %dma_wait3A_204 = tpu.memref_squeeze %dma_wait3A_203 : memref<1x10032x128xf32, #tpu.memory_space<hbm>> -> memref<10032x128xf32, #tpu.memory_space<hbm>>
        %dma_wait3A_205 = arith.constant 0 : i32
        %dma_wait3A_206 = tpu.memref_slice %dma_wait3A_204[%mul3A_196, %dma_wait3A_205] : memref<10032x128xf32, #tpu.memory_space<hbm>> -> memref<57x128xf32, #tpu.memory_space<hbm>>
        %dma_wait3A_207 = tpu.memref_slice %arg11[%rem3A_147] : memref<6x!tpu.dma_semaphore, #tpu.memory_space<semaphore_mem>> -> memref<1x!tpu.dma_semaphore, #tpu.memory_space<semaphore_mem>>
        %dma_wait3A_208 = tpu.memref_squeeze %dma_wait3A_207 : memref<1x!tpu.dma_semaphore, #tpu.memory_space<semaphore_mem>> -> memref<!tpu.dma_semaphore, #tpu.memory_space<semaphore_mem>>
        %dma_wait3A_209 = arith.constant 0 : i32
        %dma_wait3A_210 = arith.constant 0 : i32
        %dma_wait3A_211 = tpu.memref_slice %arg5[%arg0, %dma_wait3A_209, %dma_wait3A_210] : memref<2x10032x128xf32, #tpu.memory_space<hbm>> -> memref<1x10032x128xf32, #tpu.memory_space<hbm>>
        %dma_wait3A_212 = tpu.memref_squeeze %dma_wait3A_211 : memref<1x10032x128xf32, #tpu.memory_space<hbm>> -> memref<10032x128xf32, #tpu.memory_space<hbm>>
        %dma_wait3A_213 = arith.constant 0 : i32
        %dma_wait3A_214 = tpu.memref_slice %dma_wait3A_212[%mul3A_196, %dma_wait3A_213] : memref<10032x128xf32, #tpu.memory_space<hbm>> -> memref<57x128xf32, #tpu.memory_space<hbm>>
        %dma_wait3A_215 = arith.constant 0 : i32
        %dma_wait3A_216 = arith.constant 0 : i32
        %dma_wait3A_217 = tpu.memref_slice %arg9[%rem3A_147, %dma_wait3A_215, %dma_wait3A_216] : memref<6x64x128xf32, #tpu.memory_space<vmem>> -> memref<1x57x128xf32, #tpu.memory_space<vmem>>
        %dma_wait3A_218 = tpu.memref_squeeze %dma_wait3A_217 : memref<1x57x128xf32, #tpu.memory_space<vmem>> -> memref<57x128xf32, #tpu.memory_space<vmem>>
        tpu.wait_dma2 semaphore(%dma_wait3A_208 : memref<!tpu.dma_semaphore, #tpu.memory_space<semaphore_mem>>) src(%dma_wait3A_218 : memref<57x128xf32, #tpu.memory_space<vmem>>) dst(%dma_wait3A_214 : memref<57x128xf32, #tpu.memory_space<hbm>>)
        %mul3A_219 = arith.constant 627 : i32
        %mul3A_220 = arith.muli %arg1, %mul3A_219 : i32
        %add3A_221 = arith.constant 6 : i32
        %add3A_222 = arith.addi %scan3A_146, %add3A_221 : i32
        %mul3A_223 = arith.constant 57 : i32
        %mul3A_224 = arith.muli %add3A_222, %mul3A_223 : i32
        %add3A_225 = arith.addi %mul3A_220, %mul3A_224 : i32
        %dma_start3A_226 = arith.constant 0 : i32
        %dma_start3A_227 = arith.constant 0 : i32
        %dma_start3A_228 = tpu.memref_slice %arg9[%rem3A_147, %dma_start3A_226, %dma_start3A_227] : memref<6x64x128xf32, #tpu.memory_space<vmem>> -> memref<1x57x128xf32, #tpu.memory_space<vmem>>
        %dma_start3A_229 = tpu.memref_squeeze %dma_start3A_228 : memref<1x57x128xf32, #tpu.memory_space<vmem>> -> memref<57x128xf32, #tpu.memory_space<vmem>>
        %dma_start3A_230 = arith.constant 0 : i32
        %dma_start3A_231 = tpu.memref_slice %arg8[%add3A_225, %dma_start3A_230] : memref<10032x128xf32, #tpu.memory_space<vmem_shared>> -> memref<57x128xf32, #tpu.memory_space<vmem_shared>>
        %dma_start3A_232 = tpu.memref_slice %arg10[%rem3A_147] : memref<6x!tpu.dma_semaphore, #tpu.memory_space<semaphore_mem>> -> memref<1x!tpu.dma_semaphore, #tpu.memory_space<semaphore_mem>>
        %dma_start3A_233 = tpu.memref_squeeze %dma_start3A_232 : memref<1x!tpu.dma_semaphore, #tpu.memory_space<semaphore_mem>> -> memref<!tpu.dma_semaphore, #tpu.memory_space<semaphore_mem>>
        %dma_start3A_234 = arith.constant 0 : i32
        %dma_start3A_235 = arith.constant 0 : i32
        %dma_start3A_236 = tpu.memref_slice %arg9[%rem3A_147, %dma_start3A_234, %dma_start3A_235] : memref<6x64x128xf32, #tpu.memory_space<vmem>> -> memref<1x57x128xf32, #tpu.memory_space<vmem>>
        %dma_start3A_237 = tpu.memref_squeeze %dma_start3A_236 : memref<1x57x128xf32, #tpu.memory_space<vmem>> -> memref<57x128xf32, #tpu.memory_space<vmem>>
        %dma_start3A_238 = arith.constant 0 : i32
        %dma_start3A_239 = tpu.memref_slice %arg8[%add3A_225, %dma_start3A_238] : memref<10032x128xf32, #tpu.memory_space<vmem_shared>> -> memref<57x128xf32, #tpu.memory_space<vmem_shared>>
        tpu.enqueue_dma source(%dma_start3A_239 : memref<57x128xf32, #tpu.memory_space<vmem_shared>>) target(%dma_start3A_237 : memref<57x128xf32, #tpu.memory_space<vmem>>) target_semaphore(%dma_start3A_233 : memref<!tpu.dma_semaphore, #tpu.memory_space<semaphore_mem>>)
      } else {
      }
    }
    %scan3A_139 = arith.constant 11 : i32
    %scan3A_140 = arith.constant 0 : i32
    %scan3A_141 = arith.constant 5 : i32
    %scan3A_142 = arith.constant 6 : i32
    %scan3A_143 = arith.addi %scan3A_141, %scan3A_142 : i32
    %scan3A_144 = arith.constant 1 : i32
    scf.for %scan3A_146 = %scan3A_141 to %scan3A_143 step %scan3A_144  : i32 {
      %rem3A = arith.constant 6 : i32
      %rem3A_147 = arith.remsi %scan3A_146, %rem3A : i32
      %mul3A_148 = arith.constant 627 : i32
      %mul3A_149 = arith.muli %arg1, %mul3A_148 : i32
      %dma_wait3A_150 = arith.constant 0 : i32
      %dma_wait3A_151 = arith.constant 0 : i32
      %dma_wait3A_152 = tpu.memref_slice %arg9[%rem3A_147, %dma_wait3A_150, %dma_wait3A_151] : memref<6x64x128xf32, #tpu.memory_space<vmem>> -> memref<1x57x128xf32, #tpu.memory_space<vmem>>
      %dma_wait3A_153 = tpu.memref_squeeze %dma_wait3A_152 : memref<1x57x128xf32, #tpu.memory_space<vmem>> -> memref<57x128xf32, #tpu.memory_space<vmem>>
      %dma_wait3A_154 = arith.constant 0 : i32
      %dma_wait3A_155 = arith.constant 0 : i32
      %dma_wait3A_156 = tpu.memref_slice %arg5[%arg0, %dma_wait3A_154, %dma_wait3A_155] : memref<2x10032x128xf32, #tpu.memory_space<hbm>> -> memref<1x10032x128xf32, #tpu.memory_space<hbm>>
      %dma_wait3A_157 = tpu.memref_squeeze %dma_wait3A_156 : memref<1x10032x128xf32, #tpu.memory_space<hbm>> -> memref<10032x128xf32, #tpu.memory_space<hbm>>
      %dma_wait3A_158 = arith.constant 0 : i32
      %dma_wait3A_159 = tpu.memref_slice %dma_wait3A_157[%mul3A_149, %dma_wait3A_158] : memref<10032x128xf32, #tpu.memory_space<hbm>> -> memref<57x128xf32, #tpu.memory_space<hbm>>
      %dma_wait3A_160 = tpu.memref_slice %arg11[%rem3A_147] : memref<6x!tpu.dma_semaphore, #tpu.memory_space<semaphore_mem>> -> memref<1x!tpu.dma_semaphore, #tpu.memory_space<semaphore_mem>>
      %dma_wait3A_161 = tpu.memref_squeeze %dma_wait3A_160 : memref<1x!tpu.dma_semaphore, #tpu.memory_space<semaphore_mem>> -> memref<!tpu.dma_semaphore, #tpu.memory_space<semaphore_mem>>
      %dma_wait3A_162 = arith.constant 0 : i32
      %dma_wait3A_163 = arith.constant 0 : i32
      %dma_wait3A_164 = tpu.memref_slice %arg5[%arg0, %dma_wait3A_162, %dma_wait3A_163] : memref<2x10032x128xf32, #tpu.memory_space<hbm>> -> memref<1x10032x128xf32, #tpu.memory_space<hbm>>
      %dma_wait3A_165 = tpu.memref_squeeze %dma_wait3A_164 : memref<1x10032x128xf32, #tpu.memory_space<hbm>> -> memref<10032x128xf32, #tpu.memory_space<hbm>>
      %dma_wait3A_166 = arith.constant 0 : i32
      %dma_wait3A_167 = tpu.memref_slice %dma_wait3A_165[%mul3A_149, %dma_wait3A_166] : memref<10032x128xf32, #tpu.memory_space<hbm>> -> memref<57x128xf32, #tpu.memory_space<hbm>>
      %dma_wait3A_168 = arith.constant 0 : i32
      %dma_wait3A_169 = arith.constant 0 : i32
      %dma_wait3A_170 = tpu.memref_slice %arg9[%rem3A_147, %dma_wait3A_168, %dma_wait3A_169] : memref<6x64x128xf32, #tpu.memory_space<vmem>> -> memref<1x57x128xf32, #tpu.memory_space<vmem>>
      %dma_wait3A_171 = tpu.memref_squeeze %dma_wait3A_170 : memref<1x57x128xf32, #tpu.memory_space<vmem>> -> memref<57x128xf32, #tpu.memory_space<vmem>>
      tpu.wait_dma2 semaphore(%dma_wait3A_161 : memref<!tpu.dma_semaphore, #tpu.memory_space<semaphore_mem>>) src(%dma_wait3A_171 : memref<57x128xf32, #tpu.memory_space<vmem>>) dst(%dma_wait3A_167 : memref<57x128xf32, #tpu.memory_space<hbm>>)
    }
    %scan3A_145 = arith.constant 6 : i32
    return
  }
}

#map = affine_map<(d0, d1) -> (0, 0)>
#map1 = affine_map<(d0, d1) -> (0, 0, 0)>
module attributes {stable_mosaic.version = 14 : i64} {
  func.func @_conv_body(%arg0: i32, %arg1: i32, %arg2: memref<5184x64xi32, #tpu.memory_space<hbm>>, %arg3: memref<5184x64xi32, #tpu.memory_space<hbm>>, %arg4: memref<10000x128xf32, #tpu.memory_space<hbm>>, %arg5: memref<2x10032x128xf32, #tpu.memory_space<hbm>>, %arg6: memref<2x6x64xi32, #tpu.memory_space<vmem>>, %arg7: memref<2x6x64xi32, #tpu.memory_space<vmem>>, %arg8: memref<10032x128xf32, #tpu.memory_space<vmem_shared>>, %arg9: memref<6x64x128xf32, #tpu.memory_space<vmem>>, %arg10: memref<6x!tpu.dma_semaphore, #tpu.memory_space<semaphore_mem>>, %arg11: memref<6x!tpu.dma_semaphore, #tpu.memory_space<semaphore_mem>>, %arg12: memref<2x!tpu.dma_semaphore, #tpu.memory_space<semaphore_mem>>) attributes {dimension_semantics = [#tpu.dimension_semantics<core_parallel>, #tpu.dimension_semantics<subcore_parallel>], iteration_bounds = array<i64: 2, 16>, scalar_prefetch = 0 : i64, scratch_operands = 7 : i64, tpu.core_type = #tpu.core_type<sc_vector_subcore>, window_params = [{transform_indices = #map}, {transform_indices = #map}, {transform_indices = #map}, {transform_indices = #map1}]} {
    %mul3A = arith.constant 16 : i32
    %mul3A_0 = arith.muli %arg0, %mul3A : i32
    %add3A = arith.addi %mul3A_0, %arg1 : i32
    %mul3A_1 = arith.constant 162 : i32
    %mul3A_2 = arith.muli %add3A, %mul3A_1 : i32
    %dma_start3A = arith.constant 0 : i32
    %dma_start3A_3 = arith.constant 0 : i32
    %dma_start3A_4 = arith.constant 0 : i32
    %dma_start3A_5 = arith.constant 0 : i32
    %dma_start3A_6 = tpu.memref_slice %arg6[%dma_start3A, %dma_start3A_4, %dma_start3A_5] : memref<2x6x64xi32, #tpu.memory_space<vmem>> -> memref<1x6x64xi32, #tpu.memory_space<vmem>>
    %dma_start3A_7 = tpu.memref_squeeze %dma_start3A_6 : memref<1x6x64xi32, #tpu.memory_space<vmem>> -> memref<6x64xi32, #tpu.memory_space<vmem>>
    %dma_start3A_8 = arith.constant 0 : i32
    %dma_start3A_9 = tpu.memref_slice %arg2[%mul3A_2, %dma_start3A_8] : memref<5184x64xi32, #tpu.memory_space<hbm>> -> memref<6x64xi32, #tpu.memory_space<hbm>>
    %dma_start3A_10 = tpu.memref_slice %arg12[%dma_start3A_3] : memref<2x!tpu.dma_semaphore, #tpu.memory_space<semaphore_mem>> -> memref<1x!tpu.dma_semaphore, #tpu.memory_space<semaphore_mem>>
    %dma_start3A_11 = tpu.memref_squeeze %dma_start3A_10 : memref<1x!tpu.dma_semaphore, #tpu.memory_space<semaphore_mem>> -> memref<!tpu.dma_semaphore, #tpu.memory_space<semaphore_mem>>
    %dma_start3A_12 = arith.constant 0 : i32
    %dma_start3A_13 = arith.constant 0 : i32
    %dma_start3A_14 = tpu.memref_slice %arg6[%dma_start3A, %dma_start3A_12, %dma_start3A_13] : memref<2x6x64xi32, #tpu.memory_space<vmem>> -> memref<1x6x64xi32, #tpu.memory_space<vmem>>
    %dma_start3A_15 = tpu.memref_squeeze %dma_start3A_14 : memref<1x6x64xi32, #tpu.memory_space<vmem>> -> memref<6x64xi32, #tpu.memory_space<vmem>>
    %dma_start3A_16 = arith.constant 0 : i32
    %dma_start3A_17 = tpu.memref_slice %arg2[%mul3A_2, %dma_start3A_16] : memref<5184x64xi32, #tpu.memory_space<hbm>> -> memref<6x64xi32, #tpu.memory_space<hbm>>
    tpu.enqueue_dma source(%dma_start3A_17 : memref<6x64xi32, #tpu.memory_space<hbm>>) target(%dma_start3A_15 : memref<6x64xi32, #tpu.memory_space<vmem>>) target_semaphore(%dma_start3A_11 : memref<!tpu.dma_semaphore, #tpu.memory_space<semaphore_mem>>)
    %dma_start3A_18 = arith.constant 0 : i32
    %dma_start3A_19 = arith.constant 0 : i32
    %dma_start3A_20 = arith.constant 0 : i32
    %dma_start3A_21 = arith.constant 0 : i32
    %dma_start3A_22 = tpu.memref_slice %arg7[%dma_start3A_18, %dma_start3A_20, %dma_start3A_21] : memref<2x6x64xi32, #tpu.memory_space<vmem>> -> memref<1x6x64xi32, #tpu.memory_space<vmem>>
    %dma_start3A_23 = tpu.memref_squeeze %dma_start3A_22 : memref<1x6x64xi32, #tpu.memory_space<vmem>> -> memref<6x64xi32, #tpu.memory_space<vmem>>
    %dma_start3A_24 = arith.constant 0 : i32
    %dma_start3A_25 = tpu.memref_slice %arg3[%mul3A_2, %dma_start3A_24] : memref<5184x64xi32, #tpu.memory_space<hbm>> -> memref<6x64xi32, #tpu.memory_space<hbm>>
    %dma_start3A_26 = tpu.memref_slice %arg12[%dma_start3A_19] : memref<2x!tpu.dma_semaphore, #tpu.memory_space<semaphore_mem>> -> memref<1x!tpu.dma_semaphore, #tpu.memory_space<semaphore_mem>>
    %dma_start3A_27 = tpu.memref_squeeze %dma_start3A_26 : memref<1x!tpu.dma_semaphore, #tpu.memory_space<semaphore_mem>> -> memref<!tpu.dma_semaphore, #tpu.memory_space<semaphore_mem>>
    %dma_start3A_28 = arith.constant 0 : i32
    %dma_start3A_29 = arith.constant 0 : i32
    %dma_start3A_30 = tpu.memref_slice %arg7[%dma_start3A_18, %dma_start3A_28, %dma_start3A_29] : memref<2x6x64xi32, #tpu.memory_space<vmem>> -> memref<1x6x64xi32, #tpu.memory_space<vmem>>
    %dma_start3A_31 = tpu.memref_squeeze %dma_start3A_30 : memref<1x6x64xi32, #tpu.memory_space<vmem>> -> memref<6x64xi32, #tpu.memory_space<vmem>>
    %dma_start3A_32 = arith.constant 0 : i32
    %dma_start3A_33 = tpu.memref_slice %arg3[%mul3A_2, %dma_start3A_32] : memref<5184x64xi32, #tpu.memory_space<hbm>> -> memref<6x64xi32, #tpu.memory_space<hbm>>
    tpu.enqueue_dma source(%dma_start3A_33 : memref<6x64xi32, #tpu.memory_space<hbm>>) target(%dma_start3A_31 : memref<6x64xi32, #tpu.memory_space<vmem>>) target_semaphore(%dma_start3A_27 : memref<!tpu.dma_semaphore, #tpu.memory_space<semaphore_mem>>)
    %scan3A = arith.constant 0 : i32
    %scan3A_34 = arith.constant 0 : i32
    %scan3A_35 = arith.constant 57 : i32
    %scan3A_36 = arith.addi %scan3A_34, %scan3A_35 : i32
    %scan3A_37 = arith.constant 1 : i32
    scf.for %scan3A_149 = %scan3A_34 to %scan3A_36 step %scan3A_37  : i32 {
      %broadcast_in_dim3A = arith.constant 0.000000e+00 : f32
      %broadcast_in_dim3A_150 = vector.broadcast %broadcast_in_dim3A : f32 to vector<16xf32>
      %swap3A = arith.constant 0 : i32
      %swap3A_151 = arith.index_cast %swap3A : i32 to index
      %swap3A_152 = arith.index_cast %scan3A_149 : i32 to index
      %swap3A_153 = arith.constant 0 : index
      %swap3A_154 = tpu.vector_load %arg9[%swap3A_151, %swap3A_152, %swap3A_153] {strides = array<i32>} : memref<6x64x128xf32, #tpu.memory_space<vmem>>, vector<1x1x16xf32>,
      %swap3A_155 = vector.shape_cast %swap3A_154 : vector<1x1x16xf32> to vector<16xf32>
      %swap3A_156 = vector.shape_cast %broadcast_in_dim3A_150 : vector<16xf32> to vector<1x1x16xf32>
      tpu.vector_store %arg9[%swap3A_151, %swap3A_152, %swap3A_153], %swap3A_156 {strides = array<i32>} : memref<6x64x128xf32, #tpu.memory_space<vmem>>, vector<1x1x16xf32>,
      %broadcast_in_dim3A_157 = arith.constant 0.000000e+00 : f32
      %broadcast_in_dim3A_158 = vector.broadcast %broadcast_in_dim3A_157 : f32 to vector<16xf32>
      %swap3A_159 = arith.constant 0 : i32
      %swap3A_160 = arith.index_cast %swap3A_159 : i32 to index
      %swap3A_161 = arith.index_cast %scan3A_149 : i32 to index
      %swap3A_162 = arith.constant 16 : index
      %swap3A_163 = tpu.vector_load %arg9[%swap3A_160, %swap3A_161, %swap3A_162] {strides = array<i32>} : memref<6x64x128xf32, #tpu.memory_space<vmem>>, vector<1x1x16xf32>,
      %swap3A_164 = vector.shape_cast %swap3A_163 : vector<1x1x16xf32> to vector<16xf32>
      %swap3A_165 = vector.shape_cast %broadcast_in_dim3A_158 : vector<16xf32> to vector<1x1x16xf32>
      tpu.vector_store %arg9[%swap3A_160, %swap3A_161, %swap3A_162], %swap3A_165 {strides = array<i32>} : memref<6x64x128xf32, #tpu.memory_space<vmem>>, vector<1x1x16xf32>,
      %broadcast_in_dim3A_166 = arith.constant 0.000000e+00 : f32
      %broadcast_in_dim3A_167 = vector.broadcast %broadcast_in_dim3A_166 : f32 to vector<16xf32>
      %swap3A_168 = arith.constant 0 : i32
      %swap3A_169 = arith.index_cast %swap3A_168 : i32 to index
      %swap3A_170 = arith.index_cast %scan3A_149 : i32 to index
      %swap3A_171 = arith.constant 32 : index
      %swap3A_172 = tpu.vector_load %arg9[%swap3A_169, %swap3A_170, %swap3A_171] {strides = array<i32>} : memref<6x64x128xf32, #tpu.memory_space<vmem>>, vector<1x1x16xf32>,
      %swap3A_173 = vector.shape_cast %swap3A_172 : vector<1x1x16xf32> to vector<16xf32>
      %swap3A_174 = vector.shape_cast %broadcast_in_dim3A_167 : vector<16xf32> to vector<1x1x16xf32>
      tpu.vector_store %arg9[%swap3A_169, %swap3A_170, %swap3A_171], %swap3A_174 {strides = array<i32>} : memref<6x64x128xf32, #tpu.memory_space<vmem>>, vector<1x1x16xf32>,
      %broadcast_in_dim3A_175 = arith.constant 0.000000e+00 : f32
      %broadcast_in_dim3A_176 = vector.broadcast %broadcast_in_dim3A_175 : f32 to vector<16xf32>
      %swap3A_177 = arith.constant 0 : i32
      %swap3A_178 = arith.index_cast %swap3A_177 : i32 to index
      %swap3A_179 = arith.index_cast %scan3A_149 : i32 to index
      %swap3A_180 = arith.constant 48 : index
      %swap3A_181 = tpu.vector_load %arg9[%swap3A_178, %swap3A_179, %swap3A_180] {strides = array<i32>} : memref<6x64x128xf32, #tpu.memory_space<vmem>>, vector<1x1x16xf32>,
      %swap3A_182 = vector.shape_cast %swap3A_181 : vector<1x1x16xf32> to vector<16xf32>
      %swap3A_183 = vector.shape_cast %broadcast_in_dim3A_176 : vector<16xf32> to vector<1x1x16xf32>
      tpu.vector_store %arg9[%swap3A_178, %swap3A_179, %swap3A_180], %swap3A_183 {strides = array<i32>} : memref<6x64x128xf32, #tpu.memory_space<vmem>>, vector<1x1x16xf32>,
      %broadcast_in_dim3A_184 = arith.constant 0.000000e+00 : f32
      %broadcast_in_dim3A_185 = vector.broadcast %broadcast_in_dim3A_184 : f32 to vector<16xf32>
      %swap3A_186 = arith.constant 0 : i32
      %swap3A_187 = arith.index_cast %swap3A_186 : i32 to index
      %swap3A_188 = arith.index_cast %scan3A_149 : i32 to index
      %swap3A_189 = arith.constant 64 : index
      %swap3A_190 = tpu.vector_load %arg9[%swap3A_187, %swap3A_188, %swap3A_189] {strides = array<i32>} : memref<6x64x128xf32, #tpu.memory_space<vmem>>, vector<1x1x16xf32>,
      %swap3A_191 = vector.shape_cast %swap3A_190 : vector<1x1x16xf32> to vector<16xf32>
      %swap3A_192 = vector.shape_cast %broadcast_in_dim3A_185 : vector<16xf32> to vector<1x1x16xf32>
      tpu.vector_store %arg9[%swap3A_187, %swap3A_188, %swap3A_189], %swap3A_192 {strides = array<i32>} : memref<6x64x128xf32, #tpu.memory_space<vmem>>, vector<1x1x16xf32>,
      %broadcast_in_dim3A_193 = arith.constant 0.000000e+00 : f32
      %broadcast_in_dim3A_194 = vector.broadcast %broadcast_in_dim3A_193 : f32 to vector<16xf32>
      %swap3A_195 = arith.constant 0 : i32
      %swap3A_196 = arith.index_cast %swap3A_195 : i32 to index
      %swap3A_197 = arith.index_cast %scan3A_149 : i32 to index
      %swap3A_198 = arith.constant 80 : index
      %swap3A_199 = tpu.vector_load %arg9[%swap3A_196, %swap3A_197, %swap3A_198] {strides = array<i32>} : memref<6x64x128xf32, #tpu.memory_space<vmem>>, vector<1x1x16xf32>,
      %swap3A_200 = vector.shape_cast %swap3A_199 : vector<1x1x16xf32> to vector<16xf32>
      %swap3A_201 = vector.shape_cast %broadcast_in_dim3A_194 : vector<16xf32> to vector<1x1x16xf32>
      tpu.vector_store %arg9[%swap3A_196, %swap3A_197, %swap3A_198], %swap3A_201 {strides = array<i32>} : memref<6x64x128xf32, #tpu.memory_space<vmem>>, vector<1x1x16xf32>,
      %broadcast_in_dim3A_202 = arith.constant 0.000000e+00 : f32
      %broadcast_in_dim3A_203 = vector.broadcast %broadcast_in_dim3A_202 : f32 to vector<16xf32>
      %swap3A_204 = arith.constant 0 : i32
      %swap3A_205 = arith.index_cast %swap3A_204 : i32 to index
      %swap3A_206 = arith.index_cast %scan3A_149 : i32 to index
      %swap3A_207 = arith.constant 96 : index
      %swap3A_208 = tpu.vector_load %arg9[%swap3A_205, %swap3A_206, %swap3A_207] {strides = array<i32>} : memref<6x64x128xf32, #tpu.memory_space<vmem>>, vector<1x1x16xf32>,
      %swap3A_209 = vector.shape_cast %swap3A_208 : vector<1x1x16xf32> to vector<16xf32>
      %swap3A_210 = vector.shape_cast %broadcast_in_dim3A_203 : vector<16xf32> to vector<1x1x16xf32>
      tpu.vector_store %arg9[%swap3A_205, %swap3A_206, %swap3A_207], %swap3A_210 {strides = array<i32>} : memref<6x64x128xf32, #tpu.memory_space<vmem>>, vector<1x1x16xf32>,
      %broadcast_in_dim3A_211 = arith.constant 0.000000e+00 : f32
      %broadcast_in_dim3A_212 = vector.broadcast %broadcast_in_dim3A_211 : f32 to vector<16xf32>
      %swap3A_213 = arith.constant 0 : i32
      %swap3A_214 = arith.index_cast %swap3A_213 : i32 to index
      %swap3A_215 = arith.index_cast %scan3A_149 : i32 to index
      %swap3A_216 = arith.constant 112 : index
      %swap3A_217 = tpu.vector_load %arg9[%swap3A_214, %swap3A_215, %swap3A_216] {strides = array<i32>} : memref<6x64x128xf32, #tpu.memory_space<vmem>>, vector<1x1x16xf32>,
      %swap3A_218 = vector.shape_cast %swap3A_217 : vector<1x1x16xf32> to vector<16xf32>
      %swap3A_219 = vector.shape_cast %broadcast_in_dim3A_212 : vector<16xf32> to vector<1x1x16xf32>
      tpu.vector_store %arg9[%swap3A_214, %swap3A_215, %swap3A_216], %swap3A_219 {strides = array<i32>} : memref<6x64x128xf32, #tpu.memory_space<vmem>>, vector<1x1x16xf32>,
    }
    %scan3A_38 = arith.constant 57 : i32
    %scan3A_39 = arith.constant 0 : i32
    %scan3A_40 = arith.constant 0 : i32
    %scan3A_41 = arith.constant 11 : i32
    %scan3A_42 = arith.addi %scan3A_40, %scan3A_41 : i32
    %scan3A_43 = arith.constant 1 : i32
    scf.for %scan3A_149 = %scan3A_40 to %scan3A_42 step %scan3A_43  : i32 {
      %mul3A_150 = arith.constant 627 : i32
      %mul3A_151 = arith.muli %arg1, %mul3A_150 : i32
      %mul3A_152 = arith.constant 57 : i32
      %mul3A_153 = arith.muli %scan3A_149, %mul3A_152 : i32
      %add3A_154 = arith.addi %mul3A_151, %mul3A_153 : i32
      %dma_start3A_155 = arith.constant 0 : i32
      %dma_start3A_156 = arith.constant 0 : i32
      %dma_start3A_157 = arith.constant 0 : i32
      %dma_start3A_158 = arith.constant 0 : i32
      %dma_start3A_159 = tpu.memref_slice %arg9[%dma_start3A_155, %dma_start3A_157, %dma_start3A_158] : memref<6x64x128xf32, #tpu.memory_space<vmem>> -> memref<1x57x128xf32, #tpu.memory_space<vmem>>
      %dma_start3A_160 = tpu.memref_squeeze %dma_start3A_159 : memref<1x57x128xf32, #tpu.memory_space<vmem>> -> memref<57x128xf32, #tpu.memory_space<vmem>>
      %dma_start3A_161 = arith.constant 0 : i32
      %dma_start3A_162 = tpu.memref_slice %arg8[%add3A_154, %dma_start3A_161] : memref<10032x128xf32, #tpu.memory_space<vmem_shared>> -> memref<57x128xf32, #tpu.memory_space<vmem_shared>>
      %dma_start3A_163 = tpu.memref_slice %arg11[%dma_start3A_156] : memref<6x!tpu.dma_semaphore, #tpu.memory_space<semaphore_mem>> -> memref<1x!tpu.dma_semaphore, #tpu.memory_space<semaphore_mem>>
      %dma_start3A_164 = tpu.memref_squeeze %dma_start3A_163 : memref<1x!tpu.dma_semaphore, #tpu.memory_space<semaphore_mem>> -> memref<!tpu.dma_semaphore, #tpu.memory_space<semaphore_mem>>
      %dma_start3A_165 = arith.constant 0 : i32
      %dma_start3A_166 = tpu.memref_slice %arg8[%add3A_154, %dma_start3A_165] : memref<10032x128xf32, #tpu.memory_space<vmem_shared>> -> memref<57x128xf32, #tpu.memory_space<vmem_shared>>
      %dma_start3A_167 = arith.constant 0 : i32
      %dma_start3A_168 = arith.constant 0 : i32
      %dma_start3A_169 = tpu.memref_slice %arg9[%dma_start3A_155, %dma_start3A_167, %dma_start3A_168] : memref<6x64x128xf32, #tpu.memory_space<vmem>> -> memref<1x57x128xf32, #tpu.memory_space<vmem>>
      %dma_start3A_170 = tpu.memref_squeeze %dma_start3A_169 : memref<1x57x128xf32, #tpu.memory_space<vmem>> -> memref<57x128xf32, #tpu.memory_space<vmem>>
      tpu.enqueue_dma source(%dma_start3A_170 : memref<57x128xf32, #tpu.memory_space<vmem>>) target(%dma_start3A_166 : memref<57x128xf32, #tpu.memory_space<vmem_shared>>) target_semaphore(%dma_start3A_164 : memref<!tpu.dma_semaphore, #tpu.memory_space<semaphore_mem>>)
    }
    %scan3A_44 = arith.constant 11 : i32
    %scan3A_45 = arith.constant 0 : i32
    %scan3A_46 = arith.constant 0 : i32
    %scan3A_47 = arith.constant 11 : i32
    %scan3A_48 = arith.addi %scan3A_46, %scan3A_47 : i32
    %scan3A_49 = arith.constant 1 : i32
    scf.for %scan3A_149 = %scan3A_46 to %scan3A_48 step %scan3A_49  : i32 {
      %mul3A_150 = arith.constant 627 : i32
      %mul3A_151 = arith.muli %arg1, %mul3A_150 : i32
      %dma_wait3A_152 = arith.constant 0 : i32
      %dma_wait3A_153 = arith.constant 0 : i32
      %dma_wait3A_154 = arith.constant 0 : i32
      %dma_wait3A_155 = arith.constant 0 : i32
      %dma_wait3A_156 = tpu.memref_slice %arg9[%dma_wait3A_152, %dma_wait3A_154, %dma_wait3A_155] : memref<6x64x128xf32, #tpu.memory_space<vmem>> -> memref<1x57x128xf32, #tpu.memory_space<vmem>>
      %dma_wait3A_157 = tpu.memref_squeeze %dma_wait3A_156 : memref<1x57x128xf32, #tpu.memory_space<vmem>> -> memref<57x128xf32, #tpu.memory_space<vmem>>
      %dma_wait3A_158 = arith.constant 0 : i32
      %dma_wait3A_159 = tpu.memref_slice %arg8[%mul3A_151, %dma_wait3A_158] : memref<10032x128xf32, #tpu.memory_space<vmem_shared>> -> memref<57x128xf32, #tpu.memory_space<vmem_shared>>
      %dma_wait3A_160 = tpu.memref_slice %arg11[%dma_wait3A_153] : memref<6x!tpu.dma_semaphore, #tpu.memory_space<semaphore_mem>> -> memref<1x!tpu.dma_semaphore, #tpu.memory_space<semaphore_mem>>
      %dma_wait3A_161 = tpu.memref_squeeze %dma_wait3A_160 : memref<1x!tpu.dma_semaphore, #tpu.memory_space<semaphore_mem>> -> memref<!tpu.dma_semaphore, #tpu.memory_space<semaphore_mem>>
      %dma_wait3A_162 = arith.constant 0 : i32
      %dma_wait3A_163 = tpu.memref_slice %arg8[%mul3A_151, %dma_wait3A_162] : memref<10032x128xf32, #tpu.memory_space<vmem_shared>> -> memref<57x128xf32, #tpu.memory_space<vmem_shared>>
      %dma_wait3A_164 = arith.constant 0 : i32
      %dma_wait3A_165 = arith.constant 0 : i32
      %dma_wait3A_166 = tpu.memref_slice %arg9[%dma_wait3A_152, %dma_wait3A_164, %dma_wait3A_165] : memref<6x64x128xf32, #tpu.memory_space<vmem>> -> memref<1x57x128xf32, #tpu.memory_space<vmem>>
      %dma_wait3A_167 = tpu.memref_squeeze %dma_wait3A_166 : memref<1x57x128xf32, #tpu.memory_space<vmem>> -> memref<57x128xf32, #tpu.memory_space<vmem>>
      tpu.wait_dma2 semaphore(%dma_wait3A_161 : memref<!tpu.dma_semaphore, #tpu.memory_space<semaphore_mem>>) src(%dma_wait3A_167 : memref<57x128xf32, #tpu.memory_space<vmem>>) dst(%dma_wait3A_163 : memref<57x128xf32, #tpu.memory_space<vmem_shared>>)
    }
    %scan3A_50 = arith.constant 11 : i32
    %barrier3A = arith.constant 0 : index
    tpu.barrier barrier_id(%barrier3A)
    %dma_wait3A = arith.constant 0 : i32
    %dma_wait3A_51 = arith.constant 0 : i32
    %dma_wait3A_52 = arith.constant 0 : i32
    %dma_wait3A_53 = arith.constant 0 : i32
    %dma_wait3A_54 = tpu.memref_slice %arg6[%dma_wait3A, %dma_wait3A_52, %dma_wait3A_53] : memref<2x6x64xi32, #tpu.memory_space<vmem>> -> memref<1x6x64xi32, #tpu.memory_space<vmem>>
    %dma_wait3A_55 = tpu.memref_squeeze %dma_wait3A_54 : memref<1x6x64xi32, #tpu.memory_space<vmem>> -> memref<6x64xi32, #tpu.memory_space<vmem>>
    %dma_wait3A_56 = arith.constant 0 : i32
    %dma_wait3A_57 = tpu.memref_slice %arg2[%mul3A_2, %dma_wait3A_56] : memref<5184x64xi32, #tpu.memory_space<hbm>> -> memref<6x64xi32, #tpu.memory_space<hbm>>
    %dma_wait3A_58 = tpu.memref_slice %arg12[%dma_wait3A_51] : memref<2x!tpu.dma_semaphore, #tpu.memory_space<semaphore_mem>> -> memref<1x!tpu.dma_semaphore, #tpu.memory_space<semaphore_mem>>
    %dma_wait3A_59 = tpu.memref_squeeze %dma_wait3A_58 : memref<1x!tpu.dma_semaphore, #tpu.memory_space<semaphore_mem>> -> memref<!tpu.dma_semaphore, #tpu.memory_space<semaphore_mem>>
    %dma_wait3A_60 = arith.constant 0 : i32
    %dma_wait3A_61 = arith.constant 0 : i32
    %dma_wait3A_62 = tpu.memref_slice %arg6[%dma_wait3A, %dma_wait3A_60, %dma_wait3A_61] : memref<2x6x64xi32, #tpu.memory_space<vmem>> -> memref<1x6x64xi32, #tpu.memory_space<vmem>>
    %dma_wait3A_63 = tpu.memref_squeeze %dma_wait3A_62 : memref<1x6x64xi32, #tpu.memory_space<vmem>> -> memref<6x64xi32, #tpu.memory_space<vmem>>
    %dma_wait3A_64 = arith.constant 0 : i32
    %dma_wait3A_65 = tpu.memref_slice %arg2[%mul3A_2, %dma_wait3A_64] : memref<5184x64xi32, #tpu.memory_space<hbm>> -> memref<6x64xi32, #tpu.memory_space<hbm>>
    tpu.wait_dma2 semaphore(%dma_wait3A_59 : memref<!tpu.dma_semaphore, #tpu.memory_space<semaphore_mem>>) src(%dma_wait3A_65 : memref<6x64xi32, #tpu.memory_space<hbm>>) dst(%dma_wait3A_63 : memref<6x64xi32, #tpu.memory_space<vmem>>)
    %dma_wait3A_66 = arith.constant 0 : i32
    %dma_wait3A_67 = arith.constant 0 : i32
    %dma_wait3A_68 = arith.constant 0 : i32
    %dma_wait3A_69 = arith.constant 0 : i32
    %dma_wait3A_70 = tpu.memref_slice %arg7[%dma_wait3A_66, %dma_wait3A_68, %dma_wait3A_69] : memref<2x6x64xi32, #tpu.memory_space<vmem>> -> memref<1x6x64xi32, #tpu.memory_space<vmem>>
    %dma_wait3A_71 = tpu.memref_squeeze %dma_wait3A_70 : memref<1x6x64xi32, #tpu.memory_space<vmem>> -> memref<6x64xi32, #tpu.memory_space<vmem>>
    %dma_wait3A_72 = arith.constant 0 : i32
    %dma_wait3A_73 = tpu.memref_slice %arg3[%mul3A_2, %dma_wait3A_72] : memref<5184x64xi32, #tpu.memory_space<hbm>> -> memref<6x64xi32, #tpu.memory_space<hbm>>
    %dma_wait3A_74 = tpu.memref_slice %arg12[%dma_wait3A_67] : memref<2x!tpu.dma_semaphore, #tpu.memory_space<semaphore_mem>> -> memref<1x!tpu.dma_semaphore, #tpu.memory_space<semaphore_mem>>
    %dma_wait3A_75 = tpu.memref_squeeze %dma_wait3A_74 : memref<1x!tpu.dma_semaphore, #tpu.memory_space<semaphore_mem>> -> memref<!tpu.dma_semaphore, #tpu.memory_space<semaphore_mem>>
    %dma_wait3A_76 = arith.constant 0 : i32
    %dma_wait3A_77 = arith.constant 0 : i32
    %dma_wait3A_78 = tpu.memref_slice %arg7[%dma_wait3A_66, %dma_wait3A_76, %dma_wait3A_77] : memref<2x6x64xi32, #tpu.memory_space<vmem>> -> memref<1x6x64xi32, #tpu.memory_space<vmem>>
    %dma_wait3A_79 = tpu.memref_squeeze %dma_wait3A_78 : memref<1x6x64xi32, #tpu.memory_space<vmem>> -> memref<6x64xi32, #tpu.memory_space<vmem>>
    %dma_wait3A_80 = arith.constant 0 : i32
    %dma_wait3A_81 = tpu.memref_slice %arg3[%mul3A_2, %dma_wait3A_80] : memref<5184x64xi32, #tpu.memory_space<hbm>> -> memref<6x64xi32, #tpu.memory_space<hbm>>
    tpu.wait_dma2 semaphore(%dma_wait3A_75 : memref<!tpu.dma_semaphore, #tpu.memory_space<semaphore_mem>>) src(%dma_wait3A_81 : memref<6x64xi32, #tpu.memory_space<hbm>>) dst(%dma_wait3A_79 : memref<6x64xi32, #tpu.memory_space<vmem>>)
    %add3A_82 = arith.constant 6 : i32
    %add3A_83 = arith.addi %mul3A_2, %add3A_82 : i32
    %dma_start3A_84 = arith.constant 1 : i32
    %dma_start3A_85 = arith.constant 1 : i32
    %dma_start3A_86 = arith.constant 0 : i32
    %dma_start3A_87 = arith.constant 0 : i32
    %dma_start3A_88 = tpu.memref_slice %arg6[%dma_start3A_84, %dma_start3A_86, %dma_start3A_87] : memref<2x6x64xi32, #tpu.memory_space<vmem>> -> memref<1x6x64xi32, #tpu.memory_space<vmem>>
    %dma_start3A_89 = tpu.memref_squeeze %dma_start3A_88 : memref<1x6x64xi32, #tpu.memory_space<vmem>> -> memref<6x64xi32, #tpu.memory_space<vmem>>
    %dma_start3A_90 = arith.constant 0 : i32
    %dma_start3A_91 = tpu.memref_slice %arg2[%add3A_83, %dma_start3A_90] : memref<5184x64xi32, #tpu.memory_space<hbm>> -> memref<6x64xi32, #tpu.memory_space<hbm>>
    %dma_start3A_92 = tpu.memref_slice %arg12[%dma_start3A_85] : memref<2x!tpu.dma_semaphore, #tpu.memory_space<semaphore_mem>> -> memref<1x!tpu.dma_semaphore, #tpu.memory_space<semaphore_mem>>
    %dma_start3A_93 = tpu.memref_squeeze %dma_start3A_92 : memref<1x!tpu.dma_semaphore, #tpu.memory_space<semaphore_mem>> -> memref<!tpu.dma_semaphore, #tpu.memory_space<semaphore_mem>>
    %dma_start3A_94 = arith.constant 0 : i32
    %dma_start3A_95 = arith.constant 0 : i32
    %dma_start3A_96 = tpu.memref_slice %arg6[%dma_start3A_84, %dma_start3A_94, %dma_start3A_95] : memref<2x6x64xi32, #tpu.memory_space<vmem>> -> memref<1x6x64xi32, #tpu.memory_space<vmem>>
    %dma_start3A_97 = tpu.memref_squeeze %dma_start3A_96 : memref<1x6x64xi32, #tpu.memory_space<vmem>> -> memref<6x64xi32, #tpu.memory_space<vmem>>
    %dma_start3A_98 = arith.constant 0 : i32
    %dma_start3A_99 = tpu.memref_slice %arg2[%add3A_83, %dma_start3A_98] : memref<5184x64xi32, #tpu.memory_space<hbm>> -> memref<6x64xi32, #tpu.memory_space<hbm>>
    tpu.enqueue_dma source(%dma_start3A_99 : memref<6x64xi32, #tpu.memory_space<hbm>>) target(%dma_start3A_97 : memref<6x64xi32, #tpu.memory_space<vmem>>) target_semaphore(%dma_start3A_93 : memref<!tpu.dma_semaphore, #tpu.memory_space<semaphore_mem>>)
    %add3A_100 = arith.constant 6 : i32
    %add3A_101 = arith.addi %mul3A_2, %add3A_100 : i32
    %dma_start3A_102 = arith.constant 1 : i32
    %dma_start3A_103 = arith.constant 1 : i32
    %dma_start3A_104 = arith.constant 0 : i32
    %dma_start3A_105 = arith.constant 0 : i32
    %dma_start3A_106 = tpu.memref_slice %arg7[%dma_start3A_102, %dma_start3A_104, %dma_start3A_105] : memref<2x6x64xi32, #tpu.memory_space<vmem>> -> memref<1x6x64xi32, #tpu.memory_space<vmem>>
    %dma_start3A_107 = tpu.memref_squeeze %dma_start3A_106 : memref<1x6x64xi32, #tpu.memory_space<vmem>> -> memref<6x64xi32, #tpu.memory_space<vmem>>
    %dma_start3A_108 = arith.constant 0 : i32
    %dma_start3A_109 = tpu.memref_slice %arg3[%add3A_101, %dma_start3A_108] : memref<5184x64xi32, #tpu.memory_space<hbm>> -> memref<6x64xi32, #tpu.memory_space<hbm>>
    %dma_start3A_110 = tpu.memref_slice %arg12[%dma_start3A_103] : memref<2x!tpu.dma_semaphore, #tpu.memory_space<semaphore_mem>> -> memref<1x!tpu.dma_semaphore, #tpu.memory_space<semaphore_mem>>
    %dma_start3A_111 = tpu.memref_squeeze %dma_start3A_110 : memref<1x!tpu.dma_semaphore, #tpu.memory_space<semaphore_mem>> -> memref<!tpu.dma_semaphore, #tpu.memory_space<semaphore_mem>>
    %dma_start3A_112 = arith.constant 0 : i32
    %dma_start3A_113 = arith.constant 0 : i32
    %dma_start3A_114 = tpu.memref_slice %arg7[%dma_start3A_102, %dma_start3A_112, %dma_start3A_113] : memref<2x6x64xi32, #tpu.memory_space<vmem>> -> memref<1x6x64xi32, #tpu.memory_space<vmem>>
    %dma_start3A_115 = tpu.memref_squeeze %dma_start3A_114 : memref<1x6x64xi32, #tpu.memory_space<vmem>> -> memref<6x64xi32, #tpu.memory_space<vmem>>
    %dma_start3A_116 = arith.constant 0 : i32
    %dma_start3A_117 = tpu.memref_slice %arg3[%add3A_101, %dma_start3A_116] : memref<5184x64xi32, #tpu.memory_space<hbm>> -> memref<6x64xi32, #tpu.memory_space<hbm>>
    tpu.enqueue_dma source(%dma_start3A_117 : memref<6x64xi32, #tpu.memory_space<hbm>>) target(%dma_start3A_115 : memref<6x64xi32, #tpu.memory_space<vmem>>) target_semaphore(%dma_start3A_111 : memref<!tpu.dma_semaphore, #tpu.memory_space<semaphore_mem>>)
    %scan3A_118 = arith.constant 0 : i32
    %scan3A_119 = arith.constant 0 : i32
    %scan3A_120 = arith.constant 6 : i32
    %scan3A_121 = arith.addi %scan3A_119, %scan3A_120 : i32
    %scan3A_122 = arith.constant 1 : i32
    scf.for %scan3A_149 = %scan3A_119 to %scan3A_121 step %scan3A_122  : i32 {
      %dma_start3A_150 = arith.constant 0 : i32
      %dma_start3A_151 = arith.constant 0 : i32
      %dma_start3A_152 = arith.constant 0 : i32
      %dma_start3A_153 = tpu.memref_slice %arg9[%scan3A_149, %dma_start3A_151, %dma_start3A_152] : memref<6x64x128xf32, #tpu.memory_space<vmem>> -> memref<1x64x128xf32, #tpu.memory_space<vmem>>
      %dma_start3A_154 = tpu.memref_squeeze %dma_start3A_153 : memref<1x64x128xf32, #tpu.memory_space<vmem>> -> memref<64x128xf32, #tpu.memory_space<vmem>>
      %dma_start3A_155 = arith.constant 0 : i32
      %dma_start3A_156 = tpu.memref_slice %arg6[%dma_start3A_150, %scan3A_149, %dma_start3A_155] : memref<2x6x64xi32, #tpu.memory_space<vmem>> -> memref<1x1x64xi32, #tpu.memory_space<vmem>>
      %dma_start3A_157 = tpu.memref_squeeze %dma_start3A_156 : memref<1x1x64xi32, #tpu.memory_space<vmem>> -> memref<64xi32, #tpu.memory_space<vmem>>
      %dma_start3A_158 = arith.constant 0 : i32
      %dma_start3A_159 = arith.constant 0 : i32
      %dma_start3A_160 = tpu.memref_slice %arg4[%dma_start3A_158, %dma_start3A_159] : memref<10000x128xf32, #tpu.memory_space<hbm>> -> memref<10000x128xf32, #tpu.memory_space<hbm>>
      %dma_start3A_161 = tpu.memref_slice %arg10[%scan3A_149] : memref<6x!tpu.dma_semaphore, #tpu.memory_space<semaphore_mem>> -> memref<1x!tpu.dma_semaphore, #tpu.memory_space<semaphore_mem>>
      %dma_start3A_162 = tpu.memref_squeeze %dma_start3A_161 : memref<1x!tpu.dma_semaphore, #tpu.memory_space<semaphore_mem>> -> memref<!tpu.dma_semaphore, #tpu.memory_space<semaphore_mem>>
      tpu.enqueue_indirect_dma source(%dma_start3A_160 : memref<10000x128xf32, #tpu.memory_space<hbm>>) target(%dma_start3A_154 : memref<64x128xf32, #tpu.memory_space<vmem>>) offsets(%dma_start3A_157 : memref<64xi32, #tpu.memory_space<vmem>>) semaphore(%dma_start3A_162 : memref<!tpu.dma_semaphore, #tpu.memory_space<semaphore_mem>>)
    }
    %scan3A_123 = arith.constant 6 : i32
    %scan3A_124 = arith.constant 0 : i32
    %scan3A_125 = arith.constant 0 : i32
    %scan3A_126 = arith.constant 27 : i32
    %scan3A_127 = arith.addi %scan3A_125, %scan3A_126 : i32
    %scan3A_128 = arith.constant 1 : i32
    scf.for %scan3A_149 = %scan3A_125 to %scan3A_127 step %scan3A_128  : i32 {
      %rem3A = arith.constant 2 : i32
      %rem3A_150 = arith.remsi %scan3A_149, %rem3A : i32
      %add3A_151 = arith.constant 1 : i32
      %add3A_152 = arith.addi %scan3A_149, %add3A_151 : i32
      %rem3A_153 = arith.constant 2 : i32
      %rem3A_154 = arith.remsi %add3A_152, %rem3A_153 : i32
      %scan3A_155 = arith.constant 0 : i32
      %scan3A_156 = arith.constant 0 : i32
      %scan3A_157 = arith.constant 6 : i32
      %scan3A_158 = arith.addi %scan3A_156, %scan3A_157 : i32
      %scan3A_159 = arith.constant 1 : i32
      scf.for %scan3A_178 = %scan3A_156 to %scan3A_158 step %scan3A_159  : i32 {
        %dma_wait3A_179 = arith.constant 0 : i32
        %dma_wait3A_180 = arith.constant 0 : i32
        %dma_wait3A_181 = tpu.memref_slice %arg9[%scan3A_178, %dma_wait3A_179, %dma_wait3A_180] : memref<6x64x128xf32, #tpu.memory_space<vmem>> -> memref<1x64x128xf32, #tpu.memory_space<vmem>>
        %dma_wait3A_182 = tpu.memref_squeeze %dma_wait3A_181 : memref<1x64x128xf32, #tpu.memory_space<vmem>> -> memref<64x128xf32, #tpu.memory_space<vmem>>
        %dma_wait3A_183 = arith.constant 0 : i32
        %dma_wait3A_184 = tpu.memref_slice %arg6[%rem3A_150, %scan3A_178, %dma_wait3A_183] : memref<2x6x64xi32, #tpu.memory_space<vmem>> -> memref<1x1x64xi32, #tpu.memory_space<vmem>>
        %dma_wait3A_185 = tpu.memref_squeeze %dma_wait3A_184 : memref<1x1x64xi32, #tpu.memory_space<vmem>> -> memref<64xi32, #tpu.memory_space<vmem>>
        %dma_wait3A_186 = arith.constant 0 : i32
        %dma_wait3A_187 = arith.constant 0 : i32
        %dma_wait3A_188 = tpu.memref_slice %arg4[%dma_wait3A_186, %dma_wait3A_187] : memref<10000x128xf32, #tpu.memory_space<hbm>> -> memref<10000x128xf32, #tpu.memory_space<hbm>>
        %dma_wait3A_189 = tpu.memref_slice %arg10[%scan3A_178] : memref<6x!tpu.dma_semaphore, #tpu.memory_space<semaphore_mem>> -> memref<1x!tpu.dma_semaphore, #tpu.memory_space<semaphore_mem>>
        %dma_wait3A_190 = tpu.memref_squeeze %dma_wait3A_189 : memref<1x!tpu.dma_semaphore, #tpu.memory_space<semaphore_mem>> -> memref<!tpu.dma_semaphore, #tpu.memory_space<semaphore_mem>>
        tpu.wait_indirect_dma semaphore(%dma_wait3A_190 : memref<!tpu.dma_semaphore, #tpu.memory_space<semaphore_mem>>) src(%dma_wait3A_188 : memref<10000x128xf32, #tpu.memory_space<hbm>>) dst(%dma_wait3A_182 : memref<64x128xf32, #tpu.memory_space<vmem>>)
        %dma_start3A_191 = arith.constant 0 : i32
        %dma_start3A_192 = arith.constant 0 : i32
        %dma_start3A_193 = tpu.memref_slice %arg9[%scan3A_178, %dma_start3A_191, %dma_start3A_192] : memref<6x64x128xf32, #tpu.memory_space<vmem>> -> memref<1x64x128xf32, #tpu.memory_space<vmem>>
        %dma_start3A_194 = tpu.memref_squeeze %dma_start3A_193 : memref<1x64x128xf32, #tpu.memory_space<vmem>> -> memref<64x128xf32, #tpu.memory_space<vmem>>
        %dma_start3A_195 = arith.constant 0 : i32
        %dma_start3A_196 = tpu.memref_slice %arg7[%rem3A_150, %scan3A_178, %dma_start3A_195] : memref<2x6x64xi32, #tpu.memory_space<vmem>> -> memref<1x1x64xi32, #tpu.memory_space<vmem>>
        %dma_start3A_197 = tpu.memref_squeeze %dma_start3A_196 : memref<1x1x64xi32, #tpu.memory_space<vmem>> -> memref<64xi32, #tpu.memory_space<vmem>>
        %dma_start3A_198 = arith.constant 0 : i32
        %dma_start3A_199 = arith.constant 0 : i32
        %dma_start3A_200 = tpu.memref_slice %arg8[%dma_start3A_198, %dma_start3A_199] : memref<10032x128xf32, #tpu.memory_space<vmem_shared>> -> memref<10032x128xf32, #tpu.memory_space<vmem_shared>>
        %dma_start3A_201 = tpu.memref_slice %arg11[%scan3A_178] : memref<6x!tpu.dma_semaphore, #tpu.memory_space<semaphore_mem>> -> memref<1x!tpu.dma_semaphore, #tpu.memory_space<semaphore_mem>>
        %dma_start3A_202 = tpu.memref_squeeze %dma_start3A_201 : memref<1x!tpu.dma_semaphore, #tpu.memory_space<semaphore_mem>> -> memref<!tpu.dma_semaphore, #tpu.memory_space<semaphore_mem>>
        tpu.enqueue_indirect_dma source(%dma_start3A_194 : memref<64x128xf32, #tpu.memory_space<vmem>>) target(%dma_start3A_200 : memref<10032x128xf32, #tpu.memory_space<vmem_shared>>) offsets(%dma_start3A_197 : memref<64xi32, #tpu.memory_space<vmem>>) semaphore(%dma_start3A_202 : memref<!tpu.dma_semaphore, #tpu.memory_space<semaphore_mem>>) {add = true}
      }
      %scan3A_160 = arith.constant 6 : i32
      %add3A_161 = arith.constant 1 : i32
      %add3A_162 = arith.addi %scan3A_149, %add3A_161 : i32
      %lt3A = arith.constant 27 : i32
      %lt3A_163 = arith.cmpi slt, %add3A_162, %lt3A : i32
      %convert_element_type3A = arith.extui %lt3A_163 : i1 to i32
      %cond3A = arith.constant 0 : i32
      %cond3A_164 = arith.cmpi ne, %convert_element_type3A, %cond3A : i32
      scf.if %cond3A_164 {
        %dma_wait3A_178 = arith.constant 0 : i32
        %dma_wait3A_179 = arith.constant 0 : i32
        %dma_wait3A_180 = tpu.memref_slice %arg6[%rem3A_154, %dma_wait3A_178, %dma_wait3A_179] : memref<2x6x64xi32, #tpu.memory_space<vmem>> -> memref<1x6x64xi32, #tpu.memory_space<vmem>>
        %dma_wait3A_181 = tpu.memref_squeeze %dma_wait3A_180 : memref<1x6x64xi32, #tpu.memory_space<vmem>> -> memref<6x64xi32, #tpu.memory_space<vmem>>
        %dma_wait3A_182 = arith.constant 0 : i32
        %dma_wait3A_183 = tpu.memref_slice %arg2[%mul3A_2, %dma_wait3A_182] : memref<5184x64xi32, #tpu.memory_space<hbm>> -> memref<6x64xi32, #tpu.memory_space<hbm>>
        %dma_wait3A_184 = tpu.memref_slice %arg12[%rem3A_154] : memref<2x!tpu.dma_semaphore, #tpu.memory_space<semaphore_mem>> -> memref<1x!tpu.dma_semaphore, #tpu.memory_space<semaphore_mem>>
        %dma_wait3A_185 = tpu.memref_squeeze %dma_wait3A_184 : memref<1x!tpu.dma_semaphore, #tpu.memory_space<semaphore_mem>> -> memref<!tpu.dma_semaphore, #tpu.memory_space<semaphore_mem>>
        %dma_wait3A_186 = arith.constant 0 : i32
        %dma_wait3A_187 = arith.constant 0 : i32
        %dma_wait3A_188 = tpu.memref_slice %arg6[%rem3A_154, %dma_wait3A_186, %dma_wait3A_187] : memref<2x6x64xi32, #tpu.memory_space<vmem>> -> memref<1x6x64xi32, #tpu.memory_space<vmem>>
        %dma_wait3A_189 = tpu.memref_squeeze %dma_wait3A_188 : memref<1x6x64xi32, #tpu.memory_space<vmem>> -> memref<6x64xi32, #tpu.memory_space<vmem>>
        %dma_wait3A_190 = arith.constant 0 : i32
        %dma_wait3A_191 = tpu.memref_slice %arg2[%mul3A_2, %dma_wait3A_190] : memref<5184x64xi32, #tpu.memory_space<hbm>> -> memref<6x64xi32, #tpu.memory_space<hbm>>
        tpu.wait_dma2 semaphore(%dma_wait3A_185 : memref<!tpu.dma_semaphore, #tpu.memory_space<semaphore_mem>>) src(%dma_wait3A_191 : memref<6x64xi32, #tpu.memory_space<hbm>>) dst(%dma_wait3A_189 : memref<6x64xi32, #tpu.memory_space<vmem>>)
        %dma_wait3A_192 = arith.constant 0 : i32
        %dma_wait3A_193 = arith.constant 0 : i32
        %dma_wait3A_194 = tpu.memref_slice %arg7[%rem3A_154, %dma_wait3A_192, %dma_wait3A_193] : memref<2x6x64xi32, #tpu.memory_space<vmem>> -> memref<1x6x64xi32, #tpu.memory_space<vmem>>
        %dma_wait3A_195 = tpu.memref_squeeze %dma_wait3A_194 : memref<1x6x64xi32, #tpu.memory_space<vmem>> -> memref<6x64xi32, #tpu.memory_space<vmem>>
        %dma_wait3A_196 = arith.constant 0 : i32
        %dma_wait3A_197 = tpu.memref_slice %arg3[%mul3A_2, %dma_wait3A_196] : memref<5184x64xi32, #tpu.memory_space<hbm>> -> memref<6x64xi32, #tpu.memory_space<hbm>>
        %dma_wait3A_198 = tpu.memref_slice %arg12[%rem3A_154] : memref<2x!tpu.dma_semaphore, #tpu.memory_space<semaphore_mem>> -> memref<1x!tpu.dma_semaphore, #tpu.memory_space<semaphore_mem>>
        %dma_wait3A_199 = tpu.memref_squeeze %dma_wait3A_198 : memref<1x!tpu.dma_semaphore, #tpu.memory_space<semaphore_mem>> -> memref<!tpu.dma_semaphore, #tpu.memory_space<semaphore_mem>>
        %dma_wait3A_200 = arith.constant 0 : i32
        %dma_wait3A_201 = arith.constant 0 : i32
        %dma_wait3A_202 = tpu.memref_slice %arg7[%rem3A_154, %dma_wait3A_200, %dma_wait3A_201] : memref<2x6x64xi32, #tpu.memory_space<vmem>> -> memref<1x6x64xi32, #tpu.memory_space<vmem>>
        %dma_wait3A_203 = tpu.memref_squeeze %dma_wait3A_202 : memref<1x6x64xi32, #tpu.memory_space<vmem>> -> memref<6x64xi32, #tpu.memory_space<vmem>>
        %dma_wait3A_204 = arith.constant 0 : i32
        %dma_wait3A_205 = tpu.memref_slice %arg3[%mul3A_2, %dma_wait3A_204] : memref<5184x64xi32, #tpu.memory_space<hbm>> -> memref<6x64xi32, #tpu.memory_space<hbm>>
        tpu.wait_dma2 semaphore(%dma_wait3A_199 : memref<!tpu.dma_semaphore, #tpu.memory_space<semaphore_mem>>) src(%dma_wait3A_205 : memref<6x64xi32, #tpu.memory_space<hbm>>) dst(%dma_wait3A_203 : memref<6x64xi32, #tpu.memory_space<vmem>>)
      } else {
      }
      %scan3A_165 = arith.constant 0 : i32
      %scan3A_166 = arith.constant 0 : i32
      %scan3A_167 = arith.constant 6 : i32
      %scan3A_168 = arith.addi %scan3A_166, %scan3A_167 : i32
      %scan3A_169 = arith.constant 1 : i32
      scf.for %scan3A_178 = %scan3A_166 to %scan3A_168 step %scan3A_169  : i32 {
        %dma_wait3A_179 = arith.constant 0 : i32
        %dma_wait3A_180 = arith.constant 0 : i32
        %dma_wait3A_181 = tpu.memref_slice %arg9[%scan3A_178, %dma_wait3A_179, %dma_wait3A_180] : memref<6x64x128xf32, #tpu.memory_space<vmem>> -> memref<1x64x128xf32, #tpu.memory_space<vmem>>
        %dma_wait3A_182 = tpu.memref_squeeze %dma_wait3A_181 : memref<1x64x128xf32, #tpu.memory_space<vmem>> -> memref<64x128xf32, #tpu.memory_space<vmem>>
        %dma_wait3A_183 = arith.constant 0 : i32
        %dma_wait3A_184 = tpu.memref_slice %arg7[%rem3A_150, %scan3A_178, %dma_wait3A_183] : memref<2x6x64xi32, #tpu.memory_space<vmem>> -> memref<1x1x64xi32, #tpu.memory_space<vmem>>
        %dma_wait3A_185 = tpu.memref_squeeze %dma_wait3A_184 : memref<1x1x64xi32, #tpu.memory_space<vmem>> -> memref<64xi32, #tpu.memory_space<vmem>>
        %dma_wait3A_186 = arith.constant 0 : i32
        %dma_wait3A_187 = arith.constant 0 : i32
        %dma_wait3A_188 = tpu.memref_slice %arg8[%dma_wait3A_186, %dma_wait3A_187] : memref<10032x128xf32, #tpu.memory_space<vmem_shared>> -> memref<10032x128xf32, #tpu.memory_space<vmem_shared>>
        %dma_wait3A_189 = tpu.memref_slice %arg11[%scan3A_178] : memref<6x!tpu.dma_semaphore, #tpu.memory_space<semaphore_mem>> -> memref<1x!tpu.dma_semaphore, #tpu.memory_space<semaphore_mem>>
        %dma_wait3A_190 = tpu.memref_squeeze %dma_wait3A_189 : memref<1x!tpu.dma_semaphore, #tpu.memory_space<semaphore_mem>> -> memref<!tpu.dma_semaphore, #tpu.memory_space<semaphore_mem>>
        tpu.wait_indirect_dma semaphore(%dma_wait3A_190 : memref<!tpu.dma_semaphore, #tpu.memory_space<semaphore_mem>>) src(%dma_wait3A_182 : memref<64x128xf32, #tpu.memory_space<vmem>>) dst(%dma_wait3A_188 : memref<10032x128xf32, #tpu.memory_space<vmem_shared>>)
        %add3A_191 = arith.constant 1 : i32
        %add3A_192 = arith.addi %scan3A_149, %add3A_191 : i32
        %lt3A_193 = arith.constant 27 : i32
        %lt3A_194 = arith.cmpi slt, %add3A_192, %lt3A_193 : i32
        %convert_element_type3A_195 = arith.extui %lt3A_194 : i1 to i32
        %cond3A_196 = arith.constant 0 : i32
        %cond3A_197 = arith.cmpi ne, %convert_element_type3A_195, %cond3A_196 : i32
        scf.if %cond3A_197 {
          %dma_start3A_198 = arith.constant 0 : i32
          %dma_start3A_199 = arith.constant 0 : i32
          %dma_start3A_200 = tpu.memref_slice %arg9[%scan3A_178, %dma_start3A_198, %dma_start3A_199] : memref<6x64x128xf32, #tpu.memory_space<vmem>> -> memref<1x64x128xf32, #tpu.memory_space<vmem>>
          %dma_start3A_201 = tpu.memref_squeeze %dma_start3A_200 : memref<1x64x128xf32, #tpu.memory_space<vmem>> -> memref<64x128xf32, #tpu.memory_space<vmem>>
          %dma_start3A_202 = arith.constant 0 : i32
          %dma_start3A_203 = tpu.memref_slice %arg6[%rem3A_154, %scan3A_178, %dma_start3A_202] : memref<2x6x64xi32, #tpu.memory_space<vmem>> -> memref<1x1x64xi32, #tpu.memory_space<vmem>>
          %dma_start3A_204 = tpu.memref_squeeze %dma_start3A_203 : memref<1x1x64xi32, #tpu.memory_space<vmem>> -> memref<64xi32, #tpu.memory_space<vmem>>
          %dma_start3A_205 = arith.constant 0 : i32
          %dma_start3A_206 = arith.constant 0 : i32
          %dma_start3A_207 = tpu.memref_slice %arg4[%dma_start3A_205, %dma_start3A_206] : memref<10000x128xf32, #tpu.memory_space<hbm>> -> memref<10000x128xf32, #tpu.memory_space<hbm>>
          %dma_start3A_208 = tpu.memref_slice %arg10[%scan3A_178] : memref<6x!tpu.dma_semaphore, #tpu.memory_space<semaphore_mem>> -> memref<1x!tpu.dma_semaphore, #tpu.memory_space<semaphore_mem>>
          %dma_start3A_209 = tpu.memref_squeeze %dma_start3A_208 : memref<1x!tpu.dma_semaphore, #tpu.memory_space<semaphore_mem>> -> memref<!tpu.dma_semaphore, #tpu.memory_space<semaphore_mem>>
          tpu.enqueue_indirect_dma source(%dma_start3A_207 : memref<10000x128xf32, #tpu.memory_space<hbm>>) target(%dma_start3A_201 : memref<64x128xf32, #tpu.memory_space<vmem>>) offsets(%dma_start3A_204 : memref<64xi32, #tpu.memory_space<vmem>>) semaphore(%dma_start3A_209 : memref<!tpu.dma_semaphore, #tpu.memory_space<semaphore_mem>>)
        } else {
        }
      }
      %scan3A_170 = arith.constant 6 : i32
      %add3A_171 = arith.constant 2 : i32
      %add3A_172 = arith.addi %scan3A_149, %add3A_171 : i32
      %lt3A_173 = arith.constant 27 : i32
      %lt3A_174 = arith.cmpi slt, %add3A_172, %lt3A_173 : i32
      %convert_element_type3A_175 = arith.extui %lt3A_174 : i1 to i32
      %cond3A_176 = arith.constant 0 : i32
      %cond3A_177 = arith.cmpi ne, %convert_element_type3A_175, %cond3A_176 : i32
      scf.if %cond3A_177 {
        %add3A_178 = arith.constant 2 : i32
        %add3A_179 = arith.addi %scan3A_149, %add3A_178 : i32
        %mul3A_180 = arith.constant 6 : i32
        %mul3A_181 = arith.muli %add3A_179, %mul3A_180 : i32
        %add3A_182 = arith.addi %mul3A_2, %mul3A_181 : i32
        %dma_start3A_183 = arith.constant 0 : i32
        %dma_start3A_184 = arith.constant 0 : i32
        %dma_start3A_185 = tpu.memref_slice %arg6[%rem3A_150, %dma_start3A_183, %dma_start3A_184] : memref<2x6x64xi32, #tpu.memory_space<vmem>> -> memref<1x6x64xi32, #tpu.memory_space<vmem>>
        %dma_start3A_186 = tpu.memref_squeeze %dma_start3A_185 : memref<1x6x64xi32, #tpu.memory_space<vmem>> -> memref<6x64xi32, #tpu.memory_space<vmem>>
        %dma_start3A_187 = arith.constant 0 : i32
        %dma_start3A_188 = tpu.memref_slice %arg2[%add3A_182, %dma_start3A_187] : memref<5184x64xi32, #tpu.memory_space<hbm>> -> memref<6x64xi32, #tpu.memory_space<hbm>>
        %dma_start3A_189 = tpu.memref_slice %arg12[%rem3A_150] : memref<2x!tpu.dma_semaphore, #tpu.memory_space<semaphore_mem>> -> memref<1x!tpu.dma_semaphore, #tpu.memory_space<semaphore_mem>>
        %dma_start3A_190 = tpu.memref_squeeze %dma_start3A_189 : memref<1x!tpu.dma_semaphore, #tpu.memory_space<semaphore_mem>> -> memref<!tpu.dma_semaphore, #tpu.memory_space<semaphore_mem>>
        %dma_start3A_191 = arith.constant 0 : i32
        %dma_start3A_192 = arith.constant 0 : i32
        %dma_start3A_193 = tpu.memref_slice %arg6[%rem3A_150, %dma_start3A_191, %dma_start3A_192] : memref<2x6x64xi32, #tpu.memory_space<vmem>> -> memref<1x6x64xi32, #tpu.memory_space<vmem>>
        %dma_start3A_194 = tpu.memref_squeeze %dma_start3A_193 : memref<1x6x64xi32, #tpu.memory_space<vmem>> -> memref<6x64xi32, #tpu.memory_space<vmem>>
        %dma_start3A_195 = arith.constant 0 : i32
        %dma_start3A_196 = tpu.memref_slice %arg2[%add3A_182, %dma_start3A_195] : memref<5184x64xi32, #tpu.memory_space<hbm>> -> memref<6x64xi32, #tpu.memory_space<hbm>>
        tpu.enqueue_dma source(%dma_start3A_196 : memref<6x64xi32, #tpu.memory_space<hbm>>) target(%dma_start3A_194 : memref<6x64xi32, #tpu.memory_space<vmem>>) target_semaphore(%dma_start3A_190 : memref<!tpu.dma_semaphore, #tpu.memory_space<semaphore_mem>>)
        %dma_start3A_197 = arith.constant 0 : i32
        %dma_start3A_198 = arith.constant 0 : i32
        %dma_start3A_199 = tpu.memref_slice %arg7[%rem3A_150, %dma_start3A_197, %dma_start3A_198] : memref<2x6x64xi32, #tpu.memory_space<vmem>> -> memref<1x6x64xi32, #tpu.memory_space<vmem>>
        %dma_start3A_200 = tpu.memref_squeeze %dma_start3A_199 : memref<1x6x64xi32, #tpu.memory_space<vmem>> -> memref<6x64xi32, #tpu.memory_space<vmem>>
        %dma_start3A_201 = arith.constant 0 : i32
        %dma_start3A_202 = tpu.memref_slice %arg3[%add3A_182, %dma_start3A_201] : memref<5184x64xi32, #tpu.memory_space<hbm>> -> memref<6x64xi32, #tpu.memory_space<hbm>>
        %dma_start3A_203 = tpu.memref_slice %arg12[%rem3A_150] : memref<2x!tpu.dma_semaphore, #tpu.memory_space<semaphore_mem>> -> memref<1x!tpu.dma_semaphore, #tpu.memory_space<semaphore_mem>>
        %dma_start3A_204 = tpu.memref_squeeze %dma_start3A_203 : memref<1x!tpu.dma_semaphore, #tpu.memory_space<semaphore_mem>> -> memref<!tpu.dma_semaphore, #tpu.memory_space<semaphore_mem>>
        %dma_start3A_205 = arith.constant 0 : i32
        %dma_start3A_206 = arith.constant 0 : i32
        %dma_start3A_207 = tpu.memref_slice %arg7[%rem3A_150, %dma_start3A_205, %dma_start3A_206] : memref<2x6x64xi32, #tpu.memory_space<vmem>> -> memref<1x6x64xi32, #tpu.memory_space<vmem>>
        %dma_start3A_208 = tpu.memref_squeeze %dma_start3A_207 : memref<1x6x64xi32, #tpu.memory_space<vmem>> -> memref<6x64xi32, #tpu.memory_space<vmem>>
        %dma_start3A_209 = arith.constant 0 : i32
        %dma_start3A_210 = tpu.memref_slice %arg3[%add3A_182, %dma_start3A_209] : memref<5184x64xi32, #tpu.memory_space<hbm>> -> memref<6x64xi32, #tpu.memory_space<hbm>>
        tpu.enqueue_dma source(%dma_start3A_210 : memref<6x64xi32, #tpu.memory_space<hbm>>) target(%dma_start3A_208 : memref<6x64xi32, #tpu.memory_space<vmem>>) target_semaphore(%dma_start3A_204 : memref<!tpu.dma_semaphore, #tpu.memory_space<semaphore_mem>>)
      } else {
      }
    }
    %scan3A_129 = arith.constant 27 : i32
    %barrier3A_130 = arith.constant 0 : index
    tpu.barrier barrier_id(%barrier3A_130)
    %scan3A_131 = arith.constant 0 : i32
    %scan3A_132 = arith.constant 0 : i32
    %scan3A_133 = arith.constant 6 : i32
    %scan3A_134 = arith.addi %scan3A_132, %scan3A_133 : i32
    %scan3A_135 = arith.constant 1 : i32
    scf.for %scan3A_149 = %scan3A_132 to %scan3A_134 step %scan3A_135  : i32 {
      %mul3A_150 = arith.constant 627 : i32
      %mul3A_151 = arith.muli %arg1, %mul3A_150 : i32
      %mul3A_152 = arith.constant 57 : i32
      %mul3A_153 = arith.muli %scan3A_149, %mul3A_152 : i32
      %add3A_154 = arith.addi %mul3A_151, %mul3A_153 : i32
      %rem3A = arith.constant 6 : i32
      %rem3A_155 = arith.remsi %scan3A_149, %rem3A : i32
      %rem3A_156 = arith.constant 6 : i32
      %rem3A_157 = arith.remsi %scan3A_149, %rem3A_156 : i32
      %dma_start3A_158 = arith.constant 0 : i32
      %dma_start3A_159 = arith.constant 0 : i32
      %dma_start3A_160 = tpu.memref_slice %arg9[%rem3A_155, %dma_start3A_158, %dma_start3A_159] : memref<6x64x128xf32, #tpu.memory_space<vmem>> -> memref<1x57x128xf32, #tpu.memory_space<vmem>>
      %dma_start3A_161 = tpu.memref_squeeze %dma_start3A_160 : memref<1x57x128xf32, #tpu.memory_space<vmem>> -> memref<57x128xf32, #tpu.memory_space<vmem>>
      %dma_start3A_162 = arith.constant 0 : i32
      %dma_start3A_163 = tpu.memref_slice %arg8[%add3A_154, %dma_start3A_162] : memref<10032x128xf32, #tpu.memory_space<vmem_shared>> -> memref<57x128xf32, #tpu.memory_space<vmem_shared>>
      %dma_start3A_164 = tpu.memref_slice %arg10[%rem3A_157] : memref<6x!tpu.dma_semaphore, #tpu.memory_space<semaphore_mem>> -> memref<1x!tpu.dma_semaphore, #tpu.memory_space<semaphore_mem>>
      %dma_start3A_165 = tpu.memref_squeeze %dma_start3A_164 : memref<1x!tpu.dma_semaphore, #tpu.memory_space<semaphore_mem>> -> memref<!tpu.dma_semaphore, #tpu.memory_space<semaphore_mem>>
      %dma_start3A_166 = arith.constant 0 : i32
      %dma_start3A_167 = arith.constant 0 : i32
      %dma_start3A_168 = tpu.memref_slice %arg9[%rem3A_155, %dma_start3A_166, %dma_start3A_167] : memref<6x64x128xf32, #tpu.memory_space<vmem>> -> memref<1x57x128xf32, #tpu.memory_space<vmem>>
      %dma_start3A_169 = tpu.memref_squeeze %dma_start3A_168 : memref<1x57x128xf32, #tpu.memory_space<vmem>> -> memref<57x128xf32, #tpu.memory_space<vmem>>
      %dma_start3A_170 = arith.constant 0 : i32
      %dma_start3A_171 = tpu.memref_slice %arg8[%add3A_154, %dma_start3A_170] : memref<10032x128xf32, #tpu.memory_space<vmem_shared>> -> memref<57x128xf32, #tpu.memory_space<vmem_shared>>
      tpu.enqueue_dma source(%dma_start3A_171 : memref<57x128xf32, #tpu.memory_space<vmem_shared>>) target(%dma_start3A_169 : memref<57x128xf32, #tpu.memory_space<vmem>>) target_semaphore(%dma_start3A_165 : memref<!tpu.dma_semaphore, #tpu.memory_space<semaphore_mem>>)
    }
    %scan3A_136 = arith.constant 6 : i32
    %scan3A_137 = arith.constant 0 : i32
    %scan3A_138 = arith.constant 0 : i32
    %scan3A_139 = arith.constant 11 : i32
    %scan3A_140 = arith.addi %scan3A_138, %scan3A_139 : i32
    %scan3A_141 = arith.constant 1 : i32
    scf.for %scan3A_149 = %scan3A_138 to %scan3A_140 step %scan3A_141  : i32 {
      %rem3A = arith.constant 6 : i32
      %rem3A_150 = arith.remsi %scan3A_149, %rem3A : i32
      %mul3A_151 = arith.constant 627 : i32
      %mul3A_152 = arith.muli %arg1, %mul3A_151 : i32
      %dma_wait3A_153 = arith.constant 0 : i32
      %dma_wait3A_154 = arith.constant 0 : i32
      %dma_wait3A_155 = tpu.memref_slice %arg9[%rem3A_150, %dma_wait3A_153, %dma_wait3A_154] : memref<6x64x128xf32, #tpu.memory_space<vmem>> -> memref<1x57x128xf32, #tpu.memory_space<vmem>>
      %dma_wait3A_156 = tpu.memref_squeeze %dma_wait3A_155 : memref<1x57x128xf32, #tpu.memory_space<vmem>> -> memref<57x128xf32, #tpu.memory_space<vmem>>
      %dma_wait3A_157 = arith.constant 0 : i32
      %dma_wait3A_158 = tpu.memref_slice %arg8[%mul3A_152, %dma_wait3A_157] : memref<10032x128xf32, #tpu.memory_space<vmem_shared>> -> memref<57x128xf32, #tpu.memory_space<vmem_shared>>
      %dma_wait3A_159 = tpu.memref_slice %arg10[%rem3A_150] : memref<6x!tpu.dma_semaphore, #tpu.memory_space<semaphore_mem>> -> memref<1x!tpu.dma_semaphore, #tpu.memory_space<semaphore_mem>>
      %dma_wait3A_160 = tpu.memref_squeeze %dma_wait3A_159 : memref<1x!tpu.dma_semaphore, #tpu.memory_space<semaphore_mem>> -> memref<!tpu.dma_semaphore, #tpu.memory_space<semaphore_mem>>
      %dma_wait3A_161 = arith.constant 0 : i32
      %dma_wait3A_162 = arith.constant 0 : i32
      %dma_wait3A_163 = tpu.memref_slice %arg9[%rem3A_150, %dma_wait3A_161, %dma_wait3A_162] : memref<6x64x128xf32, #tpu.memory_space<vmem>> -> memref<1x57x128xf32, #tpu.memory_space<vmem>>
      %dma_wait3A_164 = tpu.memref_squeeze %dma_wait3A_163 : memref<1x57x128xf32, #tpu.memory_space<vmem>> -> memref<57x128xf32, #tpu.memory_space<vmem>>
      %dma_wait3A_165 = arith.constant 0 : i32
      %dma_wait3A_166 = tpu.memref_slice %arg8[%mul3A_152, %dma_wait3A_165] : memref<10032x128xf32, #tpu.memory_space<vmem_shared>> -> memref<57x128xf32, #tpu.memory_space<vmem_shared>>
      tpu.wait_dma2 semaphore(%dma_wait3A_160 : memref<!tpu.dma_semaphore, #tpu.memory_space<semaphore_mem>>) src(%dma_wait3A_166 : memref<57x128xf32, #tpu.memory_space<vmem_shared>>) dst(%dma_wait3A_164 : memref<57x128xf32, #tpu.memory_space<vmem>>)
      %mul3A_167 = arith.constant 627 : i32
      %mul3A_168 = arith.muli %arg1, %mul3A_167 : i32
      %mul3A_169 = arith.constant 57 : i32
      %mul3A_170 = arith.muli %scan3A_149, %mul3A_169 : i32
      %add3A_171 = arith.addi %mul3A_168, %mul3A_170 : i32
      %dma_start3A_172 = arith.constant 0 : i32
      %dma_start3A_173 = arith.constant 0 : i32
      %dma_start3A_174 = tpu.memref_slice %arg9[%rem3A_150, %dma_start3A_172, %dma_start3A_173] : memref<6x64x128xf32, #tpu.memory_space<vmem>> -> memref<1x57x128xf32, #tpu.memory_space<vmem>>
      %dma_start3A_175 = tpu.memref_squeeze %dma_start3A_174 : memref<1x57x128xf32, #tpu.memory_space<vmem>> -> memref<57x128xf32, #tpu.memory_space<vmem>>
      %dma_start3A_176 = arith.constant 0 : i32
      %dma_start3A_177 = arith.constant 0 : i32
      %dma_start3A_178 = tpu.memref_slice %arg5[%arg0, %dma_start3A_176, %dma_start3A_177] : memref<2x10032x128xf32, #tpu.memory_space<hbm>> -> memref<1x10032x128xf32, #tpu.memory_space<hbm>>
      %dma_start3A_179 = tpu.memref_squeeze %dma_start3A_178 : memref<1x10032x128xf32, #tpu.memory_space<hbm>> -> memref<10032x128xf32, #tpu.memory_space<hbm>>
      %dma_start3A_180 = arith.constant 0 : i32
      %dma_start3A_181 = tpu.memref_slice %dma_start3A_179[%add3A_171, %dma_start3A_180] : memref<10032x128xf32, #tpu.memory_space<hbm>> -> memref<57x128xf32, #tpu.memory_space<hbm>>
      %dma_start3A_182 = tpu.memref_slice %arg11[%rem3A_150] : memref<6x!tpu.dma_semaphore, #tpu.memory_space<semaphore_mem>> -> memref<1x!tpu.dma_semaphore, #tpu.memory_space<semaphore_mem>>
      %dma_start3A_183 = tpu.memref_squeeze %dma_start3A_182 : memref<1x!tpu.dma_semaphore, #tpu.memory_space<semaphore_mem>> -> memref<!tpu.dma_semaphore, #tpu.memory_space<semaphore_mem>>
      %dma_start3A_184 = arith.constant 0 : i32
      %dma_start3A_185 = arith.constant 0 : i32
      %dma_start3A_186 = tpu.memref_slice %arg5[%arg0, %dma_start3A_184, %dma_start3A_185] : memref<2x10032x128xf32, #tpu.memory_space<hbm>> -> memref<1x10032x128xf32, #tpu.memory_space<hbm>>
      %dma_start3A_187 = tpu.memref_squeeze %dma_start3A_186 : memref<1x10032x128xf32, #tpu.memory_space<hbm>> -> memref<10032x128xf32, #tpu.memory_space<hbm>>
      %dma_start3A_188 = arith.constant 0 : i32
      %dma_start3A_189 = tpu.memref_slice %dma_start3A_187[%add3A_171, %dma_start3A_188] : memref<10032x128xf32, #tpu.memory_space<hbm>> -> memref<57x128xf32, #tpu.memory_space<hbm>>
      %dma_start3A_190 = arith.constant 0 : i32
      %dma_start3A_191 = arith.constant 0 : i32
      %dma_start3A_192 = tpu.memref_slice %arg9[%rem3A_150, %dma_start3A_190, %dma_start3A_191] : memref<6x64x128xf32, #tpu.memory_space<vmem>> -> memref<1x57x128xf32, #tpu.memory_space<vmem>>
      %dma_start3A_193 = tpu.memref_squeeze %dma_start3A_192 : memref<1x57x128xf32, #tpu.memory_space<vmem>> -> memref<57x128xf32, #tpu.memory_space<vmem>>
      tpu.enqueue_dma source(%dma_start3A_193 : memref<57x128xf32, #tpu.memory_space<vmem>>) target(%dma_start3A_189 : memref<57x128xf32, #tpu.memory_space<hbm>>) target_semaphore(%dma_start3A_183 : memref<!tpu.dma_semaphore, #tpu.memory_space<semaphore_mem>>)
      %add3A_194 = arith.constant 6 : i32
      %add3A_195 = arith.addi %scan3A_149, %add3A_194 : i32
      %lt3A = arith.constant 11 : i32
      %lt3A_196 = arith.cmpi slt, %add3A_195, %lt3A : i32
      %convert_element_type3A = arith.extui %lt3A_196 : i1 to i32
      %cond3A = arith.constant 0 : i32
      %cond3A_197 = arith.cmpi ne, %convert_element_type3A, %cond3A : i32
      scf.if %cond3A_197 {
        %mul3A_198 = arith.constant 627 : i32
        %mul3A_199 = arith.muli %arg1, %mul3A_198 : i32
        %dma_wait3A_200 = arith.constant 0 : i32
        %dma_wait3A_201 = arith.constant 0 : i32
        %dma_wait3A_202 = tpu.memref_slice %arg9[%rem3A_150, %dma_wait3A_200, %dma_wait3A_201] : memref<6x64x128xf32, #tpu.memory_space<vmem>> -> memref<1x57x128xf32, #tpu.memory_space<vmem>>
        %dma_wait3A_203 = tpu.memref_squeeze %dma_wait3A_202 : memref<1x57x128xf32, #tpu.memory_space<vmem>> -> memref<57x128xf32, #tpu.memory_space<vmem>>
        %dma_wait3A_204 = arith.constant 0 : i32
        %dma_wait3A_205 = arith.constant 0 : i32
        %dma_wait3A_206 = tpu.memref_slice %arg5[%arg0, %dma_wait3A_204, %dma_wait3A_205] : memref<2x10032x128xf32, #tpu.memory_space<hbm>> -> memref<1x10032x128xf32, #tpu.memory_space<hbm>>
        %dma_wait3A_207 = tpu.memref_squeeze %dma_wait3A_206 : memref<1x10032x128xf32, #tpu.memory_space<hbm>> -> memref<10032x128xf32, #tpu.memory_space<hbm>>
        %dma_wait3A_208 = arith.constant 0 : i32
        %dma_wait3A_209 = tpu.memref_slice %dma_wait3A_207[%mul3A_199, %dma_wait3A_208] : memref<10032x128xf32, #tpu.memory_space<hbm>> -> memref<57x128xf32, #tpu.memory_space<hbm>>
        %dma_wait3A_210 = tpu.memref_slice %arg11[%rem3A_150] : memref<6x!tpu.dma_semaphore, #tpu.memory_space<semaphore_mem>> -> memref<1x!tpu.dma_semaphore, #tpu.memory_space<semaphore_mem>>
        %dma_wait3A_211 = tpu.memref_squeeze %dma_wait3A_210 : memref<1x!tpu.dma_semaphore, #tpu.memory_space<semaphore_mem>> -> memref<!tpu.dma_semaphore, #tpu.memory_space<semaphore_mem>>
        %dma_wait3A_212 = arith.constant 0 : i32
        %dma_wait3A_213 = arith.constant 0 : i32
        %dma_wait3A_214 = tpu.memref_slice %arg5[%arg0, %dma_wait3A_212, %dma_wait3A_213] : memref<2x10032x128xf32, #tpu.memory_space<hbm>> -> memref<1x10032x128xf32, #tpu.memory_space<hbm>>
        %dma_wait3A_215 = tpu.memref_squeeze %dma_wait3A_214 : memref<1x10032x128xf32, #tpu.memory_space<hbm>> -> memref<10032x128xf32, #tpu.memory_space<hbm>>
        %dma_wait3A_216 = arith.constant 0 : i32
        %dma_wait3A_217 = tpu.memref_slice %dma_wait3A_215[%mul3A_199, %dma_wait3A_216] : memref<10032x128xf32, #tpu.memory_space<hbm>> -> memref<57x128xf32, #tpu.memory_space<hbm>>
        %dma_wait3A_218 = arith.constant 0 : i32
        %dma_wait3A_219 = arith.constant 0 : i32
        %dma_wait3A_220 = tpu.memref_slice %arg9[%rem3A_150, %dma_wait3A_218, %dma_wait3A_219] : memref<6x64x128xf32, #tpu.memory_space<vmem>> -> memref<1x57x128xf32, #tpu.memory_space<vmem>>
        %dma_wait3A_221 = tpu.memref_squeeze %dma_wait3A_220 : memref<1x57x128xf32, #tpu.memory_space<vmem>> -> memref<57x128xf32, #tpu.memory_space<vmem>>
        tpu.wait_dma2 semaphore(%dma_wait3A_211 : memref<!tpu.dma_semaphore, #tpu.memory_space<semaphore_mem>>) src(%dma_wait3A_221 : memref<57x128xf32, #tpu.memory_space<vmem>>) dst(%dma_wait3A_217 : memref<57x128xf32, #tpu.memory_space<hbm>>)
        %mul3A_222 = arith.constant 627 : i32
        %mul3A_223 = arith.muli %arg1, %mul3A_222 : i32
        %add3A_224 = arith.constant 6 : i32
        %add3A_225 = arith.addi %scan3A_149, %add3A_224 : i32
        %mul3A_226 = arith.constant 57 : i32
        %mul3A_227 = arith.muli %add3A_225, %mul3A_226 : i32
        %add3A_228 = arith.addi %mul3A_223, %mul3A_227 : i32
        %dma_start3A_229 = arith.constant 0 : i32
        %dma_start3A_230 = arith.constant 0 : i32
        %dma_start3A_231 = tpu.memref_slice %arg9[%rem3A_150, %dma_start3A_229, %dma_start3A_230] : memref<6x64x128xf32, #tpu.memory_space<vmem>> -> memref<1x57x128xf32, #tpu.memory_space<vmem>>
        %dma_start3A_232 = tpu.memref_squeeze %dma_start3A_231 : memref<1x57x128xf32, #tpu.memory_space<vmem>> -> memref<57x128xf32, #tpu.memory_space<vmem>>
        %dma_start3A_233 = arith.constant 0 : i32
        %dma_start3A_234 = tpu.memref_slice %arg8[%add3A_228, %dma_start3A_233] : memref<10032x128xf32, #tpu.memory_space<vmem_shared>> -> memref<57x128xf32, #tpu.memory_space<vmem_shared>>
        %dma_start3A_235 = tpu.memref_slice %arg10[%rem3A_150] : memref<6x!tpu.dma_semaphore, #tpu.memory_space<semaphore_mem>> -> memref<1x!tpu.dma_semaphore, #tpu.memory_space<semaphore_mem>>
        %dma_start3A_236 = tpu.memref_squeeze %dma_start3A_235 : memref<1x!tpu.dma_semaphore, #tpu.memory_space<semaphore_mem>> -> memref<!tpu.dma_semaphore, #tpu.memory_space<semaphore_mem>>
        %dma_start3A_237 = arith.constant 0 : i32
        %dma_start3A_238 = arith.constant 0 : i32
        %dma_start3A_239 = tpu.memref_slice %arg9[%rem3A_150, %dma_start3A_237, %dma_start3A_238] : memref<6x64x128xf32, #tpu.memory_space<vmem>> -> memref<1x57x128xf32, #tpu.memory_space<vmem>>
        %dma_start3A_240 = tpu.memref_squeeze %dma_start3A_239 : memref<1x57x128xf32, #tpu.memory_space<vmem>> -> memref<57x128xf32, #tpu.memory_space<vmem>>
        %dma_start3A_241 = arith.constant 0 : i32
        %dma_start3A_242 = tpu.memref_slice %arg8[%add3A_228, %dma_start3A_241] : memref<10032x128xf32, #tpu.memory_space<vmem_shared>> -> memref<57x128xf32, #tpu.memory_space<vmem_shared>>
        tpu.enqueue_dma source(%dma_start3A_242 : memref<57x128xf32, #tpu.memory_space<vmem_shared>>) target(%dma_start3A_240 : memref<57x128xf32, #tpu.memory_space<vmem>>) target_semaphore(%dma_start3A_236 : memref<!tpu.dma_semaphore, #tpu.memory_space<semaphore_mem>>)
      } else {
      }
    }
    %scan3A_142 = arith.constant 11 : i32
    %scan3A_143 = arith.constant 0 : i32
    %scan3A_144 = arith.constant 5 : i32
    %scan3A_145 = arith.constant 6 : i32
    %scan3A_146 = arith.addi %scan3A_144, %scan3A_145 : i32
    %scan3A_147 = arith.constant 1 : i32
    scf.for %scan3A_149 = %scan3A_144 to %scan3A_146 step %scan3A_147  : i32 {
      %rem3A = arith.constant 6 : i32
      %rem3A_150 = arith.remsi %scan3A_149, %rem3A : i32
      %mul3A_151 = arith.constant 627 : i32
      %mul3A_152 = arith.muli %arg1, %mul3A_151 : i32
      %dma_wait3A_153 = arith.constant 0 : i32
      %dma_wait3A_154 = arith.constant 0 : i32
      %dma_wait3A_155 = tpu.memref_slice %arg9[%rem3A_150, %dma_wait3A_153, %dma_wait3A_154] : memref<6x64x128xf32, #tpu.memory_space<vmem>> -> memref<1x57x128xf32, #tpu.memory_space<vmem>>
      %dma_wait3A_156 = tpu.memref_squeeze %dma_wait3A_155 : memref<1x57x128xf32, #tpu.memory_space<vmem>> -> memref<57x128xf32, #tpu.memory_space<vmem>>
      %dma_wait3A_157 = arith.constant 0 : i32
      %dma_wait3A_158 = arith.constant 0 : i32
      %dma_wait3A_159 = tpu.memref_slice %arg5[%arg0, %dma_wait3A_157, %dma_wait3A_158] : memref<2x10032x128xf32, #tpu.memory_space<hbm>> -> memref<1x10032x128xf32, #tpu.memory_space<hbm>>
      %dma_wait3A_160 = tpu.memref_squeeze %dma_wait3A_159 : memref<1x10032x128xf32, #tpu.memory_space<hbm>> -> memref<10032x128xf32, #tpu.memory_space<hbm>>
      %dma_wait3A_161 = arith.constant 0 : i32
      %dma_wait3A_162 = tpu.memref_slice %dma_wait3A_160[%mul3A_152, %dma_wait3A_161] : memref<10032x128xf32, #tpu.memory_space<hbm>> -> memref<57x128xf32, #tpu.memory_space<hbm>>
      %dma_wait3A_163 = tpu.memref_slice %arg11[%rem3A_150] : memref<6x!tpu.dma_semaphore, #tpu.memory_space<semaphore_mem>> -> memref<1x!tpu.dma_semaphore, #tpu.memory_space<semaphore_mem>>
      %dma_wait3A_164 = tpu.memref_squeeze %dma_wait3A_163 : memref<1x!tpu.dma_semaphore, #tpu.memory_space<semaphore_mem>> -> memref<!tpu.dma_semaphore, #tpu.memory_space<semaphore_mem>>
      %dma_wait3A_165 = arith.constant 0 : i32
      %dma_wait3A_166 = arith.constant 0 : i32
      %dma_wait3A_167 = tpu.memref_slice %arg5[%arg0, %dma_wait3A_165, %dma_wait3A_166] : memref<2x10032x128xf32, #tpu.memory_space<hbm>> -> memref<1x10032x128xf32, #tpu.memory_space<hbm>>
      %dma_wait3A_168 = tpu.memref_squeeze %dma_wait3A_167 : memref<1x10032x128xf32, #tpu.memory_space<hbm>> -> memref<10032x128xf32, #tpu.memory_space<hbm>>
      %dma_wait3A_169 = arith.constant 0 : i32
      %dma_wait3A_170 = tpu.memref_slice %dma_wait3A_168[%mul3A_152, %dma_wait3A_169] : memref<10032x128xf32, #tpu.memory_space<hbm>> -> memref<57x128xf32, #tpu.memory_space<hbm>>
      %dma_wait3A_171 = arith.constant 0 : i32
      %dma_wait3A_172 = arith.constant 0 : i32
      %dma_wait3A_173 = tpu.memref_slice %arg9[%rem3A_150, %dma_wait3A_171, %dma_wait3A_172] : memref<6x64x128xf32, #tpu.memory_space<vmem>> -> memref<1x57x128xf32, #tpu.memory_space<vmem>>
      %dma_wait3A_174 = tpu.memref_squeeze %dma_wait3A_173 : memref<1x57x128xf32, #tpu.memory_space<vmem>> -> memref<57x128xf32, #tpu.memory_space<vmem>>
      tpu.wait_dma2 semaphore(%dma_wait3A_164 : memref<!tpu.dma_semaphore, #tpu.memory_space<semaphore_mem>>) src(%dma_wait3A_174 : memref<57x128xf32, #tpu.memory_space<vmem>>) dst(%dma_wait3A_170 : memref<57x128xf32, #tpu.memory_space<hbm>>)
    }
    %scan3A_148 = arith.constant 6 : i32
    return
  }
}

module attributes {stable_mosaic.version = 14 : i64} {
  func.func @_tc1_body(%arg0: i32, %arg1: memref<2000x128xf32, #tpu.memory_space<vmem>>, %arg2: memref<2000x1xf32, #tpu.memory_space<vmem>>, %arg3: memref<2000x1xf32, #tpu.memory_space<vmem>>, %arg4: memref<128x256xf32, #tpu.memory_space<vmem>>, %arg5: memref<2x2000x128xf32, #tpu.memory_space<vmem>>) attributes {dimension_semantics = [#tpu.dimension_semantics<arbitrary>], iteration_bounds = array<i64: 5>, scalar_prefetch = 0 : i64, scratch_operands = 0 : i64, tpu.core_type = #tpu.core_type<tc>, window_params = [{transform_indices = @transform_0, window_bounds = array<i64: 2000, 128>}, {transform_indices = @transform_1, window_bounds = array<i64: 2000, 1>}, {transform_indices = @transform_2, window_bounds = array<i64: 2000, 1>}, {pipeline_mode = #tpu.pipeline_mode<synchronous>, transform_indices = @transform_3, window_bounds = array<i64: 128, 256>}, {transform_indices = @transform_4, window_bounds = array<i64: 2, 2000, 128>}]} {
    %get3A = arith.constant 0 : index
    %get3A_0 = arith.constant 0 : index
    %get3A_1 = vector.load %arg2[%get3A, %get3A_0] : memref<2000x1xf32, #tpu.memory_space<vmem>>, vector<2000x1xf32>
    %get3A_2 = arith.constant 0 : index
    %get3A_3 = arith.constant 0 : index
    %get3A_4 = vector.load %arg3[%get3A_2, %get3A_3] : memref<2000x1xf32, #tpu.memory_space<vmem>>, vector<2000x1xf32>
    %add3A = arith.addf %get3A_1, %get3A_4 : vector<2000x1xf32>
    %add3A_5 = arith.constant 1.000000e+00 : f32
    %add3A_6 = vector.broadcast %add3A_5 : f32 to vector<2000x1xf32>
    %add3A_7 = arith.addf %add3A, %add3A_6 : vector<2000x1xf32>
    %rsqrt3A = math.rsqrt %add3A_7 : vector<2000x1xf32>
    %get3A_8 = arith.constant 0 : index
    %get3A_9 = arith.constant 0 : index
    %get3A_10 = vector.load %arg1[%get3A_8, %get3A_9] : memref<2000x128xf32, #tpu.memory_space<vmem>>, vector<2000x128xf32>
    %get3A_11 = arith.constant 0 : index
    %get3A_12 = arith.constant 0 : index
    %get3A_13 = vector.load %arg4[%get3A_11, %get3A_12] : memref<128x256xf32, #tpu.memory_space<vmem>>, vector<128x256xf32>
    %dot_general3A = arith.constant dense<0.000000e+00> : vector<2000x256xf32>
    %dot_general3A_14 = tpu.matmul %get3A_10, %get3A_13, %dot_general3A {dimension_numbers = #tpu.dot_dimension_numbers<[1], [0], [0], [1], [0, 0, 1, 1], [], []>, transpose_lhs_hint = false} : vector<2000x128xf32>, vector<128x256xf32>, vector<2000x256xf32> -> vector<2000x256xf32>
    %mul3A = vector.broadcast %rsqrt3A : vector<2000x1xf32> to vector<2000x256xf32>
    %mul3A_15 = arith.mulf %dot_general3A_14, %mul3A : vector<2000x256xf32>
    %slice3A = vector.extract_strided_slice %mul3A_15 {offsets = [0, 0], sizes = [2000, 128], strides = [1, 1]} : vector<2000x256xf32> to vector<2000x128xf32>
    %swap3A = arith.constant 0 : index
    %swap3A_16 = arith.constant 0 : index
    %swap3A_17 = arith.constant 0 : index
    %swap3A_18 = vector.load %arg5[%swap3A, %swap3A_16, %swap3A_17] : memref<2x2000x128xf32, #tpu.memory_space<vmem>>, vector<1x2000x128xf32>
    %swap3A_19 = vector.shape_cast %swap3A_18 : vector<1x2000x128xf32> to vector<2000x128xf32>
    %swap3A_20 = vector.shape_cast %slice3A : vector<2000x128xf32> to vector<1x2000x128xf32>
    tpu.vector_store %arg5[%swap3A, %swap3A_16, %swap3A_17], %swap3A_20 {strides = array<i32>} : memref<2x2000x128xf32, #tpu.memory_space<vmem>>, vector<1x2000x128xf32>,
    %slice3A_21 = vector.extract_strided_slice %mul3A_15 {offsets = [0, 128], sizes = [2000, 128], strides = [1, 1]} : vector<2000x256xf32> to vector<2000x128xf32>
    %swap3A_22 = arith.constant 1 : index
    %swap3A_23 = arith.constant 0 : index
    %swap3A_24 = arith.constant 0 : index
    %swap3A_25 = vector.load %arg5[%swap3A_22, %swap3A_23, %swap3A_24] : memref<2x2000x128xf32, #tpu.memory_space<vmem>>, vector<1x2000x128xf32>
    %swap3A_26 = vector.shape_cast %swap3A_25 : vector<1x2000x128xf32> to vector<2000x128xf32>
    %swap3A_27 = vector.shape_cast %slice3A_21 : vector<2000x128xf32> to vector<1x2000x128xf32>
    tpu.vector_store %arg5[%swap3A_22, %swap3A_23, %swap3A_24], %swap3A_27 {strides = array<i32>} : memref<2x2000x128xf32, #tpu.memory_space<vmem>>, vector<1x2000x128xf32>,
    return
  }
  func.func @transform_0(%arg0: i32) -> (i32, i32) {
    %c0_i32 = arith.constant 0 : i32
    %c0_i32_0 = arith.constant 0 : i32
    return %arg0, %c0_i32 : i32, i32
  }
  func.func @transform_1(%arg0: i32) -> (i32, i32) {
    %c0_i32 = arith.constant 0 : i32
    %c0_i32_0 = arith.constant 0 : i32
    return %arg0, %c0_i32 : i32, i32
  }
  func.func @transform_2(%arg0: i32) -> (i32, i32) {
    %c0_i32 = arith.constant 0 : i32
    %c0_i32_0 = arith.constant 0 : i32
    return %arg0, %c0_i32 : i32, i32
  }
  func.func @transform_3(%arg0: i32) -> (i32, i32) {
    %c0_i32 = arith.constant 0 : i32
    %c0_i32_0 = arith.constant 0 : i32
    %c0_i32_1 = arith.constant 0 : i32
    return %c0_i32, %c0_i32_0 : i32, i32
  }
  func.func @transform_4(%arg0: i32) -> (i32, i32, i32) {
    %c0_i32 = arith.constant 0 : i32
    %c0_i32_0 = arith.constant 0 : i32
    %c0_i32_1 = arith.constant 0 : i32
    return %c0_i32, %arg0, %c0_i32_0 : i32, i32, i32
  }
}

module attributes {stable_mosaic.version = 14 : i64} {
  func.func @_tc2_body(%arg0: i32, %arg1: memref<2x2000x128xf32, #tpu.memory_space<vmem>>, %arg2: memref<2x2000x128xf32, #tpu.memory_space<vmem>>, %arg3: memref<2000x1xf32, #tpu.memory_space<vmem>>, %arg4: memref<2000x1xf32, #tpu.memory_space<vmem>>, %arg5: memref<1x256xf32, #tpu.memory_space<vmem>>, %arg6: memref<256x128xf32, #tpu.memory_space<vmem>>, %arg7: memref<2000x128xf32, #tpu.memory_space<vmem>>) attributes {dimension_semantics = [#tpu.dimension_semantics<arbitrary>], iteration_bounds = array<i64: 5>, scalar_prefetch = 0 : i64, scratch_operands = 0 : i64, tpu.core_type = #tpu.core_type<tc>, window_params = [{transform_indices = @transform_0, window_bounds = array<i64: 2, 2000, 128>}, {transform_indices = @transform_1, window_bounds = array<i64: 2, 2000, 128>}, {transform_indices = @transform_2, window_bounds = array<i64: 2000, 1>}, {transform_indices = @transform_3, window_bounds = array<i64: 2000, 1>}, {pipeline_mode = #tpu.pipeline_mode<synchronous>, transform_indices = @transform_4, window_bounds = array<i64: 1, 256>}, {pipeline_mode = #tpu.pipeline_mode<synchronous>, transform_indices = @transform_5, window_bounds = array<i64: 256, 128>}, {transform_indices = @transform_6, window_bounds = array<i64: 2000, 128>}]} {
    %get3A = arith.constant 0 : index
    %get3A_0 = arith.constant 0 : index
    %get3A_1 = vector.load %arg3[%get3A, %get3A_0] : memref<2000x1xf32, #tpu.memory_space<vmem>>, vector<2000x1xf32>
    %get3A_2 = arith.constant 0 : index
    %get3A_3 = arith.constant 0 : index
    %get3A_4 = vector.load %arg4[%get3A_2, %get3A_3] : memref<2000x1xf32, #tpu.memory_space<vmem>>, vector<2000x1xf32>
    %add3A = arith.addf %get3A_1, %get3A_4 : vector<2000x1xf32>
    %add3A_5 = arith.constant 1.000000e+00 : f32
    %add3A_6 = vector.broadcast %add3A_5 : f32 to vector<2000x1xf32>
    %add3A_7 = arith.addf %add3A, %add3A_6 : vector<2000x1xf32>
    %rsqrt3A = math.rsqrt %add3A_7 : vector<2000x1xf32>
    %get3A_8 = arith.constant 0 : index
    %get3A_9 = arith.constant 0 : index
    %get3A_10 = vector.load %arg5[%get3A_8, %get3A_9] : memref<1x256xf32, #tpu.memory_space<vmem>>, vector<1x256xf32>
    %get3A_11 = arith.constant 0 : index
    %get3A_12 = arith.constant 0 : index
    %get3A_13 = arith.constant 0 : index
    %get3A_14 = vector.load %arg1[%get3A_11, %get3A_12, %get3A_13] : memref<2x2000x128xf32, #tpu.memory_space<vmem>>, vector<1x2000x128xf32>
    %get3A_15 = vector.shape_cast %get3A_14 : vector<1x2000x128xf32> to vector<2000x128xf32>
    %get3A_16 = arith.constant 0 : index
    %get3A_17 = arith.constant 0 : index
    %get3A_18 = arith.constant 0 : index
    %get3A_19 = vector.load %arg2[%get3A_16, %get3A_17, %get3A_18] : memref<2x2000x128xf32, #tpu.memory_space<vmem>>, vector<1x2000x128xf32>
    %get3A_20 = vector.shape_cast %get3A_19 : vector<1x2000x128xf32> to vector<2000x128xf32>
    %add3A_21 = arith.addf %get3A_15, %get3A_20 : vector<2000x128xf32>
    %mul3A = vector.broadcast %rsqrt3A : vector<2000x1xf32> to vector<2000x128xf32>
    %mul3A_22 = arith.mulf %mul3A, %add3A_21 : vector<2000x128xf32>
    %slice3A = vector.extract_strided_slice %get3A_10 {offsets = [0, 0], sizes = [1, 128], strides = [1, 1]} : vector<1x256xf32> to vector<1x128xf32>
    %add3A_23 = vector.broadcast %slice3A : vector<1x128xf32> to vector<2000x128xf32>
    %add3A_24 = arith.addf %mul3A_22, %add3A_23 : vector<2000x128xf32>
    %max3A = arith.constant 0.000000e+00 : f32
    %max3A_25 = vector.broadcast %max3A : f32 to vector<2000x128xf32>
    %max3A_26 = arith.maximumf %add3A_24, %max3A_25 : vector<2000x128xf32>
    %get3A_27 = arith.constant 1 : index
    %get3A_28 = arith.constant 0 : index
    %get3A_29 = arith.constant 0 : index
    %get3A_30 = vector.load %arg1[%get3A_27, %get3A_28, %get3A_29] : memref<2x2000x128xf32, #tpu.memory_space<vmem>>, vector<1x2000x128xf32>
    %get3A_31 = vector.shape_cast %get3A_30 : vector<1x2000x128xf32> to vector<2000x128xf32>
    %get3A_32 = arith.constant 1 : index
    %get3A_33 = arith.constant 0 : index
    %get3A_34 = arith.constant 0 : index
    %get3A_35 = vector.load %arg2[%get3A_32, %get3A_33, %get3A_34] : memref<2x2000x128xf32, #tpu.memory_space<vmem>>, vector<1x2000x128xf32>
    %get3A_36 = vector.shape_cast %get3A_35 : vector<1x2000x128xf32> to vector<2000x128xf32>
    %add3A_37 = arith.addf %get3A_31, %get3A_36 : vector<2000x128xf32>
    %mul3A_38 = vector.broadcast %rsqrt3A : vector<2000x1xf32> to vector<2000x128xf32>
    %mul3A_39 = arith.mulf %mul3A_38, %add3A_37 : vector<2000x128xf32>
    %slice3A_40 = vector.extract_strided_slice %get3A_10 {offsets = [0, 128], sizes = [1, 128], strides = [1, 1]} : vector<1x256xf32> to vector<1x128xf32>
    %add3A_41 = vector.broadcast %slice3A_40 : vector<1x128xf32> to vector<2000x128xf32>
    %add3A_42 = arith.addf %mul3A_39, %add3A_41 : vector<2000x128xf32>
    %max3A_43 = arith.constant 0.000000e+00 : f32
    %max3A_44 = vector.broadcast %max3A_43 : f32 to vector<2000x128xf32>
    %max3A_45 = arith.maximumf %add3A_42, %max3A_44 : vector<2000x128xf32>
    %concatenate3A = tpu.concatenate %max3A_26, %max3A_45 in 1 : vector<2000x128xf32>, vector<2000x128xf32> -> vector<2000x256xf32>
    %get3A_46 = arith.constant 0 : index
    %get3A_47 = arith.constant 0 : index
    %get3A_48 = vector.load %arg6[%get3A_46, %get3A_47] : memref<256x128xf32, #tpu.memory_space<vmem>>, vector<256x128xf32>
    %dot_general3A = arith.constant dense<0.000000e+00> : vector<2000x128xf32>
    %dot_general3A_49 = tpu.matmul %concatenate3A, %get3A_48, %dot_general3A {dimension_numbers = #tpu.dot_dimension_numbers<[1], [0], [0], [1], [0, 0, 1, 1], [], []>, transpose_lhs_hint = false} : vector<2000x256xf32>, vector<256x128xf32>, vector<2000x128xf32> -> vector<2000x128xf32>
    %mul3A_50 = vector.broadcast %rsqrt3A : vector<2000x1xf32> to vector<2000x128xf32>
    %mul3A_51 = arith.mulf %dot_general3A_49, %mul3A_50 : vector<2000x128xf32>
    %swap3A = arith.constant 0 : index
    %swap3A_52 = arith.constant 0 : index
    %swap3A_53 = vector.load %arg7[%swap3A, %swap3A_52] : memref<2000x128xf32, #tpu.memory_space<vmem>>, vector<2000x128xf32>
    tpu.vector_store %arg7[%swap3A, %swap3A_52], %mul3A_51 {strides = array<i32>} : memref<2000x128xf32, #tpu.memory_space<vmem>>, vector<2000x128xf32>,
    return
  }
  func.func @transform_0(%arg0: i32) -> (i32, i32, i32) {
    %c0_i32 = arith.constant 0 : i32
    %c0_i32_0 = arith.constant 0 : i32
    %c0_i32_1 = arith.constant 0 : i32
    return %c0_i32, %arg0, %c0_i32_0 : i32, i32, i32
  }
  func.func @transform_1(%arg0: i32) -> (i32, i32, i32) {
    %c0_i32 = arith.constant 0 : i32
    %c0_i32_0 = arith.constant 0 : i32
    %c0_i32_1 = arith.constant 0 : i32
    return %c0_i32, %arg0, %c0_i32_0 : i32, i32, i32
  }
  func.func @transform_2(%arg0: i32) -> (i32, i32) {
    %c0_i32 = arith.constant 0 : i32
    %c0_i32_0 = arith.constant 0 : i32
    return %arg0, %c0_i32 : i32, i32
  }
  func.func @transform_3(%arg0: i32) -> (i32, i32) {
    %c0_i32 = arith.constant 0 : i32
    %c0_i32_0 = arith.constant 0 : i32
    return %arg0, %c0_i32 : i32, i32
  }
  func.func @transform_4(%arg0: i32) -> (i32, i32) {
    %c0_i32 = arith.constant 0 : i32
    %c0_i32_0 = arith.constant 0 : i32
    %c0_i32_1 = arith.constant 0 : i32
    return %c0_i32, %c0_i32_0 : i32, i32
  }
  func.func @transform_5(%arg0: i32) -> (i32, i32) {
    %c0_i32 = arith.constant 0 : i32
    %c0_i32_0 = arith.constant 0 : i32
    %c0_i32_1 = arith.constant 0 : i32
    return %c0_i32, %c0_i32_0 : i32, i32
  }
  func.func @transform_6(%arg0: i32) -> (i32, i32) {
    %c0_i32 = arith.constant 0 : i32
    %c0_i32_0 = arith.constant 0 : i32
    return %arg0, %c0_i32 : i32, i32
  }
}

module attributes {stable_mosaic.version = 14 : i64} {
  func.func @_tc3_body(%arg0: i32, %arg1: memref<2x2000x128xf32, #tpu.memory_space<vmem>>, %arg2: memref<2000x128xf32, #tpu.memory_space<vmem>>, %arg3: memref<2000x1xf32, #tpu.memory_space<vmem>>, %arg4: memref<2000x1xf32, #tpu.memory_space<vmem>>, %arg5: memref<1x128xf32, #tpu.memory_space<vmem>>, %arg6: memref<128x128xf32, #tpu.memory_space<vmem>>, %arg7: memref<1x128xf32, #tpu.memory_space<vmem>>, %arg8: memref<128x128xf32, #tpu.memory_space<vmem>>, %arg9: memref<1x128xf32, #tpu.memory_space<vmem>>, %arg10: memref<2000x128xf32, #tpu.memory_space<vmem>>) attributes {dimension_semantics = [#tpu.dimension_semantics<arbitrary>], iteration_bounds = array<i64: 5>, scalar_prefetch = 0 : i64, scratch_operands = 0 : i64, tpu.core_type = #tpu.core_type<tc>, window_params = [{transform_indices = @transform_0, window_bounds = array<i64: 2, 2000, 128>}, {transform_indices = @transform_1, window_bounds = array<i64: 2000, 128>}, {transform_indices = @transform_2, window_bounds = array<i64: 2000, 1>}, {transform_indices = @transform_3, window_bounds = array<i64: 2000, 1>}, {pipeline_mode = #tpu.pipeline_mode<synchronous>, transform_indices = @transform_4, window_bounds = array<i64: 1, 128>}, {pipeline_mode = #tpu.pipeline_mode<synchronous>, transform_indices = @transform_5, window_bounds = array<i64: 128, 128>}, {pipeline_mode = #tpu.pipeline_mode<synchronous>, transform_indices = @transform_6, window_bounds = array<i64: 1, 128>}, {pipeline_mode = #tpu.pipeline_mode<synchronous>, transform_indices = @transform_7, window_bounds = array<i64: 128, 128>}, {pipeline_mode = #tpu.pipeline_mode<synchronous>, transform_indices = @transform_8, window_bounds = array<i64: 1, 128>}, {transform_indices = @transform_9, window_bounds = array<i64: 2000, 128>}]} {
    %get3A = arith.constant 0 : index
    %get3A_0 = arith.constant 0 : index
    %get3A_1 = vector.load %arg3[%get3A, %get3A_0] : memref<2000x1xf32, #tpu.memory_space<vmem>>, vector<2000x1xf32>
    %get3A_2 = arith.constant 0 : index
    %get3A_3 = arith.constant 0 : index
    %get3A_4 = vector.load %arg4[%get3A_2, %get3A_3] : memref<2000x1xf32, #tpu.memory_space<vmem>>, vector<2000x1xf32>
    %add3A = arith.addf %get3A_1, %get3A_4 : vector<2000x1xf32>
    %add3A_5 = arith.constant 1.000000e+00 : f32
    %add3A_6 = vector.broadcast %add3A_5 : f32 to vector<2000x1xf32>
    %add3A_7 = arith.addf %add3A, %add3A_6 : vector<2000x1xf32>
    %rsqrt3A = math.rsqrt %add3A_7 : vector<2000x1xf32>
    %get3A_8 = arith.constant 0 : index
    %get3A_9 = arith.constant 0 : index
    %get3A_10 = arith.constant 0 : index
    %get3A_11 = vector.load %arg1[%get3A_8, %get3A_9, %get3A_10] : memref<2x2000x128xf32, #tpu.memory_space<vmem>>, vector<1x2000x128xf32>
    %get3A_12 = vector.shape_cast %get3A_11 : vector<1x2000x128xf32> to vector<2000x128xf32>
    %get3A_13 = arith.constant 1 : index
    %get3A_14 = arith.constant 0 : index
    %get3A_15 = arith.constant 0 : index
    %get3A_16 = vector.load %arg1[%get3A_13, %get3A_14, %get3A_15] : memref<2x2000x128xf32, #tpu.memory_space<vmem>>, vector<1x2000x128xf32>
    %get3A_17 = vector.shape_cast %get3A_16 : vector<1x2000x128xf32> to vector<2000x128xf32>
    %add3A_18 = arith.addf %get3A_12, %get3A_17 : vector<2000x128xf32>
    %get3A_19 = arith.constant 0 : index
    %get3A_20 = arith.constant 0 : index
    %get3A_21 = vector.load %arg2[%get3A_19, %get3A_20] : memref<2000x128xf32, #tpu.memory_space<vmem>>, vector<2000x128xf32>
    %add3A_22 = arith.addf %add3A_18, %get3A_21 : vector<2000x128xf32>
    %mul3A = vector.broadcast %rsqrt3A : vector<2000x1xf32> to vector<2000x128xf32>
    %mul3A_23 = arith.mulf %mul3A, %add3A_22 : vector<2000x128xf32>
    %get3A_24 = arith.constant 0 : index
    %get3A_25 = arith.constant 0 : index
    %get3A_26 = vector.load %arg5[%get3A_24, %get3A_25] : memref<1x128xf32, #tpu.memory_space<vmem>>, vector<1x128xf32>
    %add3A_27 = vector.broadcast %get3A_26 : vector<1x128xf32> to vector<2000x128xf32>
    %add3A_28 = arith.addf %mul3A_23, %add3A_27 : vector<2000x128xf32>
    %max3A = arith.constant 0.000000e+00 : f32
    %max3A_29 = vector.broadcast %max3A : f32 to vector<2000x128xf32>
    %max3A_30 = arith.maximumf %add3A_28, %max3A_29 : vector<2000x128xf32>
    %get3A_31 = arith.constant 0 : index
    %get3A_32 = arith.constant 0 : index
    %get3A_33 = vector.load %arg6[%get3A_31, %get3A_32] : memref<128x128xf32, #tpu.memory_space<vmem>>, vector<128x128xf32>
    %dot_general3A = arith.constant dense<0.000000e+00> : vector<2000x128xf32>
    %dot_general3A_34 = tpu.matmul %max3A_30, %get3A_33, %dot_general3A {dimension_numbers = #tpu.dot_dimension_numbers<[1], [0], [0], [1], [0, 0, 1, 1], [], []>, transpose_lhs_hint = false} : vector<2000x128xf32>, vector<128x128xf32>, vector<2000x128xf32> -> vector<2000x128xf32>
    %get3A_35 = arith.constant 0 : index
    %get3A_36 = arith.constant 0 : index
    %get3A_37 = vector.load %arg7[%get3A_35, %get3A_36] : memref<1x128xf32, #tpu.memory_space<vmem>>, vector<1x128xf32>
    %add3A_38 = vector.broadcast %get3A_37 : vector<1x128xf32> to vector<2000x128xf32>
    %add3A_39 = arith.addf %dot_general3A_34, %add3A_38 : vector<2000x128xf32>
    %gt3A = arith.constant 0.000000e+00 : f32
    %gt3A_40 = vector.broadcast %gt3A : f32 to vector<2000x128xf32>
    %gt3A_41 = arith.cmpf ogt, %add3A_39, %gt3A_40 : vector<2000x128xf32>
    %exp3A = math.exp %add3A_39 : vector<2000x128xf32>
    %sub3A = arith.constant 1.000000e+00 : f32
    %sub3A_42 = vector.broadcast %sub3A : f32 to vector<2000x128xf32>
    %sub3A_43 = arith.subf %exp3A, %sub3A_42 : vector<2000x128xf32>
    %select_n3A = arith.select %gt3A_41, %add3A_39, %sub3A_43 : vector<2000x128xi1>, vector<2000x128xf32>
    %get3A_44 = arith.constant 0 : index
    %get3A_45 = arith.constant 0 : index
    %get3A_46 = vector.load %arg8[%get3A_44, %get3A_45] : memref<128x128xf32, #tpu.memory_space<vmem>>, vector<128x128xf32>
    %dot_general3A_47 = arith.constant dense<0.000000e+00> : vector<2000x128xf32>
    %dot_general3A_48 = tpu.matmul %select_n3A, %get3A_46, %dot_general3A_47 {dimension_numbers = #tpu.dot_dimension_numbers<[1], [0], [0], [1], [0, 0, 1, 1], [], []>, transpose_lhs_hint = false} : vector<2000x128xf32>, vector<128x128xf32>, vector<2000x128xf32> -> vector<2000x128xf32>
    %get3A_49 = arith.constant 0 : index
    %get3A_50 = arith.constant 0 : index
    %get3A_51 = vector.load %arg9[%get3A_49, %get3A_50] : memref<1x128xf32, #tpu.memory_space<vmem>>, vector<1x128xf32>
    %add3A_52 = vector.broadcast %get3A_51 : vector<1x128xf32> to vector<2000x128xf32>
    %add3A_53 = arith.addf %dot_general3A_48, %add3A_52 : vector<2000x128xf32>
    %swap3A = arith.constant 0 : index
    %swap3A_54 = arith.constant 0 : index
    %swap3A_55 = vector.load %arg10[%swap3A, %swap3A_54] : memref<2000x128xf32, #tpu.memory_space<vmem>>, vector<2000x128xf32>
    tpu.vector_store %arg10[%swap3A, %swap3A_54], %add3A_53 {strides = array<i32>} : memref<2000x128xf32, #tpu.memory_space<vmem>>, vector<2000x128xf32>,
    return
  }
  func.func @transform_0(%arg0: i32) -> (i32, i32, i32) {
    %c0_i32 = arith.constant 0 : i32
    %c0_i32_0 = arith.constant 0 : i32
    %c0_i32_1 = arith.constant 0 : i32
    return %c0_i32, %arg0, %c0_i32_0 : i32, i32, i32
  }
  func.func @transform_1(%arg0: i32) -> (i32, i32) {
    %c0_i32 = arith.constant 0 : i32
    %c0_i32_0 = arith.constant 0 : i32
    return %arg0, %c0_i32 : i32, i32
  }
  func.func @transform_2(%arg0: i32) -> (i32, i32) {
    %c0_i32 = arith.constant 0 : i32
    %c0_i32_0 = arith.constant 0 : i32
    return %arg0, %c0_i32 : i32, i32
  }
  func.func @transform_3(%arg0: i32) -> (i32, i32) {
    %c0_i32 = arith.constant 0 : i32
    %c0_i32_0 = arith.constant 0 : i32
    return %arg0, %c0_i32 : i32, i32
  }
  func.func @transform_4(%arg0: i32) -> (i32, i32) {
    %c0_i32 = arith.constant 0 : i32
    %c0_i32_0 = arith.constant 0 : i32
    %c0_i32_1 = arith.constant 0 : i32
    return %c0_i32, %c0_i32_0 : i32, i32
  }
  func.func @transform_5(%arg0: i32) -> (i32, i32) {
    %c0_i32 = arith.constant 0 : i32
    %c0_i32_0 = arith.constant 0 : i32
    %c0_i32_1 = arith.constant 0 : i32
    return %c0_i32, %c0_i32_0 : i32, i32
  }
  func.func @transform_6(%arg0: i32) -> (i32, i32) {
    %c0_i32 = arith.constant 0 : i32
    %c0_i32_0 = arith.constant 0 : i32
    %c0_i32_1 = arith.constant 0 : i32
    return %c0_i32, %c0_i32_0 : i32, i32
  }
  func.func @transform_7(%arg0: i32) -> (i32, i32) {
    %c0_i32 = arith.constant 0 : i32
    %c0_i32_0 = arith.constant 0 : i32
    %c0_i32_1 = arith.constant 0 : i32
    return %c0_i32, %c0_i32_0 : i32, i32
  }
  func.func @transform_8(%arg0: i32) -> (i32, i32) {
    %c0_i32 = arith.constant 0 : i32
    %c0_i32_0 = arith.constant 0 : i32
    %c0_i32_1 = arith.constant 0 : i32
    return %c0_i32, %c0_i32_0 : i32, i32
  }
  func.func @transform_9(%arg0: i32) -> (i32, i32) {
    %c0_i32 = arith.constant 0 : i32
    %c0_i32_0 = arith.constant 0 : i32
    return %arg0, %c0_i32 : i32, i32
  }
}

</mosaic_0001>

<sc_bundles>
// kernel: kernel.11.cloned.1.call-start
scs
__scs_entry_jumppad:
0x0: {  	(pc) =	sbr.rel $0x88, $3  }
0x1: {  	(tag) =	ssettag $0x0;
	lr =	simm.s32 $0x1  }
0x2: {  	[smem:$0x3F97] =	sst lr;
	_ =	strace $0xD0000000  }
0x3: {  	_ = 	snop  }
0x4: {  	_ = 	snop  }
0x5: {  	_ = 	snop  }
0x6: {  	_ = 	snop  }
0x7: {  	_ = 	snop  }
__scs_overlays_trampoline_lowered:
0x8: {  	[smem:$0x3FA6] =	sst s0  }
0x9: {  	[smem:$0x3FA7] =	sst s1  }
0xa: {  	[smem:$0x3FA8] =	sst s2  }
0xb: {  	[smem:$0x3FA9] =	sst s3  }
0xc: {  	[smem:$0x3FAA] =	sst s4  }
0xd: {  	[smem:$0x3FAB] =	sst s5  }
0xe: {  	[smem:$0x3FAC] =	sst s6  }
0xf: {  	[smem:$0x3FAD] =	sst s7  }
0x10: {  	[smem:$0x3FAE] =	sst s8  }
0x11: {  	[smem:$0x3FAF] =	sst s9;
	s0 =	simm.s32 @!p0 $0x0  }
0x12: {  	s1 =	sld [smem:$0x3F95];
	s0 =	simm.s32 @p0 $0x1  }
0x13: {  	[smem:$0x3FB0] =	sst s0;
	s0 =	simm.s32 @!p1 $0x0  }
0x14: {  	s2 =	sld [smem:$0x3F94];
	s0 =	simm.s32 @p1 $0x1  }
0x15: {  	[smem:$0x3FB1] =	sst s0;
	s0 =	simm.s32 @!p2 $0x0  }
0x16: {  	s3 =	sld [smem:$0x3FDB];
	s0 =	simm.s32 @p2 $0x1  }
0x17: {  	s4 =	simm.s32 $0x1BF5;
	[smem:$0x3FB3] =	sst s0  }
0x18: {  	s0 =	sld [smem:$0x3F96];
	_ =	swait.ge [sflag:s4], $0x0  }
0x19: {  	s7 =	sld [smem:$0x3F97]  }
0x1a: {  	s8 =	sadd.s32 $0xFFFFE003, lr  }
0x1b: {  	s9 =	sadd.s32 $0xFFFFFEF7, lr;
	s5 =	simm.s32 $0xFFFFFFFF;
	p2 =	slt.u32 s8, $0xFFFFF086  }
0x1c: {  	p1 =	slt.u32 s9, $0xF7A;
	s5 =	simm.s32 @!p2 $0x0  }
0x1d: {  	s5 =	simm.s32 @p1 $0x1;
	p0 =	seq.s32 s7, s2  }
0x1e: {  	s7 =	smul.u32 @!p0 $0xF7A, s2;
	p2 =	seq.s32 @!p0 s5, $0x0  }
0x1f: {  	s9 =	smul.u32 $0xF7A, s1;
	s8 =	simm.s32 @!p0 $0x1BF5;
	p2 =	por !p2, p0  }
0x20: {  	[sflag:s8] =	ssyncset.s32 @!p0 $0xFFFFF086;
	s6 =	sadd.s32 @!p0 s3, s7;
	s7 =	simm.s32 @!p0 $0x108  }
0x21: {  	s3 =	sadd.s32 s3, s9;
	s6 =	sadd.s32 @!p0 $0x88, s6;
	s7 =	simm.s32 @p2 $0x1082  }
0x22: {  	[simem:s7], [sflag:s8] =	dma.local @!p0 [hbm:s6], $0xF7A  }
0x23: {  	s9 =	sor.u32 $0xD0000000, s2;
	s6 =	simm.s32 $0x108;
	_ =	swait.ge @!p0 [sflag:s8], $0x0  }
0x24: {  	s3 =	sadd.s32 $0x88, s3;
	s6 =	simm.s32 @!p1 $0x1082;
	[sflag:s4] =	ssyncset.s32 $0xFFFFF086  }
0x25: {  	[simem:s6], [sflag:s4] =	dma.local [hbm:s3], $0xF7A  }
0x26: {  	[smem:$0x3F97] =	sst s1;
	(tag) =	ssettag s2;
	_ =	strace s9  }
0x27: {  	s1 =	sld [smem:$0x3FA7]  }
0x28: {  	s2 =	sld [smem:$0x3FA8]  }
0x29: {  	s4 =	sld [smem:$0x3FAA]  }
0x2a: {  	p0 =	seq.s32 s5, $0x0;
	s5 =	sld [smem:$0x3FAB]  }
0x2b: {  	s6 =	sld [smem:$0x3FAC]  }
0x2c: {  	s7 =	sld [smem:$0x3FAD]  }
0x2d: {  	s3 =	simm.s32 $0x108;
	s8 =	sld [smem:$0x3FAE]  }
0x2e: {  	s3 =	simm.s32 @!p0 $0x1082;
	s9 =	sld [smem:$0x3FAF]  }
0x2f: {  	lr =	sadd.s32 s0, s3;
	s0 =	sld [smem:$0x3FA6]  }
0x30: {  	s3 =	sld [smem:$0x3FA9]  }
0x31: {  	[smem:$0x3FB2] =	sst s10  }
0x32: {  	s10 =	sld [smem:$0x3FB0];
	_ =	sdelay $0x3  }
0x33: {  	p0 =	seq.s32 s10, $0x1;
	s10 =	sld [smem:$0x3FB2];
	_ =	sdelay $0x3  }
0x34: {  	[smem:$0x3FB2] =	sst s10  }
0x35: {  	s10 =	sld [smem:$0x3FB1];
	_ =	sdelay $0x3  }
0x36: {  	p1 =	seq.s32 s10, $0x1;
	s10 =	sld [smem:$0x3FB2];
	_ =	sdelay $0x3  }
0x37: {  	[smem:$0x3FB2] =	sst s10  }
0x38: {  	s10 =	sld [smem:$0x3FB3]  }
0x39: {  	_ = 	snop;
	(pc) =	sbr.ind lr, $3  }
0x3a: {  	_ = 	snop  }
0x3b: {  	_ = 	snop  }
0x3c: {  	p2 =	seq.s32 s10, $0x1;
	s10 =	sld [smem:$0x3FB2]  }
0x3d: {  	_ =	shalt  }
0x3e: {  	_ =	shalt  }
0x3f: {  	_ =	shalt  }
0x40: {  	_ =	shalt  }
0x41: {  	_ =	shalt  }
0x42: {  	_ =	shalt  }
0x43: {  	_ =	shalt  }
0x44: {  	_ =	shalt  }
0x45: {  	_ =	shalt  }
0x46: {  	_ =	shalt  }
0x47: {  	_ =	shalt  }
0x48: {  	_ =	shalt  }
0x49: {  	_ =	shalt  }
0x4a: {  	_ =	shalt  }
0x4b: {  	_ =	shalt  }
0x4c: {  	_ =	shalt  }
0x4d: {  	_ =	shalt  }
0x4e: {  	_ =	shalt  }
0x4f: {  	_ =	shalt  }
0x50: {  	_ =	shalt  }
0x51: {  	_ =	shalt  }
0x52: {  	_ =	shalt  }
0x53: {  	_ =	shalt  }
0x54: {  	_ =	shalt  }
0x55: {  	_ =	shalt  }
0x56: {  	_ =	shalt  }
0x57: {  	_ =	shalt  }
0x58: {  	_ =	shalt  }
0x59: {  	_ =	shalt  }
0x5a: {  	_ =	shalt  }
0x5b: {  	_ =	shalt  }
0x5c: {  	_ =	shalt  }
0x5d: {  	_ =	shalt  }
0x5e: {  	_ =	shalt  }
0x5f: {  	_ =	shalt  }
0x60: {  	_ =	shalt  }
0x61: {  	_ =	shalt  }
0x62: {  	_ =	shalt  }
0x63: {  	_ =	shalt  }
0x64: {  	_ =	shalt  }
0x65: {  	_ =	shalt  }
0x66: {  	_ =	shalt  }
0x67: {  	_ =	shalt  }
0x68: {  	_ =	shalt  }
0x69: {  	_ =	shalt  }
0x6a: {  	_ =	shalt  }
0x6b: {  	_ =	shalt  }
0x6c: {  	_ =	shalt  }
0x6d: {  	_ =	shalt  }
0x6e: {  	_ =	shalt  }
0x6f: {  	_ =	shalt  }
0x70: {  	_ =	shalt  }
0x71: {  	_ =	shalt  }
0x72: {  	_ =	shalt  }
0x73: {  	_ =	shalt  }
0x74: {  	_ =	shalt  }
0x75: {  	_ =	shalt  }
0x76: {  	_ =	shalt  }
0x77: {  	_ =	shalt  }
0x78: {  	_ =	shalt  }
0x79: {  	_ =	shalt  }
0x7a: {  	_ =	shalt  }
0x7b: {  	_ =	shalt  }
0x7c: {  	_ =	shalt  }
0x7d: {  	_ =	shalt  }
0x7e: {  	_ =	shalt  }
0x7f: {  	_ =	shalt  }
0x80: {  	_ =	shalt  }
0x81: {  	_ =	shalt  }
0x82: {  	_ =	shalt  }
0x83: {  	_ =	shalt  }
0x84: {  	_ =	shalt  }
0x85: {  	_ =	shalt  }
0x86: {  	_ =	shalt  }
0x87: {  	_ =	shalt  }
.Lfunc_end0:
.L_simem_size_0:
called_computation.1_lowered:
.L_overlay_start_0:
0x88: {  	s2 =	sld [smem:$0x3FD9]  }
0x89: {  	s3 =	sld [smem:$0x3FFE];
	_ =	sdelay $0x1  }
0x8a: {  	s1 =	srdreg.scid  }
0x8b: {  	s0 =	sand.u32 $0x1, s1  }
0x8c: {  	s16 =	sshll.u32 s0, $0xA;
	s2 =	sadd.s32 s3, s2  }
0x8d: {  	s2 =	sadd.s32 s2, s16  }
0x8e: {  	[smem:$0x3FBE] =	sst s2  }
0x8f: {  	_ = 	snop  }
0x90: {  	(tm) =	ssettm $0x1  }
0x91: {  	s17 =	sld [smem:$0x3FFB];
	_ =	sdelay $0x3  }
0x92: {  	_ =	strace s17  }
0x93: {  	s2 =	sld [smem:$0x3FFC];
	_ =	sdelay $0x3  }
0x94: {  	_ =	strace s2  }
0x95: {  	s2 =	sld [smem:$0x3FFD];
	_ =	sdelay $0x3  }
0x96: {  	_ =	strace s2  }
0x97: {  	_ =	strace $0x8FFFFFFF  }
0x98: {  	s18 =	sld [smem:$0x3FDB];
	_ =	sdelay $0x1  }
0x99: {  	s19 =	simm.s32 $_scs_section_size  }
0x9a: {  	s4 =	simm.s32 $_size__tile_overlayer_lowered;
	s5 =	simm.s32 $_tile_overlayer_lowered  }
0x9b: {  	s22 =	simm.s32 $0x1BFF;
	s21 =	sshll.u32 s5, $0x1;
	s2 =	sadd.s32 s19, s18  }
0x9c: {  	s6 =	simm.s32 $0x0;
	s20 =	sshll.u32 s4, $0x1;
	s4 =	sadd.s32 s21, s2  }
0x9d: {  	[timem:s6], [sflag:s22] =	dma.local [hbm:s4], s20  }
0x9e: {  	_ =	swait.ge [sflag:s22], s20  }
0x9f: {  	s3 =	ssub.s32 $0x0, s20;
	[sflag:s22] =	ssyncset.done $0x0  }
0xa0: {  	[sflag:s22] =	ssyncadd.s32 s3;
	_ =	sdelay $0x1  }
0xa1: {  	s23 =	simm.s32 $0x1B8B  }
0xa2: {  	_ =	swait.ge [sflag:s23], $0x1  }
0xa3: {  	[sflag:s23] =	ssyncset.done $0x0  }
0xa4: {  	s25 =	simm.s32 $0x1B8E;
	s24 =	sld [smem:$0x3FFE];
	[sflag:s23] =	ssyncadd.s32 $0xFFFFFFFF  }
0xa5: {  	s26 =	simm.s32 $execute0_lowered;
	[smem:$0x3FD2] =	sst s25  }
0xa6: {  	s4 =	sshll.u32 s26, $0x1;
	_ =	strace $0x80000049;
	[dreg:$0x1] =	wrdreg $0xFFFFFFFF  }
0xa7: {  	s28 =	simm.s32 $_size_execute0_lowered;
	s2 =	sadd.s32 s2, s4;
	[dreg:$0x0] =	wrdreg $0x0  }
0xa8: {  	s4 =	sshll.u32 s28, $0x1;
	[dreg:$0x2] =	wrdreg s2  }
0xa9: {  	[dreg:$0x3] =	wrdreg s4  }
0xaa: {  	[dreg:$0x4] =	wrdreg $0xC0  }
0xab: {  	_ =	task [dreg:s6], $0x5FFFF  }
0xac: {  	[dreg:$0x1] =	wrdreg $0xFFFFFFFF  }
0xad: {  	[dreg:$0x0] =	wrdreg $0x60  }
0xae: {  	[dreg:$0x2] =	wrdreg s24  }
0xaf: {  	[dreg:$0x3] =	wrdreg $0x6000  }
0xb0: {  	[dreg:$0x4] =	wrdreg $0x9  }
0xb1: {  	_ =	task.clear_ibuf [dreg:s6], $0x5FFFF;
	_ =	strace $0x90000049  }
0xb2: {  	s29 =	simm.s32 $0x9;
	_ =	strace $0x8000004B  }
0xb3: {  	_ =	swait.ge [sflag:s29], $0x1  }
0xb4: {  	[sflag:s29] =	ssyncadd.s32 $0xFFFFFFFF  }
0xb5: {  	_ =	strace $0x9000004B  }
0xb6: {  	_ =	sfence  }
0xb7: {  	s30 =	sld [smem:$0x0];
	_ =	sdelay $0x2  }
0xb8: {  	s31 =	sshll.u32 s1, $0xD;
	s1 =	sshrl.u32 s1, $0x2  }
0xb9: {  	s3 =	sand.u32 $0x4000, s31;
	s1 =	sadd.s32 s1, s30  }
0xba: {  	s0 =	sor.u32 s3, s0;
	s1 =	sshll.u32 s1, $0x11  }
0xbb: {  	s0 =	sor.u32 s1, s0  }
0xbc: {  	s0 =	sadd.s32 $0x8F2B, s0  }
0xbd: {  	[sflag:s0] =	ssyncadd.remote.s32 $0x1  }
0xbe: {  	_ =	sfence.sel $0xFFFF  }
0xbf: {  	[dreg:$0x0] =	wrdreg $0xFFFFFFFF;
	(pc) =	sbr.abs _section_cstart, $3  }
0xc0: {  	[dreg:$0x1] =	wrdreg $0xFFFFFFFF  }
0xc1: {  	_ =	task.clear_ibuf [dreg:s6], $0x2FFFF;
	_ =	strace $0x9FFFFFFF  }
0xc2: {  	(tm) =	ssettm $0x7FFFFFFF  }
0xc3: {  	_ =	shalt  }
tec
execute0_lowered:
.L_overlay_start_1:
0x0: {  	(tag) =	ssettag $0x1  }
0x1: {  	s0 =	rddreg [dreg:$0x0]  }
0x2: {  	s1 =	rddreg [dreg:$0x1]  }
0x3: {  	s2 =	simm.s32 $0x0;
	s3 =	srdreg.scid;
	s11 =	stileid.u32  }
0x4: {  	s28 =	simm.s32 $0x13F80;
	s29 =	simm.s32 $0x7;
	s8 =	smul.u32 $0x5100, s11  }
0x5: {  	s31 =	simm.s32 $0x19F80;
	s3 =	sand.u32 $0x1, s3;
	s9 =	smul.u32 $0xA20, s11  }
0x6: {  	[smem:$0x7FF] =	sst s2;
	s4 =	sadd.s32 $0x2E00, s0;
	s5 =	smul.u32 $0x27100, s3  }
0x7: {  	s6 =	sadd.s32 $0xD000, s0;
	s7 =	smul.u32 $0x27300, s3;
	s3 =	ssub.s32 $0x2, s3  }
0x8: {  	s25 =	smul.u32 $0x4E600, s11;
	_ =	strace $0x8000004A;
	s23 =	sshrl.u32 s3, $0x1  }
0x9: {  	s24 =	sshrl.u32 s8, $0x3;
	s12 =	sadd.s32 s4, s9;
	s9 =	sadd.s32 s6, s9  }
0xa: {  	s30 =	sshrl.u32 s25, $0x2;
	s5 =	sadd.s32 s5, s0;
	s0 =	sadd.s32 s7, s0  }
0xb: {  	s3 =	ssub.s32 s3, s23;
	s7 =	sadd.s32 $0x30, s24;
	[dreg:$0x4] =	wrdreg s9  }
0xc: {  	s23 =	sadd.s32 $0x60, s9;
	[dreg:$0x3] =	wrdreg s12;
	s24 =	sadd.s32 $0x60, s12  }
0xd: {  	s12 =	simm.s32 $0xC;
	s9 =	simm.s32 $0x0;
	[dreg:$0x13] =	wrdreg s23  }
0xe: {  	s4 =	sadd.s32 s4, s7;
	s26 =	sadd.s32 s6, s7;
	[dreg:$0x14] =	wrdreg s24  }
0xf: {  	s8 =	sadd.s32 $0x17200, s5;
	s6 =	smul.u32 $0x13980, s11;
	[dreg:$0x5] =	wrdreg s4  }
0x10: {  	s10 =	sadd.s32 $0x65400, s0;
	s7 =	smax.u32 s3, $0x1;
	[dreg:$0x6] =	wrdreg s26  }
0x11: {  	s3 =	simm.s32 $0x40;
	s26 =	sadd.s32 s30, s1;
	[dreg:$0x8] =	wrdreg s7  }
0x12: {  	s24 =	simm.s32 $0x17F80;
	s13 =	sadd.s32 $0x3900, s26;
	[dreg:$0x7] =	wrdreg s26  }
0x13: {  	s5 =	simm.s32 $0x3;
	s15 =	sadd.s32 $0x5580, s26;
	[dreg:$0xa] =	wrdreg s13  }
0x14: {  	s23 =	simm.s32 $0xB;
	s17 =	sadd.s32 $0x7200, s26;
	[dreg:$0xb] =	wrdreg s15  }
0x15: {  	s30 =	smul.u32 $0x2730, s11;
	s18 =	sadd.s32 $0x8E80, s26;
	[dreg:$0xc] =	wrdreg s17  }
0x16: {  	s7 =	simm.s32 $0x1DF80;
	s19 =	sadd.s32 $0xC780, s26;
	[dreg:$0xd] =	wrdreg s18  }
0x17: {  	s11 =	simm.s32 $0x1;
	s20 =	sadd.s32 $0xE400, s26;
	[dreg:$0xf] =	wrdreg s19  }
0x18: {  	s4 =	simm.s32 $0x2;
	s21 =	sadd.s32 $0x10080, s26;
	[dreg:$0x10] =	wrdreg s20  }
0x19: {  	s14 =	sadd.s32 $0x1C80, s26;
	s22 =	sadd.s32 $0x11D00, s26;
	[dreg:$0x11] =	wrdreg s21  }
0x1a: {  	s16 =	sadd.s32 s1, s6;
	s25 =	sadd.s32 $0xAB00, s26;
	[dreg:$0x12] =	wrdreg s22  }
0x1b: {  	s6 =	simm.s32 $0x1BF80;
	s0 =	sadd.s32 $0xAB00, s16;
	[dreg:$0x15] =	wrdreg s25  }
0x1c: {  	[dreg:$0x16] =	wrdreg s30;
	s17 =	simm.s32 $0x4;
	s18 =	simm.s32 $0x5  }
0x1d: {  	s19 =	simm.s32 $0x6;
	s20 =	simm.s32 $0x8;
	[dreg:$0x9] =	wrdreg s14  }
0x1e: {  	v0 =	vimm.f32 $0.0e+00;
	s21 =	simm.s32 $0x9;
	s22 =	simm.s32 $0xA;
	[dreg:$0xe] =	wrdreg s0  }
.LBB2_1:
0x1f: {  	[dreg:$0x17] =	wrdreg s9  }
0x20: {  	s0 =	rddreg [dreg:$0x3]  }
0x21: {  	s25 =	rddreg [dreg:$0x4]  }
0x22: {  	[tilespmem:s2], [sflag:$0xD] =	stream.linear.gather [hbm4b:s0+s2], $0x180, $0x38;
	[tilespmem:$0x1FF80] =	vst v63  }
0x23: {  	s30 =	simm.s32 $0x300;
	s9 =	simm.s32 $0x0;
	s13 =	simm.s32 $0x200  }
0x24: {  	[tilespmem:s30], [sflag:$0xD] =	stream.linear.gather [hbm4b:s25+s2], $0x180, $0x38;
	[tilespmem:$0x1FF80] =	vst v63  }
.LBB2_2:
0x25: {  	p0 =	sne.s32 s13, $0x7000;
	[tilespmem:s9+$0x13FF0] =	vst v0  }
0x26: {  	[tilespmem:s9+$0x13F80] =	vst v0  }
0x27: {  	[tilespmem:s9+$0x13F90] =	vst v0  }
.Ltmp0:
0x28: {  	[tilespmem:s9+$0x13FA0] =	vst v0;
	(pc) =	sbr.rel @p0 .LBB2_2-.Ltmp0, $4  }
0x29: {  	[tilespmem:s9+$0x13FB0] =	vst v0  }
0x2a: {  	[tilespmem:s9+$0x13FC0] =	vst v0  }
0x2b: {  	[tilespmem:s9+$0x13FD0] =	vst v0  }
0x2c: {  	[tilespmem:s9+$0x13FE0] =	vst v0;
	s9 =	sshra.s32 s13, $0x2;
	s13 =	sadd.s32 $0x200, s13  }
0x2d: {  	[tilespmem:s9+$0x13FF0] =	vst v0  }
0x2e: {  	[tilespmem:s9+$0x13F80] =	vst v0  }
0x2f: {  	[tilespmem:s9+$0x13F90] =	vst v0  }
0x30: {  	[tilespmem:s9+$0x13FA0] =	vst v0  }
0x31: {  	[tilespmem:s9+$0x13FB0] =	vst v0  }
0x32: {  	[tilespmem:s9+$0x13FC0] =	vst v0  }
0x33: {  	[tilespmem:s9+$0x13FD0] =	vst v0  }
0x34: {  	[tilespmem:s9+$0x13FE0] =	vst v0  }
0x35: {  	[spmem:s26] =	stream.linear.scatter [tilespmem:s28], [sflag:$0x7], $0x1C80, $0x38;
	[tilespmem:$0x1FF80] =	vst v63  }
0x36: {  	_ = 	snop  }
0x37: {  	[spmem:s14] =	stream.linear.scatter [tilespmem:s28], [sflag:$0x7], $0x1C80, $0x38;
	[tilespmem:$0x1FF80] =	vst v63  }
0x38: {  	s0 =	rddreg [dreg:$0xa]  }
0x39: {  	[spmem:s0] =	stream.linear.scatter [tilespmem:s28], [sflag:$0x7], $0x1C80, $0x38;
	[tilespmem:$0x1FF80] =	vst v63  }
0x3a: {  	s15 =	rddreg [dreg:$0xb]  }
0x3b: {  	[spmem:s15] =	stream.linear.scatter [tilespmem:s28], [sflag:$0x7], $0x1C80, $0x38;
	[tilespmem:$0x1FF80] =	vst v63  }
0x3c: {  	s16 =	rddreg [dreg:$0xc]  }
0x3d: {  	[spmem:s16] =	stream.linear.scatter [tilespmem:s28], [sflag:$0x7], $0x1C80, $0x38;
	[tilespmem:$0x1FF80] =	vst v63  }
0x3e: {  	s25 =	rddreg [dreg:$0xd]  }
0x3f: {  	[spmem:s25] =	stream.linear.scatter [tilespmem:s28], [sflag:$0x7], $0x1C80, $0x38;
	[tilespmem:$0x1FF80] =	vst v63  }
0x40: {  	s30 =	rddreg [dreg:$0xe]  }
0x41: {  	[spmem:s30] =	stream.linear.scatter [tilespmem:s28], [sflag:$0x7], $0x1C80, $0x38;
	[tilespmem:$0x1FF80] =	vst v63  }
0x42: {  	s9 =	rddreg [dreg:$0xf]  }
0x43: {  	[spmem:s9] =	stream.linear.scatter [tilespmem:s28], [sflag:$0x7], $0x1C80, $0x38;
	[tilespmem:$0x1FF80] =	vst v63  }
0x44: {  	s13 =	rddreg [dreg:$0x10]  }
0x45: {  	[spmem:s13] =	stream.linear.scatter [tilespmem:s28], [sflag:$0x7], $0x1C80, $0x38;
	[tilespmem:$0x1FF80] =	vst v63  }
0x46: {  	s14 =	rddreg [dreg:$0x11]  }
0x47: {  	[spmem:s14] =	stream.linear.scatter [tilespmem:s28], [sflag:$0x7], $0x1C80, $0x38;
	[tilespmem:$0x1FF80] =	vst v63  }
0x48: {  	s15 =	rddreg [dreg:$0x12]  }
0x49: {  	[spmem:s15] =	stream.linear.scatter [tilespmem:s28], [sflag:$0x7], $0x1C80, $0x38;
	[tilespmem:$0x1FF80] =	vst v63  }
0x4a: {  	_ =	swait.ge [sflag:s29], $0x1C80  }
0x4b: {  	[sflag:s29] =	ssyncset.done $0x0  }
0x4c: {  	[sflag:s29] =	ssyncadd.s32 $0xFFFFE380  }
0x4d: {  	_ =	swait.ge [sflag:s29], $0x1C80  }
0x4e: {  	[sflag:s29] =	ssyncset.done $0x0  }
0x4f: {  	[sflag:s29] =	ssyncadd.s32 $0xFFFFE380  }
0x50: {  	_ =	swait.ge [sflag:s29], $0x1C80  }
0x51: {  	[sflag:s29] =	ssyncset.done $0x0  }
0x52: {  	[sflag:s29] =	ssyncadd.s32 $0xFFFFE380  }
0x53: {  	_ =	swait.ge [sflag:s29], $0x1C80  }
0x54: {  	[sflag:s29] =	ssyncset.done $0x0  }
0x55: {  	[sflag:s29] =	ssyncadd.s32 $0xFFFFE380  }
0x56: {  	_ =	swait.ge [sflag:s29], $0x1C80  }
0x57: {  	[sflag:s29] =	ssyncset.done $0x0  }
0x58: {  	[sflag:s29] =	ssyncadd.s32 $0xFFFFE380  }
0x59: {  	_ =	swait.ge [sflag:s29], $0x1C80  }
0x5a: {  	[sflag:s29] =	ssyncset.done $0x0  }
0x5b: {  	[sflag:s29] =	ssyncadd.s32 $0xFFFFE380  }
0x5c: {  	_ =	swait.ge [sflag:s29], $0x1C80  }
0x5d: {  	[sflag:s29] =	ssyncset.done $0x0  }
0x5e: {  	[sflag:s29] =	ssyncadd.s32 $0xFFFFE380  }
0x5f: {  	_ =	swait.ge [sflag:s29], $0x1C80  }
0x60: {  	[sflag:s29] =	ssyncset.done $0x0  }
0x61: {  	[sflag:s29] =	ssyncadd.s32 $0xFFFFE380  }
0x62: {  	_ =	swait.ge [sflag:s29], $0x1C80  }
0x63: {  	[sflag:s29] =	ssyncset.done $0x0  }
0x64: {  	[sflag:s29] =	ssyncadd.s32 $0xFFFFE380  }
0x65: {  	_ =	swait.ge [sflag:s29], $0x1C80  }
0x66: {  	[sflag:s29] =	ssyncset.done $0x0  }
0x67: {  	[sflag:s29] =	ssyncadd.s32 $0xFFFFE380  }
0x68: {  	_ =	swait.ge [sflag:s29], $0x1C80  }
0x69: {  	[sflag:s29] =	ssyncset.done $0x0  }
0x6a: {  	[sflag:s29] =	ssyncadd.s32 $0xFFFFE380  }
0x6b: {  	s16 =	simm.s32 $0xD;
	[bflag:$0x0] =	sbarrier.arrive $0xFFFF  }
0x6c: {  	_ =	swait.ge [sflag:s16], $0x180  }
0x6d: {  	[sflag:s16] =	ssyncset.done $0x0  }
0x6e: {  	[sflag:s16] =	ssyncadd.s32 $0xFFFFFE80  }
0x6f: {  	_ =	swait.ge [sflag:s16], $0x180  }
0x70: {  	s30 =	simm.s32 $0x180;
	[sflag:s16] =	ssyncset.done $0x0  }
0x71: {  	s25 =	rddreg [dreg:$0x5];
	[sflag:s16] =	ssyncadd.s32 $0xFFFFFE80;
	s16 =	simm.s32 $0x0  }
0x72: {  	[tilespmem:s30], [sflag:$0xE] =	stream.linear.gather [hbm4b:s25+s16], $0x180, $0x38;
	[tilespmem:$0x1FF80] =	vst v63  }
0x73: {  	s13 =	simm.s32 $0x480;
	s9 =	rddreg [dreg:$0x6]  }
0x74: {  	[tilespmem:s13], [sflag:$0xE] =	stream.linear.gather [hbm4b:s9+s16], $0x180, $0x38;
	[tilespmem:$0x1FF80] =	vst v63  }
0x75: {  	_ = 	snop  }
0x76: {  	[tilespmem:s28], [sflag:$0x1] =	stream.indirect.gather [hbm4b:s8+s3], $0x80, s16, s3, $0xb8;
	[tilespmem:$0x1FF80] =	vst v63  }
0x77: {  	s0 =	simm.s32 $0x15F80  }
0x78: {  	[tilespmem:s0], [sflag:$0x2] =	stream.indirect.gather [hbm4b:s8+s3], $0x80, s3, s3, $0xb8;
	[tilespmem:$0x1FF80] =	vst v63  }
0x79: {  	s14 =	simm.s32 $0x80  }
0x7a: {  	[tilespmem:s24], [sflag:$0x3] =	stream.indirect.gather [hbm4b:s8+s3], $0x80, s14, s3, $0xb8;
	[tilespmem:$0x1FF80] =	vst v63  }
0x7b: {  	s15 =	simm.s32 $0xC0  }
0x7c: {  	[tilespmem:s31], [sflag:$0x4] =	stream.indirect.gather [hbm4b:s8+s3], $0x80, s15, s3, $0xb8;
	[tilespmem:$0x1FF80] =	vst v63  }
0x7d: {  	s25 =	simm.s32 $0x100;
	s14 =	rddreg [dreg:$0x14]  }
0x7e: {  	[tilespmem:s6], [sflag:$0x5] =	stream.indirect.gather [hbm4b:s8+s3], $0x80, s25, s3, $0xb8;
	[tilespmem:$0x1FF80] =	vst v63  }
0x7f: {  	s30 =	simm.s32 $0x140;
	s15 =	rddreg [dreg:$0x13]  }
0x80: {  	[tilespmem:s7], [sflag:$0x6] =	stream.indirect.gather [hbm4b:s8+s3], $0x80, s30, s3, $0xb8;
	[tilespmem:$0x1FF80] =	vst v63  }
.LBB2_4:
0x81: {  	s25 =	sand.u32 $0x1, s16  }
0x82: {  	s9 =	smul.u32 $0x600, s25  }
0x83: {  	_ =	swait.ge [sflag:s11], $0x2000  }
0x84: {  	[sflag:s11] =	ssyncset.done $0x0;
	s9 =	sshrl.u32 s9, $0x2  }
0x85: {  	[sflag:s11] =	ssyncadd.s32 $0xFFFFE000;
	s13 =	sadd.s32 $0x300, s9  }
0x86: {  	[spmem:s1] =	stream.indirect.scatter.add.f32 [tilespmem:s28], [sflag:$0x7], $0x80, s13, s3, $0xb8;
	[tilespmem:$0x1FF80] =	vst v63  }
0x87: {  	_ =	swait.ge [sflag:s4], $0x2000  }
0x88: {  	[sflag:s4] =	ssyncset.done $0x0  }
0x89: {  	s30 =	sadd.s32 $0x340, s9;
	[sflag:s4] =	ssyncadd.s32 $0xFFFFE000  }
0x8a: {  	[spmem:s1] =	stream.indirect.scatter.add.f32 [tilespmem:s0], [sflag:$0x8], $0x80, s30, s3, $0xb8;
	[tilespmem:$0x1FF80] =	vst v63  }
0x8b: {  	_ =	swait.ge [sflag:s5], $0x2000  }
0x8c: {  	[sflag:s5] =	ssyncset.done $0x0  }
0x8d: {  	s30 =	sadd.s32 $0x380, s9;
	[sflag:s5] =	ssyncadd.s32 $0xFFFFE000  }
0x8e: {  	[spmem:s1] =	stream.indirect.scatter.add.f32 [tilespmem:s24], [sflag:$0x9], $0x80, s30, s3, $0xb8;
	[tilespmem:$0x1FF80] =	vst v63  }
0x8f: {  	_ =	swait.ge [sflag:s17], $0x2000  }
0x90: {  	[sflag:s17] =	ssyncset.done $0x0  }
0x91: {  	s30 =	sadd.s32 $0x3C0, s9;
	[sflag:s17] =	ssyncadd.s32 $0xFFFFE000  }
0x92: {  	[spmem:s1] =	stream.indirect.scatter.add.f32 [tilespmem:s31], [sflag:$0xA], $0x80, s30, s3, $0xb8;
	[tilespmem:$0x1FF80] =	vst v63  }
0x93: {  	_ =	swait.ge [sflag:s18], $0x2000  }
0x94: {  	[sflag:s18] =	ssyncset.done $0x0  }
0x95: {  	p0 =	seq.s32 s16, $0x35;
	s30 =	sor.u32 $0x400, s9;
	[sflag:s18] =	ssyncadd.s32 $0xFFFFE000  }
0x96: {  	[spmem:s1] =	stream.indirect.scatter.add.f32 [tilespmem:s6], [sflag:$0xB], $0x80, s30, s3, $0xb8;
	[tilespmem:$0x1FF80] =	vst v63  }
.Ltmp1:
0x97: {  	_ = 	snop;
	(pc) =	sbr.rel @p0 .LBB2_10-.Ltmp1, $4  }
0x98: {  	_ =	swait.ge [sflag:s19], $0x2000  }
0x99: {  	[sflag:s19] =	ssyncset.done $0x0  }
0x9a: {  	s9 =	sor.u32 $0x440, s9;
	[sflag:s19] =	ssyncadd.s32 $0xFFFFE000  }
0x9b: {  	[spmem:s1] =	stream.indirect.scatter.add.f32 [tilespmem:s7], [sflag:$0xC], $0x80, s9, s3, $0xb8;
	[tilespmem:$0x1FF80] =	vst v63  }
0x9c: {  	s24 =	sadd.s32 $0x1, s16  }
0x9d: {  	s9 =	sand.u32 $0x1, s24  }
0x9e: {  	s13 =	sadd.s32 $0xD, s9  }
0x9f: {  	_ =	swait.ge [sflag:s13], $0x180  }
0xa0: {  	[sflag:s13] =	ssyncset.done $0x0  }
0xa1: {  	[sflag:s13] =	ssyncadd.s32 $0xFFFFFE80  }
0xa2: {  	_ =	swait.ge [sflag:s13], $0x180  }
0xa3: {  	[sflag:s13] =	ssyncset.done $0x0  }
0xa4: {  	[sflag:s13] =	ssyncadd.s32 $0xFFFFFE80  }
0xa5: {  	s9 =	smul.u32 $0x600, s9;
	_ =	swait.ge [sflag:s29], $0x2000  }
0xa6: {  	[sflag:s29] =	ssyncset.done $0x0  }
0xa7: {  	s9 =	sshrl.u32 s9, $0x2;
	[sflag:s29] =	ssyncadd.s32 $0xFFFFE000  }
0xa8: {  	[tilespmem:s28], [sflag:$0x1] =	stream.indirect.gather [hbm4b:s8+s3], $0x80, s9, s3, $0xb8;
	[tilespmem:$0x1FF80] =	vst v63  }
0xa9: {  	_ =	swait.ge [sflag:s20], $0x2000  }
0xaa: {  	[sflag:s20] =	ssyncset.done $0x0  }
0xab: {  	s13 =	sor.u32 $0x40, s9;
	[sflag:s20] =	ssyncadd.s32 $0xFFFFE000  }
0xac: {  	[tilespmem:s0], [sflag:$0x2] =	stream.indirect.gather [hbm4b:s8+s3], $0x80, s13, s3, $0xb8;
	[tilespmem:$0x1FF80] =	vst v63  }
0xad: {  	_ =	swait.ge [sflag:s21], $0x2000  }
0xae: {  	[sflag:s21] =	ssyncset.done $0x0  }
0xaf: {  	s30 =	simm.s32 $0x17F80;
	s13 =	sadd.s32 $0x80, s9;
	[sflag:s21] =	ssyncadd.s32 $0xFFFFE000  }
0xb0: {  	[tilespmem:s30], [sflag:$0x3] =	stream.indirect.gather [hbm4b:s8+s3], $0x80, s13, s3, $0xb8;
	[tilespmem:$0x1FF80] =	vst v63  }
0xb1: {  	_ =	swait.ge [sflag:s22], $0x2000  }
0xb2: {  	[sflag:s22] =	ssyncset.done $0x0  }
0xb3: {  	s30 =	sadd.s32 $0xC0, s9;
	[sflag:s22] =	ssyncadd.s32 $0xFFFFE000  }
0xb4: {  	[tilespmem:s31], [sflag:$0x4] =	stream.indirect.gather [hbm4b:s8+s3], $0x80, s30, s3, $0xb8;
	[tilespmem:$0x1FF80] =	vst v63  }
0xb5: {  	_ =	swait.ge [sflag:s23], $0x2000  }
0xb6: {  	[sflag:s23] =	ssyncset.done $0x0  }
0xb7: {  	s30 =	sadd.s32 $0x100, s9;
	[sflag:s23] =	ssyncadd.s32 $0xFFFFE000  }
0xb8: {  	[tilespmem:s6], [sflag:$0x5] =	stream.indirect.gather [hbm4b:s8+s3], $0x80, s30, s3, $0xb8;
	[tilespmem:$0x1FF80] =	vst v63  }
0xb9: {  	_ =	swait.ge [sflag:s12], $0x2000  }
0xba: {  	[sflag:s12] =	ssyncset.done $0x0  }
0xbb: {  	p0 =	slt.u32 s16, $0x34;
	s9 =	sadd.s32 $0x140, s9;
	[sflag:s12] =	ssyncadd.s32 $0xFFFFE000  }
0xbc: {  	[tilespmem:s7], [sflag:$0x6] =	stream.indirect.gather [hbm4b:s8+s3], $0x80, s9, s3, $0xb8;
	[tilespmem:$0x1FF80] =	vst v63  }
0xbd: {  	s9 =	smul.u32 @p0 $0x180, s25  }
0xbe: {  	s16 =	simm.s32 @p0 $0x0;
	s13 =	sadd.s32 @p0 $0xD, s25  }
0xbf: {  	[tilespmem:s9], [sflag:s13] =	stream.linear.gather @p0 [hbm4b:s14+s16], $0x180, $0x38;
	[tilespmem:$0x1FF80] =	vst v63  }
0xc0: {  	s9 =	sadd.s32 @p0 $0x300, s9  }
0xc1: {  	[tilespmem:s9], [sflag:s13] =	stream.linear.gather @p0 [hbm4b:s15+s16], $0x180, $0x38;
	[tilespmem:$0x1FF80] =	vst v63  }
0xc2: {  	p0 =	sne.s32 s24, $0x36  }
.Ltmp2:
0xc3: {  	_ = 	snop;
	(pc) =	sbr.rel @p0 .LBB2_4-.Ltmp2, $4  }
.Ltmp3:
0xc4: {  	_ = 	snop;
	(pc) =	sbr.rel @!p0 .LBB2_6-.Ltmp3, $4  }
0xc5: {  	_ = 	snop  }
0xc6: {  	s14 =	sadd.s32 $0x30, s14  }
0xc7: {  	s15 =	sadd.s32 $0x30, s15;
	s16 =	smov.u32 s24;
	s24 =	simm.s32 $0x17F80  }
0xc8: {  	_ = 	snop  }
.LBB2_10:
0xc9: {  	_ =	swait.ge [sflag:s29], $0x2000  }
0xca: {  	[sflag:s29] =	ssyncset.done $0x0  }
0xcb: {  	[sflag:s29] =	ssyncadd.s32 $0xFFFFE000  }
0xcc: {  	_ =	swait.ge [sflag:s20], $0x2000  }
0xcd: {  	[sflag:s20] =	ssyncset.done $0x0  }
0xce: {  	[sflag:s20] =	ssyncadd.s32 $0xFFFFE000  }
0xcf: {  	_ =	swait.ge [sflag:s21], $0x2000  }
0xd0: {  	[sflag:s21] =	ssyncset.done $0x0  }
0xd1: {  	[sflag:s21] =	ssyncadd.s32 $0xFFFFE000  }
0xd2: {  	_ =	swait.ge [sflag:s22], $0x2000  }
0xd3: {  	[sflag:s22] =	ssyncset.done $0x0  }
0xd4: {  	[sflag:s22] =	ssyncadd.s32 $0xFFFFE000  }
0xd5: {  	_ =	swait.ge [sflag:s23], $0x2000  }
0xd6: {  	[sflag:s23] =	ssyncset.done $0x0  }
0xd7: {  	[sflag:s23] =	ssyncadd.s32 $0xFFFFE000  }
0xd8: {  	_ =	swait.ge [sflag:s12], $0x2000  }
0xd9: {  	[sflag:s12] =	ssyncset.done $0x0  }
0xda: {  	[sflag:s12] =	ssyncadd.s32 $0xFFFFE000  }
.LBB2_6:
0xdb: {  	[bflag:$0x0] =	sbarrier.arrive $0xFFFF  }
0xdc: {  	[tilespmem:s28], [sflag:$0x1] =	stream.linear.gather [spmem:s26], $0x1C80, $0x38;
	[tilespmem:$0x1FF80] =	vst v63  }
0xdd: {  	s9 =	rddreg [dreg:$0x9]  }
0xde: {  	[tilespmem:s0], [sflag:$0x2] =	stream.linear.gather [spmem:s9], $0x1C80, $0x38;
	[tilespmem:$0x1FF80] =	vst v63  }
0xdf: {  	s14 =	rddreg [dreg:$0xa]  }
0xe0: {  	[tilespmem:s24], [sflag:$0x3] =	stream.linear.gather [spmem:s14], $0x1C80, $0x38;
	[tilespmem:$0x1FF80] =	vst v63  }
0xe1: {  	s25 =	simm.s32 $0x0;
	s13 =	simm.s32 $0xFFFFFFFA;
	s15 =	rddreg [dreg:$0xb]  }
0xe2: {  	[tilespmem:s31], [sflag:$0x4] =	stream.linear.gather [spmem:s15], $0x1C80, $0x38;
	[tilespmem:$0x1FF80] =	vst v63  }
0xe3: {  	s16 =	rddreg [dreg:$0xc];
	s9 =	smin.u32 s25, s13  }
0xe4: {  	[tilespmem:s6], [sflag:$0x5] =	stream.linear.gather [spmem:s16], $0x1C80, $0x38;
	[tilespmem:$0x1FF80] =	vst v63  }
0xe5: {  	s13 =	sshll.u32 s9, $0xD;
	s24 =	rddreg [dreg:$0xd];
	s15 =	sadd.s32 $0x1, s9  }
0xe6: {  	[tilespmem:s7], [sflag:$0x6] =	stream.linear.gather [spmem:s24], $0x1C80, $0x38;
	[tilespmem:$0x1FF80] =	vst v63  }
0xe7: {  	p0 =	por $0x0, $0x0;
	s13 =	sand.u32 $0x3FFFE000, s13;
	_ =	swait.ge [sflag:s15], $0x1C80  }
0xe8: {  	s13 =	sadd.s32 $0x13F80, s13;
	[sflag:s15] =	ssyncset.done $0x0;
	s26 =	rddreg [dreg:$0x16]  }
0xe9: {  	s16 =	sadd.s32 $0x7, s9;
	s14 =	sadd.s32 s26, s10;
	[sflag:s15] =	ssyncadd.s32 $0xFFFFE380  }
0xea: {  	[hbm4b:s14+s2] =	stream.linear.scatter [tilespmem:s13], [sflag:s16], $0x1C80, $0x38;
	[tilespmem:$0x1FF80] =	vst v63  }
0xeb: {  	s25 =	simm.s32 $0x2;
	s9 =	simm.s32 $0x1;
	_ =	swait.ge @!p0 [sflag:s16], $0x1C80  }
0xec: {  	s24 =	simm.s32 $0xFFFFFFFB;
	[sflag:s16] =	ssyncset.done @!p0 $0x0;
	s30 =	rddreg [dreg:$0x15]  }
0xed: {  	[sflag:s16] =	ssyncadd.s32 @!p0 $0xFFFFE380;
	s14 =	sadd.s32 $0x1C80, s30;
	s16 =	sadd.s32 $0x390, s26  }
.LBB2_7:
0xee: {  	[tilespmem:s13], [sflag:s15] =	stream.linear.gather @!p0 [spmem:s30], $0x1C80, $0x38;
	[tilespmem:$0x1FF80] =	vst v63  }
0xef: {  	s26 =	smov.u32 s25;
	s30 =	smov.u32 s14  }
0xf0: {  	s25 =	sadd.s32 $0x1, s25;
	s0 =	smin.u32 s9, s24;
	s24 =	sadd.s32 $0xFFFFFFFA, s26  }
0xf1: {  	p1 =	sne.s32 s25, $0xB;
	s15 =	sadd.s32 $0x1, s0;
	s13 =	sshll.u32 s0, $0xD  }
0xf2: {  	p0 =	sgt.u32 s9, $0x4;
	s13 =	sand.u32 $0x3FFFE000, s13;
	_ =	swait.ge [sflag:s15], $0x1C80  }
0xf3: {  	s9 =	sadd.s32 s16, s10;
	s13 =	sadd.s32 $0x13F80, s13;
	[sflag:s15] =	ssyncset.done $0x0  }
.Ltmp4:
0xf4: {  	s0 =	sadd.s32 $0x7, s0;
	[sflag:s15] =	ssyncadd.s32 $0xFFFFE380;
	(pc) =	sbr.rel @p1 .LBB2_7-.Ltmp4, $4  }
0xf5: {  	[hbm4b:s9+s2] =	stream.linear.scatter [tilespmem:s13], [sflag:s0], $0x1C80, $0x38;
	[tilespmem:$0x1FF80] =	vst v63  }
0xf6: {  	s9 =	smov.u32 s26;
	_ =	swait.ge @!p0 [sflag:s0], $0x1C80  }
0xf7: {  	[sflag:s0] =	ssyncset.done @!p0 $0x0  }
0xf8: {  	s14 =	sadd.s32 $0x1C80, s14;
	s16 =	sadd.s32 $0x390, s16;
	[sflag:s0] =	ssyncadd.s32 @!p0 $0xFFFFE380  }
0xf9: {  	[tilespmem:s13], [sflag:s15] =	stream.linear.gather @!p0 [spmem:s30], $0x1C80, $0x38;
	[tilespmem:$0x1FF80] =	vst v63  }
0xfa: {  	s0 =	smin.u32 s9, s24  }
0xfb: {  	s13 =	sadd.s32 $0x1, s0  }
0xfc: {  	p0 =	sgt.u32 s9, $0x4;
	s24 =	sshll.u32 s0, $0xD;
	_ =	swait.ge [sflag:s13], $0x1C80  }
0xfd: {  	s25 =	sadd.s32 s16, s10;
	s15 =	sand.u32 $0x3FFFE000, s24;
	[sflag:s13] =	ssyncset.done $0x0  }
0xfe: {  	s0 =	sadd.s32 $0x7, s0;
	s9 =	sadd.s32 $0x13F80, s15;
	[sflag:s13] =	ssyncadd.s32 $0xFFFFE380  }
0xff: {  	[hbm4b:s25+s2] =	stream.linear.scatter [tilespmem:s9], [sflag:s0], $0x1C80, $0x38;
	[tilespmem:$0x1FF80] =	vst v63  }
0x100: {  	_ =	swait.ge @!p0 [sflag:s0], $0x1C80  }
0x101: {  	[sflag:s0] =	ssyncset.done @!p0 $0x0  }
0x102: {  	[sflag:s0] =	ssyncadd.s32 @!p0 $0xFFFFE380  }
0x103: {  	[tilespmem:s9], [sflag:s13] =	stream.linear.gather @!p0 [spmem:s14], $0x1C80, $0x38;
	[tilespmem:$0x1FF80] =	vst v63  }
0x104: {  	_ =	swait.ge [sflag:s12], $0x1C80  }
0x105: {  	[sflag:s12] =	ssyncset.done $0x0  }
0x106: {  	[sflag:s12] =	ssyncadd.s32 $0xFFFFE380  }
0x107: {  	_ =	swait.ge [sflag:s29], $0x1C80  }
0x108: {  	[sflag:s29] =	ssyncset.done $0x0  }
0x109: {  	[sflag:s29] =	ssyncadd.s32 $0xFFFFE380  }
0x10a: {  	_ =	swait.ge [sflag:s20], $0x1C80  }
0x10b: {  	[sflag:s20] =	ssyncset.done $0x0  }
0x10c: {  	[sflag:s20] =	ssyncadd.s32 $0xFFFFE380  }
0x10d: {  	_ =	swait.ge [sflag:s21], $0x1C80  }
0x10e: {  	[sflag:s21] =	ssyncset.done $0x0  }
0x10f: {  	[sflag:s21] =	ssyncadd.s32 $0xFFFFE380  }
0x110: {  	_ =	swait.ge [sflag:s22], $0x1C80  }
0x111: {  	[sflag:s22] =	ssyncset.done $0x0  }
0x112: {  	[sflag:s22] =	ssyncadd.s32 $0xFFFFE380  }
0x113: {  	_ =	swait.ge [sflag:s23], $0x1C80  }
0x114: {  	s26 =	rddreg [dreg:$0x17]  }
0x115: {  	s30 =	rddreg [dreg:$0x8];
	s9 =	sadd.s32 $0x1, s26  }
0x116: {  	p0 =	sne.s32 s9, s30  }
.Ltmp5:
0x117: {  	_ = 	snop;
	(pc) =	sbr.rel @p0 .LBB2_1-.Ltmp5, $3  }
0x118: {  	_ =	sdelay $0x1  }
0x119: {  	[sflag:s23] =	ssyncset.done $0x0;
	s14 =	rddreg [dreg:$0x9]  }
0x11a: {  	s24 =	simm.s32 $0x17F80;
	[sflag:s23] =	ssyncadd.s32 $0xFFFFE380;
	s26 =	rddreg [dreg:$0x7]  }
0x11b: {  	_ =	sfence.sel $0x180000  }
0x11c: {  	[bflag:$0x0] =	sbarrier.arrive $0xFFFF  }
0x11d: {  	_ =	strace $0x9000004A  }
0x11e: {  	s0 =	stileid.u32;
	[bflag:$0x2] =	sbarrier.arrive $0xFFFF  }
0x11f: {  	p0 =	sne.s32 s0, $0x0;
	s0 =	rddreg [dreg:$0x2]  }
0x120: {  	s0 =	sadd.s32 @!p0 $0x100000, s0  }
0x121: {  	[sflag:s0] =	ssyncadd.tile.s32 @!p0 $0x1;
	_ =	shalt  }
.Lfunc_end2:
_tile_overlayer_lowered:
.L_overlay_start_2:
0x122: {  	(tag) =	ssettag $0x2  }
0x123: {  	s0 =	rddreg [dreg:$0x0];
	s2 =	stileid.u32  }
0x124: {  	s1 =	rddreg [dreg:$0x1];
	p0 =	sne.s32 s2, $0x0  }
0x125: {  	s3 =	rddreg [dreg:$0x2];
	[bflag:$0x3] =	sbarrier.arrive $0xFFFF;
	s2 =	simm.s32 @!p0 $0x1C0F  }
0x126: {  	[timem:s3], [sflag:s2] =	dma.local @!p0 [hbm:s0], s1  }
0x127: {  	s0 =	simm.s32 @!p0 $0xF  }
0x128: {  	_ =	swait.ge @!p0 [sflag:s0], s1  }
0x129: {  	s1 =	ssub.s32 @!p0 $0x0, s1;
	[sflag:s0] =	ssyncset.done @!p0 $0x0  }
0x12a: {  	[sflag:s0] =	ssyncadd.s32 @!p0 s1  }
0x12b: {  	[bflag:$0x3] =	sbarrier.arrive $0xFFFF  }
0x12c: {  	_ =	shalt  }

// kernel: kernel.14.cloned.1.call-start
scs
__scs_entry_jumppad:
0x0: {  	(pc) =	sbr.rel $0x88, $3  }
0x1: {  	(tag) =	ssettag $0x0;
	lr =	simm.s32 $0x1  }
0x2: {  	[smem:$0x3F97] =	sst lr;
	_ =	strace $0xD0000000  }
0x3: {  	_ = 	snop  }
0x4: {  	_ = 	snop  }
0x5: {  	_ = 	snop  }
0x6: {  	_ = 	snop  }
0x7: {  	_ = 	snop  }
__scs_overlays_trampoline_lowered:
0x8: {  	[smem:$0x3FA6] =	sst s0  }
0x9: {  	[smem:$0x3FA7] =	sst s1  }
0xa: {  	[smem:$0x3FA8] =	sst s2  }
0xb: {  	[smem:$0x3FA9] =	sst s3  }
0xc: {  	[smem:$0x3FAA] =	sst s4  }
0xd: {  	[smem:$0x3FAB] =	sst s5  }
0xe: {  	[smem:$0x3FAC] =	sst s6  }
0xf: {  	[smem:$0x3FAD] =	sst s7  }
0x10: {  	[smem:$0x3FAE] =	sst s8  }
0x11: {  	[smem:$0x3FAF] =	sst s9;
	s0 =	simm.s32 @!p0 $0x0  }
0x12: {  	s1 =	sld [smem:$0x3F95];
	s0 =	simm.s32 @p0 $0x1  }
0x13: {  	[smem:$0x3FB0] =	sst s0;
	s0 =	simm.s32 @!p1 $0x0  }
0x14: {  	s2 =	sld [smem:$0x3F94];
	s0 =	simm.s32 @p1 $0x1  }
0x15: {  	[smem:$0x3FB1] =	sst s0;
	s0 =	simm.s32 @!p2 $0x0  }
0x16: {  	s3 =	sld [smem:$0x3FDB];
	s0 =	simm.s32 @p2 $0x1  }
0x17: {  	s4 =	simm.s32 $0x1BF5;
	[smem:$0x3FB3] =	sst s0  }
0x18: {  	s0 =	sld [smem:$0x3F96];
	_ =	swait.ge [sflag:s4], $0x0  }
0x19: {  	s7 =	sld [smem:$0x3F97]  }
0x1a: {  	s8 =	sadd.s32 $0xFFFFE003, lr  }
0x1b: {  	s9 =	sadd.s32 $0xFFFFFEF7, lr;
	s5 =	simm.s32 $0xFFFFFFFF;
	p2 =	slt.u32 s8, $0xFFFFF086  }
0x1c: {  	p1 =	slt.u32 s9, $0xF7A;
	s5 =	simm.s32 @!p2 $0x0  }
0x1d: {  	s5 =	simm.s32 @p1 $0x1;
	p0 =	seq.s32 s7, s2  }
0x1e: {  	s7 =	smul.u32 @!p0 $0xF7A, s2;
	p2 =	seq.s32 @!p0 s5, $0x0  }
0x1f: {  	s9 =	smul.u32 $0xF7A, s1;
	s8 =	simm.s32 @!p0 $0x1BF5;
	p2 =	por !p2, p0  }
0x20: {  	[sflag:s8] =	ssyncset.s32 @!p0 $0xFFFFF086;
	s6 =	sadd.s32 @!p0 s3, s7;
	s7 =	simm.s32 @!p0 $0x108  }
0x21: {  	s3 =	sadd.s32 s3, s9;
	s6 =	sadd.s32 @!p0 $0x88, s6;
	s7 =	simm.s32 @p2 $0x1082  }
0x22: {  	[simem:s7], [sflag:s8] =	dma.local @!p0 [hbm:s6], $0xF7A  }
0x23: {  	s9 =	sor.u32 $0xD0000000, s2;
	s6 =	simm.s32 $0x108;
	_ =	swait.ge @!p0 [sflag:s8], $0x0  }
0x24: {  	s3 =	sadd.s32 $0x88, s3;
	s6 =	simm.s32 @!p1 $0x1082;
	[sflag:s4] =	ssyncset.s32 $0xFFFFF086  }
0x25: {  	[simem:s6], [sflag:s4] =	dma.local [hbm:s3], $0xF7A  }
0x26: {  	[smem:$0x3F97] =	sst s1;
	(tag) =	ssettag s2;
	_ =	strace s9  }
0x27: {  	s1 =	sld [smem:$0x3FA7]  }
0x28: {  	s2 =	sld [smem:$0x3FA8]  }
0x29: {  	s4 =	sld [smem:$0x3FAA]  }
0x2a: {  	p0 =	seq.s32 s5, $0x0;
	s5 =	sld [smem:$0x3FAB]  }
0x2b: {  	s6 =	sld [smem:$0x3FAC]  }
0x2c: {  	s7 =	sld [smem:$0x3FAD]  }
0x2d: {  	s3 =	simm.s32 $0x108;
	s8 =	sld [smem:$0x3FAE]  }
0x2e: {  	s3 =	simm.s32 @!p0 $0x1082;
	s9 =	sld [smem:$0x3FAF]  }
0x2f: {  	lr =	sadd.s32 s0, s3;
	s0 =	sld [smem:$0x3FA6]  }
0x30: {  	s3 =	sld [smem:$0x3FA9]  }
0x31: {  	[smem:$0x3FB2] =	sst s10  }
0x32: {  	s10 =	sld [smem:$0x3FB0];
	_ =	sdelay $0x3  }
0x33: {  	p0 =	seq.s32 s10, $0x1;
	s10 =	sld [smem:$0x3FB2];
	_ =	sdelay $0x3  }
0x34: {  	[smem:$0x3FB2] =	sst s10  }
0x35: {  	s10 =	sld [smem:$0x3FB1];
	_ =	sdelay $0x3  }
0x36: {  	p1 =	seq.s32 s10, $0x1;
	s10 =	sld [smem:$0x3FB2];
	_ =	sdelay $0x3  }
0x37: {  	[smem:$0x3FB2] =	sst s10  }
0x38: {  	s10 =	sld [smem:$0x3FB3]  }
0x39: {  	_ = 	snop;
	(pc) =	sbr.ind lr, $3  }
0x3a: {  	_ = 	snop  }
0x3b: {  	_ = 	snop  }
0x3c: {  	p2 =	seq.s32 s10, $0x1;
	s10 =	sld [smem:$0x3FB2]  }
0x3d: {  	_ =	shalt  }
0x3e: {  	_ =	shalt  }
0x3f: {  	_ =	shalt  }
0x40: {  	_ =	shalt  }
0x41: {  	_ =	shalt  }
0x42: {  	_ =	shalt  }
0x43: {  	_ =	shalt  }
0x44: {  	_ =	shalt  }
0x45: {  	_ =	shalt  }
0x46: {  	_ =	shalt  }
0x47: {  	_ =	shalt  }
0x48: {  	_ =	shalt  }
0x49: {  	_ =	shalt  }
0x4a: {  	_ =	shalt  }
0x4b: {  	_ =	shalt  }
0x4c: {  	_ =	shalt  }
0x4d: {  	_ =	shalt  }
0x4e: {  	_ =	shalt  }
0x4f: {  	_ =	shalt  }
0x50: {  	_ =	shalt  }
0x51: {  	_ =	shalt  }
0x52: {  	_ =	shalt  }
0x53: {  	_ =	shalt  }
0x54: {  	_ =	shalt  }
0x55: {  	_ =	shalt  }
0x56: {  	_ =	shalt  }
0x57: {  	_ =	shalt  }
0x58: {  	_ =	shalt  }
0x59: {  	_ =	shalt  }
0x5a: {  	_ =	shalt  }
0x5b: {  	_ =	shalt  }
0x5c: {  	_ =	shalt  }
0x5d: {  	_ =	shalt  }
0x5e: {  	_ =	shalt  }
0x5f: {  	_ =	shalt  }
0x60: {  	_ =	shalt  }
0x61: {  	_ =	shalt  }
0x62: {  	_ =	shalt  }
0x63: {  	_ =	shalt  }
0x64: {  	_ =	shalt  }
0x65: {  	_ =	shalt  }
0x66: {  	_ =	shalt  }
0x67: {  	_ =	shalt  }
0x68: {  	_ =	shalt  }
0x69: {  	_ =	shalt  }
0x6a: {  	_ =	shalt  }
0x6b: {  	_ =	shalt  }
0x6c: {  	_ =	shalt  }
0x6d: {  	_ =	shalt  }
0x6e: {  	_ =	shalt  }
0x6f: {  	_ =	shalt  }
0x70: {  	_ =	shalt  }
0x71: {  	_ =	shalt  }
0x72: {  	_ =	shalt  }
0x73: {  	_ =	shalt  }
0x74: {  	_ =	shalt  }
0x75: {  	_ =	shalt  }
0x76: {  	_ =	shalt  }
0x77: {  	_ =	shalt  }
0x78: {  	_ =	shalt  }
0x79: {  	_ =	shalt  }
0x7a: {  	_ =	shalt  }
0x7b: {  	_ =	shalt  }
0x7c: {  	_ =	shalt  }
0x7d: {  	_ =	shalt  }
0x7e: {  	_ =	shalt  }
0x7f: {  	_ =	shalt  }
0x80: {  	_ =	shalt  }
0x81: {  	_ =	shalt  }
0x82: {  	_ =	shalt  }
0x83: {  	_ =	shalt  }
0x84: {  	_ =	shalt  }
0x85: {  	_ =	shalt  }
0x86: {  	_ =	shalt  }
0x87: {  	_ =	shalt  }
.Lfunc_end0:
.L_simem_size_0:
called_computation.2_lowered:
.L_overlay_start_0:
0x88: {  	s2 =	sld [smem:$0x3FD9]  }
0x89: {  	s3 =	sld [smem:$0x3FFE];
	_ =	sdelay $0x1  }
0x8a: {  	s1 =	srdreg.scid  }
0x8b: {  	s0 =	sand.u32 $0x1, s1  }
0x8c: {  	s17 =	sshll.u32 s0, $0xA;
	s2 =	sadd.s32 s3, s2  }
0x8d: {  	s2 =	sadd.s32 s2, s17  }
0x8e: {  	[smem:$0x3FBE] =	sst s2  }
0x8f: {  	_ = 	snop  }
0x90: {  	s2 =	sld [smem:$0x3FD0];
	(tm) =	ssettm $0x1  }
0x91: {  	s18 =	sld [smem:$0x3FFB];
	_ =	sdelay $0x3  }
0x92: {  	_ =	strace s18  }
0x93: {  	s3 =	sld [smem:$0x3FFC];
	_ =	sdelay $0x3  }
0x94: {  	_ =	strace s3  }
0x95: {  	s3 =	sld [smem:$0x3FFD];
	_ =	sdelay $0x3  }
0x96: {  	_ =	strace s3  }
0x97: {  	_ =	strace $0x8FFFFFFF  }
0x98: {  	s19 =	sld [smem:$0x3FDB];
	_ =	sdelay $0x1  }
0x99: {  	s4 =	simm.s32 $_scs_section_size  }
0x9a: {  	s5 =	simm.s32 $_size__tile_overlayer_lowered;
	s6 =	simm.s32 $_tile_overlayer_lowered  }
0x9b: {  	s22 =	simm.s32 $0x1BFF;
	s21 =	sshll.u32 s6, $0x1;
	s3 =	sadd.s32 s4, s19  }
0x9c: {  	s7 =	simm.s32 $0x0;
	s20 =	sshll.u32 s5, $0x1;
	s5 =	sadd.s32 s21, s3  }
0x9d: {  	[timem:s7], [sflag:s22] =	dma.local [hbm:s5], s20  }
0x9e: {  	_ =	swait.ge [sflag:s22], s20  }
0x9f: {  	s4 =	ssub.s32 $0x0, s20;
	[sflag:s22] =	ssyncset.done $0x0  }
0xa0: {  	[sflag:s22] =	ssyncadd.s32 s4;
	_ =	sdelay $0x1  }
0xa1: {  	s23 =	simm.s32 $0x1B8B  }
0xa2: {  	_ =	swait.ge [sflag:s23], $0x1  }
0xa3: {  	[sflag:s23] =	ssyncset.done $0x0  }
0xa4: {  	s25 =	simm.s32 $0x1B8E;
	s24 =	sld [smem:$0x3FFE];
	[sflag:s23] =	ssyncadd.s32 $0xFFFFFFFF  }
0xa5: {  	s26 =	simm.s32 $execute0_lowered;
	[smem:$0x3FD2] =	sst s25  }
0xa6: {  	s5 =	sshll.u32 s26, $0x1;
	_ =	strace $0x8000004C;
	[dreg:$0x1] =	wrdreg $0xFFFFFFFF  }
0xa7: {  	s28 =	simm.s32 $_size_execute0_lowered;
	s3 =	sadd.s32 s3, s5;
	[dreg:$0x0] =	wrdreg $0x0  }
0xa8: {  	s5 =	sshll.u32 s28, $0x1;
	[dreg:$0x2] =	wrdreg s3  }
0xa9: {  	[dreg:$0x3] =	wrdreg s5  }
0xaa: {  	[dreg:$0x4] =	wrdreg $0xC0  }
0xab: {  	_ =	task [dreg:s7], $0x5FFFF  }
0xac: {  	[dreg:$0x1] =	wrdreg $0xFFFFFFFF  }
0xad: {  	[dreg:$0x0] =	wrdreg $0x60  }
0xae: {  	[dreg:$0x2] =	wrdreg s24  }
0xaf: {  	[dreg:$0x3] =	wrdreg s2  }
0xb0: {  	[dreg:$0x4] =	wrdreg $0x6000  }
0xb1: {  	[dreg:$0x5] =	wrdreg $0x9  }
0xb2: {  	_ =	task.clear_ibuf [dreg:s7], $0x6FFFF;
	_ =	strace $0x9000004C  }
0xb3: {  	s29 =	simm.s32 $0x9;
	_ =	strace $0x8000004E  }
0xb4: {  	_ =	swait.ge [sflag:s29], $0x1  }
0xb5: {  	[sflag:s29] =	ssyncadd.s32 $0xFFFFFFFF  }
0xb6: {  	_ =	strace $0x9000004E  }
0xb7: {  	_ =	sfence  }
0xb8: {  	s30 =	sld [smem:$0x0];
	_ =	sdelay $0x2  }
0xb9: {  	s31 =	sshll.u32 s1, $0xD;
	s1 =	sshrl.u32 s1, $0x2  }
0xba: {  	s3 =	sand.u32 $0x4000, s31;
	s1 =	sadd.s32 s1, s30  }
0xbb: {  	s0 =	sor.u32 s3, s0;
	s1 =	sshll.u32 s1, $0x11  }
0xbc: {  	s0 =	sor.u32 s1, s0  }
0xbd: {  	s0 =	sadd.s32 $0x8F2B, s0  }
0xbe: {  	[sflag:s0] =	ssyncadd.remote.s32 $0x1  }
0xbf: {  	_ =	sfence.sel $0xFFFF  }
0xc0: {  	[dreg:$0x0] =	wrdreg $0xFFFFFFFF;
	(pc) =	sbr.abs _section_cstart, $3  }
0xc1: {  	[dreg:$0x1] =	wrdreg $0xFFFFFFFF  }
0xc2: {  	_ =	task.clear_ibuf [dreg:s7], $0x2FFFF;
	_ =	strace $0x9FFFFFFF  }
0xc3: {  	(tm) =	ssettm $0x7FFFFFFF  }
tec
execute0_lowered:
.L_overlay_start_1:
0x0: {  	(tag) =	ssettag $0x1  }
0x1: {  	s0 =	rddreg [dreg:$0x0]  }
0x2: {  	s1 =	rddreg [dreg:$0x1]  }
0x3: {  	s2 =	rddreg [dreg:$0x2];
	s3 =	srdreg.scid  }
0x4: {  	s4 =	simm.s32 $0x0;
	s11 =	stileid.u32;
	s28 =	simm.s32 $0x13F80  }
0x5: {  	s29 =	simm.s32 $0x7;
	s31 =	simm.s32 $0x19F80;
	s22 =	smul.u32 $0x4E600, s11  }
0x6: {  	s3 =	sand.u32 $0x1, s3;
	[smem:$0x7FF] =	sst s4;
	s25 =	smul.u32 $0x13980, s11  }
0x7: {  	s7 =	sadd.s32 $0x2E00, s0;
	s10 =	sadd.s32 $0xD000, s0;
	s13 =	smul.u32 $0xA2, s11  }
0x8: {  	s5 =	sshll.u32 s3, $0x4;
	s6 =	smul.u32 $0x27300, s3;
	_ =	strace $0x8000004D  }
0x9: {  	s21 =	ssub.s32 $0x2, s3;
	s5 =	sor.u32 s11, s5;
	s30 =	sshrl.u32 s22, $0x2  }
0xa: {  	s9 =	sshrl.u32 s21, $0x1;
	s8 =	smul.u32 $0x2880, s5;
	s26 =	sadd.s32 s30, s2  }
0xb: {  	s0 =	sadd.s32 s6, s0;
	s15 =	sadd.s32 $0x3900, s26;
	[dreg:$0x8] =	wrdreg s26  }
0xc: {  	s5 =	smul.u32 $0x510, s5;
	s16 =	sadd.s32 $0x5580, s26;
	[dreg:$0xb] =	wrdreg s15  }
0xd: {  	s6 =	ssub.s32 s21, s9;
	s17 =	sadd.s32 $0x7200, s26;
	[dreg:$0xc] =	wrdreg s16  }
0xe: {  	s30 =	smul.u32 $0x2730, s11;
	s18 =	sadd.s32 $0x8E80, s26;
	[dreg:$0xd] =	wrdreg s17  }
0xf: {  	s11 =	simm.s32 $0x3;
	s20 =	sadd.s32 $0xC780, s26;
	[dreg:$0xe] =	wrdreg s18  }
0x10: {  	s9 =	sadd.s32 $0x17200, s0;
	s21 =	sadd.s32 $0xE400, s26;
	[dreg:$0x10] =	wrdreg s20  }
0x11: {  	s14 =	sadd.s32 $0x1C80, s26;
	s22 =	sadd.s32 $0x10080, s26;
	[dreg:$0x11] =	wrdreg s21  }
0x12: {  	s8 =	sshrl.u32 s8, $0x3;
	s12 =	sadd.s32 s7, s5;
	[dreg:$0x12] =	wrdreg s22  }
0x13: {  	s5 =	sadd.s32 s10, s5;
	[dreg:$0x17] =	wrdreg s30;
	s17 =	simm.s32 $0x4  }
0x14: {  	s18 =	simm.s32 $0x5;
	s20 =	simm.s32 $0x8;
	[dreg:$0xa] =	wrdreg s14  }
0x15: {  	s21 =	simm.s32 $0x9;
	s22 =	simm.s32 $0xA;
	[dreg:$0x4] =	wrdreg s12  }
0x16: {  	s8 =	sadd.s32 $0x30, s8;
	[dreg:$0x5] =	wrdreg s5;
	s12 =	smax.u32 s6, $0x1  }
0x17: {  	s5 =	sadd.s32 s2, s25;
	s25 =	sadd.s32 $0xAB00, s26;
	s6 =	simm.s32 $0x1DF80  }
0x18: {  	s23 =	sadd.s32 s7, s8;
	s24 =	sadd.s32 s10, s8;
	[dreg:$0x9] =	wrdreg s12  }
0x19: {  	s8 =	smul.u32 $0xA20, s3;
	s19 =	sadd.s32 $0xAB00, s5;
	[dreg:$0x16] =	wrdreg s25  }
0x1a: {  	s3 =	simm.s32 $0x40;
	s5 =	simm.s32 $0x1BF80;
	[dreg:$0x6] =	wrdreg s23  }
0x1b: {  	s12 =	simm.s32 $0xC;
	[dreg:$0x7] =	wrdreg s24;
	s0 =	sadd.s32 s13, s8  }
0x1c: {  	[dreg:$0xf] =	wrdreg s19;
	s23 =	sadd.s32 $0x11D00, s26;
	s0 =	sshll.u32 s0, $0x3  }
0x1d: {  	s19 =	simm.s32 $0x6;
	[dreg:$0x13] =	wrdreg s23;
	s0 =	sadd.s32 $0x60, s0  }
0x1e: {  	s8 =	simm.s32 $0x2;
	s23 =	simm.s32 $0xB;
	s24 =	sadd.s32 s0, s7  }
0x1f: {  	s0 =	sadd.s32 s0, s10;
	s7 =	simm.s32 $0x1;
	[dreg:$0x14] =	wrdreg s24  }
0x20: {  	v0 =	vimm.f32 $0.0e+00;
	s10 =	simm.s32 $0x0;
	[dreg:$0x15] =	wrdreg s0;
	s24 =	simm.s32 $0x17F80  }
.LBB2_1:
0x21: {  	[dreg:$0x18] =	wrdreg s10  }
0x22: {  	s0 =	rddreg [dreg:$0x4]  }
0x23: {  	s25 =	rddreg [dreg:$0x5]  }
0x24: {  	[tilespmem:s4], [sflag:$0xD] =	stream.linear.gather [hbm4b:s0+s4], $0x180, $0x38;
	[tilespmem:$0x1FF80] =	vst v63  }
0x25: {  	s30 =	simm.s32 $0x300;
	s10 =	simm.s32 $0x0;
	s13 =	simm.s32 $0x200  }
0x26: {  	[tilespmem:s30], [sflag:$0xD] =	stream.linear.gather [hbm4b:s25+s4], $0x180, $0x38;
	[tilespmem:$0x1FF80] =	vst v63  }
.LBB2_2:
0x27: {  	p0 =	sne.s32 s13, $0x7000;
	[tilespmem:s10+$0x13FF0] =	vst v0  }
0x28: {  	[tilespmem:s10+$0x13F80] =	vst v0  }
0x29: {  	[tilespmem:s10+$0x13F90] =	vst v0  }
.Ltmp0:
0x2a: {  	[tilespmem:s10+$0x13FA0] =	vst v0;
	(pc) =	sbr.rel @p0 .LBB2_2-.Ltmp0, $4  }
0x2b: {  	[tilespmem:s10+$0x13FB0] =	vst v0  }
0x2c: {  	[tilespmem:s10+$0x13FC0] =	vst v0  }
0x2d: {  	[tilespmem:s10+$0x13FD0] =	vst v0  }
0x2e: {  	[tilespmem:s10+$0x13FE0] =	vst v0;
	s10 =	sshra.s32 s13, $0x2;
	s13 =	sadd.s32 $0x200, s13  }
0x2f: {  	[tilespmem:s10+$0x13FF0] =	vst v0  }
0x30: {  	[tilespmem:s10+$0x13F80] =	vst v0  }
0x31: {  	[tilespmem:s10+$0x13F90] =	vst v0  }
0x32: {  	[tilespmem:s10+$0x13FA0] =	vst v0  }
0x33: {  	[tilespmem:s10+$0x13FB0] =	vst v0  }
0x34: {  	[tilespmem:s10+$0x13FC0] =	vst v0  }
0x35: {  	[tilespmem:s10+$0x13FD0] =	vst v0  }
0x36: {  	[tilespmem:s10+$0x13FE0] =	vst v0  }
0x37: {  	[spmem:s26] =	stream.linear.scatter [tilespmem:s28], [sflag:$0x7], $0x1C80, $0x38;
	[tilespmem:$0x1FF80] =	vst v63  }
0x38: {  	_ = 	snop  }
0x39: {  	[spmem:s14] =	stream.linear.scatter [tilespmem:s28], [sflag:$0x7], $0x1C80, $0x38;
	[tilespmem:$0x1FF80] =	vst v63  }
0x3a: {  	s0 =	rddreg [dreg:$0xb]  }
0x3b: {  	[spmem:s0] =	stream.linear.scatter [tilespmem:s28], [sflag:$0x7], $0x1C80, $0x38;
	[tilespmem:$0x1FF80] =	vst v63  }
0x3c: {  	s15 =	rddreg [dreg:$0xc]  }
0x3d: {  	[spmem:s15] =	stream.linear.scatter [tilespmem:s28], [sflag:$0x7], $0x1C80, $0x38;
	[tilespmem:$0x1FF80] =	vst v63  }
0x3e: {  	s16 =	rddreg [dreg:$0xd]  }
0x3f: {  	[spmem:s16] =	stream.linear.scatter [tilespmem:s28], [sflag:$0x7], $0x1C80, $0x38;
	[tilespmem:$0x1FF80] =	vst v63  }
0x40: {  	s25 =	rddreg [dreg:$0xe]  }
0x41: {  	[spmem:s25] =	stream.linear.scatter [tilespmem:s28], [sflag:$0x7], $0x1C80, $0x38;
	[tilespmem:$0x1FF80] =	vst v63  }
0x42: {  	s30 =	rddreg [dreg:$0xf]  }
0x43: {  	[spmem:s30] =	stream.linear.scatter [tilespmem:s28], [sflag:$0x7], $0x1C80, $0x38;
	[tilespmem:$0x1FF80] =	vst v63  }
0x44: {  	s10 =	rddreg [dreg:$0x10]  }
0x45: {  	[spmem:s10] =	stream.linear.scatter [tilespmem:s28], [sflag:$0x7], $0x1C80, $0x38;
	[tilespmem:$0x1FF80] =	vst v63  }
0x46: {  	s13 =	rddreg [dreg:$0x11]  }
0x47: {  	[spmem:s13] =	stream.linear.scatter [tilespmem:s28], [sflag:$0x7], $0x1C80, $0x38;
	[tilespmem:$0x1FF80] =	vst v63  }
0x48: {  	s14 =	rddreg [dreg:$0x12]  }
0x49: {  	[spmem:s14] =	stream.linear.scatter [tilespmem:s28], [sflag:$0x7], $0x1C80, $0x38;
	[tilespmem:$0x1FF80] =	vst v63  }
0x4a: {  	s15 =	rddreg [dreg:$0x13]  }
0x4b: {  	[spmem:s15] =	stream.linear.scatter [tilespmem:s28], [sflag:$0x7], $0x1C80, $0x38;
	[tilespmem:$0x1FF80] =	vst v63  }
0x4c: {  	_ =	swait.ge [sflag:s29], $0x1C80  }
0x4d: {  	[sflag:s29] =	ssyncset.done $0x0  }
0x4e: {  	[sflag:s29] =	ssyncadd.s32 $0xFFFFE380  }
0x4f: {  	_ =	swait.ge [sflag:s29], $0x1C80  }
0x50: {  	[sflag:s29] =	ssyncset.done $0x0  }
0x51: {  	[sflag:s29] =	ssyncadd.s32 $0xFFFFE380  }
0x52: {  	_ =	swait.ge [sflag:s29], $0x1C80  }
0x53: {  	[sflag:s29] =	ssyncset.done $0x0  }
0x54: {  	[sflag:s29] =	ssyncadd.s32 $0xFFFFE380  }
0x55: {  	_ =	swait.ge [sflag:s29], $0x1C80  }
0x56: {  	[sflag:s29] =	ssyncset.done $0x0  }
0x57: {  	[sflag:s29] =	ssyncadd.s32 $0xFFFFE380  }
0x58: {  	_ =	swait.ge [sflag:s29], $0x1C80  }
0x59: {  	[sflag:s29] =	ssyncset.done $0x0  }
0x5a: {  	[sflag:s29] =	ssyncadd.s32 $0xFFFFE380  }
0x5b: {  	_ =	swait.ge [sflag:s29], $0x1C80  }
0x5c: {  	[sflag:s29] =	ssyncset.done $0x0  }
0x5d: {  	[sflag:s29] =	ssyncadd.s32 $0xFFFFE380  }
0x5e: {  	_ =	swait.ge [sflag:s29], $0x1C80  }
0x5f: {  	[sflag:s29] =	ssyncset.done $0x0  }
0x60: {  	[sflag:s29] =	ssyncadd.s32 $0xFFFFE380  }
0x61: {  	_ =	swait.ge [sflag:s29], $0x1C80  }
0x62: {  	[sflag:s29] =	ssyncset.done $0x0  }
0x63: {  	[sflag:s29] =	ssyncadd.s32 $0xFFFFE380  }
0x64: {  	_ =	swait.ge [sflag:s29], $0x1C80  }
0x65: {  	[sflag:s29] =	ssyncset.done $0x0  }
0x66: {  	[sflag:s29] =	ssyncadd.s32 $0xFFFFE380  }
0x67: {  	_ =	swait.ge [sflag:s29], $0x1C80  }
0x68: {  	[sflag:s29] =	ssyncset.done $0x0  }
0x69: {  	[sflag:s29] =	ssyncadd.s32 $0xFFFFE380  }
0x6a: {  	_ =	swait.ge [sflag:s29], $0x1C80  }
0x6b: {  	[sflag:s29] =	ssyncset.done $0x0  }
0x6c: {  	[sflag:s29] =	ssyncadd.s32 $0xFFFFE380  }
0x6d: {  	s16 =	simm.s32 $0xD;
	[bflag:$0x0] =	sbarrier.arrive $0xFFFF  }
0x6e: {  	_ =	swait.ge [sflag:s16], $0x180  }
0x6f: {  	[sflag:s16] =	ssyncset.done $0x0  }
0x70: {  	[sflag:s16] =	ssyncadd.s32 $0xFFFFFE80  }
0x71: {  	_ =	swait.ge [sflag:s16], $0x180  }
0x72: {  	s30 =	simm.s32 $0x180;
	[sflag:s16] =	ssyncset.done $0x0  }
0x73: {  	s25 =	rddreg [dreg:$0x6];
	[sflag:s16] =	ssyncadd.s32 $0xFFFFFE80;
	s16 =	simm.s32 $0x0  }
0x74: {  	[tilespmem:s30], [sflag:$0xE] =	stream.linear.gather [hbm4b:s25+s16], $0x180, $0x38;
	[tilespmem:$0x1FF80] =	vst v63  }
0x75: {  	s13 =	simm.s32 $0x480;
	s10 =	rddreg [dreg:$0x7]  }
0x76: {  	[tilespmem:s13], [sflag:$0xE] =	stream.linear.gather [hbm4b:s10+s16], $0x180, $0x38;
	[tilespmem:$0x1FF80] =	vst v63  }
0x77: {  	_ = 	snop  }
0x78: {  	[tilespmem:s28], [sflag:$0x1] =	stream.indirect.gather [hbm4b:s1+s3], $0x80, s16, s3, $0xb8;
	[tilespmem:$0x1FF80] =	vst v63  }
0x79: {  	s0 =	simm.s32 $0x15F80  }
0x7a: {  	[tilespmem:s0], [sflag:$0x2] =	stream.indirect.gather [hbm4b:s1+s3], $0x80, s3, s3, $0xb8;
	[tilespmem:$0x1FF80] =	vst v63  }
0x7b: {  	s14 =	simm.s32 $0x80  }
0x7c: {  	[tilespmem:s24], [sflag:$0x3] =	stream.indirect.gather [hbm4b:s1+s3], $0x80, s14, s3, $0xb8;
	[tilespmem:$0x1FF80] =	vst v63  }
0x7d: {  	s15 =	simm.s32 $0xC0  }
0x7e: {  	[tilespmem:s31], [sflag:$0x4] =	stream.indirect.gather [hbm4b:s1+s3], $0x80, s15, s3, $0xb8;
	[tilespmem:$0x1FF80] =	vst v63  }
0x7f: {  	s25 =	simm.s32 $0x100;
	s14 =	rddreg [dreg:$0x15]  }
0x80: {  	[tilespmem:s5], [sflag:$0x5] =	stream.indirect.gather [hbm4b:s1+s3], $0x80, s25, s3, $0xb8;
	[tilespmem:$0x1FF80] =	vst v63  }
0x81: {  	s30 =	simm.s32 $0x140;
	s15 =	rddreg [dreg:$0x14]  }
0x82: {  	[tilespmem:s6], [sflag:$0x6] =	stream.indirect.gather [hbm4b:s1+s3], $0x80, s30, s3, $0xb8;
	[tilespmem:$0x1FF80] =	vst v63  }
.LBB2_4:
0x83: {  	s25 =	sand.u32 $0x1, s16  }
0x84: {  	s10 =	smul.u32 $0x600, s25  }
0x85: {  	_ =	swait.ge [sflag:s7], $0x2000  }
0x86: {  	[sflag:s7] =	ssyncset.done $0x0;
	s10 =	sshrl.u32 s10, $0x2  }
0x87: {  	[sflag:s7] =	ssyncadd.s32 $0xFFFFE000;
	s13 =	sadd.s32 $0x300, s10  }
0x88: {  	[spmem:s2] =	stream.indirect.scatter.add.f32 [tilespmem:s28], [sflag:$0x7], $0x80, s13, s3, $0xb8;
	[tilespmem:$0x1FF80] =	vst v63  }
0x89: {  	_ =	swait.ge [sflag:s8], $0x2000  }
0x8a: {  	[sflag:s8] =	ssyncset.done $0x0  }
0x8b: {  	s30 =	sadd.s32 $0x340, s10;
	[sflag:s8] =	ssyncadd.s32 $0xFFFFE000  }
0x8c: {  	[spmem:s2] =	stream.indirect.scatter.add.f32 [tilespmem:s0], [sflag:$0x8], $0x80, s30, s3, $0xb8;
	[tilespmem:$0x1FF80] =	vst v63  }
0x8d: {  	_ =	swait.ge [sflag:s11], $0x2000  }
0x8e: {  	[sflag:s11] =	ssyncset.done $0x0  }
0x8f: {  	s30 =	sadd.s32 $0x380, s10;
	[sflag:s11] =	ssyncadd.s32 $0xFFFFE000  }
0x90: {  	[spmem:s2] =	stream.indirect.scatter.add.f32 [tilespmem:s24], [sflag:$0x9], $0x80, s30, s3, $0xb8;
	[tilespmem:$0x1FF80] =	vst v63  }
0x91: {  	_ =	swait.ge [sflag:s17], $0x2000  }
0x92: {  	[sflag:s17] =	ssyncset.done $0x0  }
0x93: {  	s30 =	sadd.s32 $0x3C0, s10;
	[sflag:s17] =	ssyncadd.s32 $0xFFFFE000  }
0x94: {  	[spmem:s2] =	stream.indirect.scatter.add.f32 [tilespmem:s31], [sflag:$0xA], $0x80, s30, s3, $0xb8;
	[tilespmem:$0x1FF80] =	vst v63  }
0x95: {  	_ =	swait.ge [sflag:s18], $0x2000  }
0x96: {  	[sflag:s18] =	ssyncset.done $0x0  }
0x97: {  	p0 =	seq.s32 s16, $0x1A;
	s30 =	sor.u32 $0x400, s10;
	[sflag:s18] =	ssyncadd.s32 $0xFFFFE000  }
0x98: {  	[spmem:s2] =	stream.indirect.scatter.add.f32 [tilespmem:s5], [sflag:$0xB], $0x80, s30, s3, $0xb8;
	[tilespmem:$0x1FF80] =	vst v63  }
.Ltmp1:
0x99: {  	_ = 	snop;
	(pc) =	sbr.rel @p0 .LBB2_10-.Ltmp1, $4  }
0x9a: {  	_ =	swait.ge [sflag:s19], $0x2000  }
0x9b: {  	[sflag:s19] =	ssyncset.done $0x0  }
0x9c: {  	s10 =	sor.u32 $0x440, s10;
	[sflag:s19] =	ssyncadd.s32 $0xFFFFE000  }
0x9d: {  	[spmem:s2] =	stream.indirect.scatter.add.f32 [tilespmem:s6], [sflag:$0xC], $0x80, s10, s3, $0xb8;
	[tilespmem:$0x1FF80] =	vst v63  }
0x9e: {  	s24 =	sadd.s32 $0x1, s16  }
0x9f: {  	s10 =	sand.u32 $0x1, s24  }
0xa0: {  	s13 =	sadd.s32 $0xD, s10  }
0xa1: {  	_ =	swait.ge [sflag:s13], $0x180  }
0xa2: {  	[sflag:s13] =	ssyncset.done $0x0  }
0xa3: {  	[sflag:s13] =	ssyncadd.s32 $0xFFFFFE80  }
0xa4: {  	_ =	swait.ge [sflag:s13], $0x180  }
0xa5: {  	[sflag:s13] =	ssyncset.done $0x0  }
0xa6: {  	[sflag:s13] =	ssyncadd.s32 $0xFFFFFE80  }
0xa7: {  	s10 =	smul.u32 $0x600, s10;
	_ =	swait.ge [sflag:s29], $0x2000  }
0xa8: {  	[sflag:s29] =	ssyncset.done $0x0  }
0xa9: {  	s10 =	sshrl.u32 s10, $0x2;
	[sflag:s29] =	ssyncadd.s32 $0xFFFFE000  }
0xaa: {  	[tilespmem:s28], [sflag:$0x1] =	stream.indirect.gather [hbm4b:s1+s3], $0x80, s10, s3, $0xb8;
	[tilespmem:$0x1FF80] =	vst v63  }
0xab: {  	_ =	swait.ge [sflag:s20], $0x2000  }
0xac: {  	[sflag:s20] =	ssyncset.done $0x0  }
0xad: {  	s13 =	sor.u32 $0x40, s10;
	[sflag:s20] =	ssyncadd.s32 $0xFFFFE000  }
0xae: {  	[tilespmem:s0], [sflag:$0x2] =	stream.indirect.gather [hbm4b:s1+s3], $0x80, s13, s3, $0xb8;
	[tilespmem:$0x1FF80] =	vst v63  }
0xaf: {  	_ =	swait.ge [sflag:s21], $0x2000  }
0xb0: {  	[sflag:s21] =	ssyncset.done $0x0  }
0xb1: {  	s30 =	simm.s32 $0x17F80;
	s13 =	sadd.s32 $0x80, s10;
	[sflag:s21] =	ssyncadd.s32 $0xFFFFE000  }
0xb2: {  	[tilespmem:s30], [sflag:$0x3] =	stream.indirect.gather [hbm4b:s1+s3], $0x80, s13, s3, $0xb8;
	[tilespmem:$0x1FF80] =	vst v63  }
0xb3: {  	_ =	swait.ge [sflag:s22], $0x2000  }
0xb4: {  	[sflag:s22] =	ssyncset.done $0x0  }
0xb5: {  	s30 =	sadd.s32 $0xC0, s10;
	[sflag:s22] =	ssyncadd.s32 $0xFFFFE000  }
0xb6: {  	[tilespmem:s31], [sflag:$0x4] =	stream.indirect.gather [hbm4b:s1+s3], $0x80, s30, s3, $0xb8;
	[tilespmem:$0x1FF80] =	vst v63  }
0xb7: {  	_ =	swait.ge [sflag:s23], $0x2000  }
0xb8: {  	[sflag:s23] =	ssyncset.done $0x0  }
0xb9: {  	s30 =	sadd.s32 $0x100, s10;
	[sflag:s23] =	ssyncadd.s32 $0xFFFFE000  }
0xba: {  	[tilespmem:s5], [sflag:$0x5] =	stream.indirect.gather [hbm4b:s1+s3], $0x80, s30, s3, $0xb8;
	[tilespmem:$0x1FF80] =	vst v63  }
0xbb: {  	_ =	swait.ge [sflag:s12], $0x2000  }
0xbc: {  	[sflag:s12] =	ssyncset.done $0x0  }
0xbd: {  	p0 =	slt.u32 s16, $0x19;
	s10 =	sadd.s32 $0x140, s10;
	[sflag:s12] =	ssyncadd.s32 $0xFFFFE000  }
0xbe: {  	[tilespmem:s6], [sflag:$0x6] =	stream.indirect.gather [hbm4b:s1+s3], $0x80, s10, s3, $0xb8;
	[tilespmem:$0x1FF80] =	vst v63  }
0xbf: {  	s10 =	smul.u32 @p0 $0x180, s25  }
0xc0: {  	s16 =	simm.s32 @p0 $0x0;
	s13 =	sadd.s32 @p0 $0xD, s25  }
0xc1: {  	[tilespmem:s10], [sflag:s13] =	stream.linear.gather @p0 [hbm4b:s15+s16], $0x180, $0x38;
	[tilespmem:$0x1FF80] =	vst v63  }
0xc2: {  	s10 =	sadd.s32 @p0 $0x300, s10  }
0xc3: {  	[tilespmem:s10], [sflag:s13] =	stream.linear.gather @p0 [hbm4b:s14+s16], $0x180, $0x38;
	[tilespmem:$0x1FF80] =	vst v63  }
0xc4: {  	p0 =	sne.s32 s24, $0x1B  }
.Ltmp2:
0xc5: {  	_ = 	snop;
	(pc) =	sbr.rel @p0 .LBB2_4-.Ltmp2, $4  }
.Ltmp3:
0xc6: {  	_ = 	snop;
	(pc) =	sbr.rel @!p0 .LBB2_6-.Ltmp3, $4  }
0xc7: {  	_ = 	snop  }
0xc8: {  	s15 =	sadd.s32 $0x30, s15  }
0xc9: {  	s14 =	sadd.s32 $0x30, s14;
	s16 =	smov.u32 s24;
	s24 =	simm.s32 $0x17F80  }
0xca: {  	_ = 	snop  }
.LBB2_10:
0xcb: {  	_ =	swait.ge [sflag:s29], $0x2000  }
0xcc: {  	[sflag:s29] =	ssyncset.done $0x0  }
0xcd: {  	[sflag:s29] =	ssyncadd.s32 $0xFFFFE000  }
0xce: {  	_ =	swait.ge [sflag:s20], $0x2000  }
0xcf: {  	[sflag:s20] =	ssyncset.done $0x0  }
0xd0: {  	[sflag:s20] =	ssyncadd.s32 $0xFFFFE000  }
0xd1: {  	_ =	swait.ge [sflag:s21], $0x2000  }
0xd2: {  	[sflag:s21] =	ssyncset.done $0x0  }
0xd3: {  	[sflag:s21] =	ssyncadd.s32 $0xFFFFE000  }
0xd4: {  	_ =	swait.ge [sflag:s22], $0x2000  }
0xd5: {  	[sflag:s22] =	ssyncset.done $0x0  }
0xd6: {  	[sflag:s22] =	ssyncadd.s32 $0xFFFFE000  }
0xd7: {  	_ =	swait.ge [sflag:s23], $0x2000  }
0xd8: {  	[sflag:s23] =	ssyncset.done $0x0  }
0xd9: {  	[sflag:s23] =	ssyncadd.s32 $0xFFFFE000  }
0xda: {  	_ =	swait.ge [sflag:s12], $0x2000  }
0xdb: {  	[sflag:s12] =	ssyncset.done $0x0  }
0xdc: {  	[sflag:s12] =	ssyncadd.s32 $0xFFFFE000  }
.LBB2_6:
0xdd: {  	[bflag:$0x0] =	sbarrier.arrive $0xFFFF  }
0xde: {  	[tilespmem:s28], [sflag:$0x1] =	stream.linear.gather [spmem:s26], $0x1C80, $0x38;
	[tilespmem:$0x1FF80] =	vst v63  }
0xdf: {  	s10 =	rddreg [dreg:$0xa]  }
0xe0: {  	[tilespmem:s0], [sflag:$0x2] =	stream.linear.gather [spmem:s10], $0x1C80, $0x38;
	[tilespmem:$0x1FF80] =	vst v63  }
0xe1: {  	s14 =	rddreg [dreg:$0xb]  }
0xe2: {  	[tilespmem:s24], [sflag:$0x3] =	stream.linear.gather [spmem:s14], $0x1C80, $0x38;
	[tilespmem:$0x1FF80] =	vst v63  }
0xe3: {  	s25 =	simm.s32 $0x0;
	s13 =	simm.s32 $0xFFFFFFFA;
	s15 =	rddreg [dreg:$0xc]  }
0xe4: {  	[tilespmem:s31], [sflag:$0x4] =	stream.linear.gather [spmem:s15], $0x1C80, $0x38;
	[tilespmem:$0x1FF80] =	vst v63  }
0xe5: {  	s16 =	rddreg [dreg:$0xd];
	s10 =	smin.u32 s25, s13  }
0xe6: {  	[tilespmem:s5], [sflag:$0x5] =	stream.linear.gather [spmem:s16], $0x1C80, $0x38;
	[tilespmem:$0x1FF80] =	vst v63  }
0xe7: {  	s13 =	sshll.u32 s10, $0xD;
	s24 =	rddreg [dreg:$0xe];
	s15 =	sadd.s32 $0x1, s10  }
0xe8: {  	[tilespmem:s6], [sflag:$0x6] =	stream.linear.gather [spmem:s24], $0x1C80, $0x38;
	[tilespmem:$0x1FF80] =	vst v63  }
0xe9: {  	p0 =	por $0x0, $0x0;
	s13 =	sand.u32 $0x3FFFE000, s13;
	_ =	swait.ge [sflag:s15], $0x1C80  }
0xea: {  	s13 =	sadd.s32 $0x13F80, s13;
	[sflag:s15] =	ssyncset.done $0x0;
	s26 =	rddreg [dreg:$0x17]  }
0xeb: {  	s16 =	sadd.s32 $0x7, s10;
	s14 =	sadd.s32 s26, s9;
	[sflag:s15] =	ssyncadd.s32 $0xFFFFE380  }
0xec: {  	[hbm4b:s14+s4] =	stream.linear.scatter [tilespmem:s13], [sflag:s16], $0x1C80, $0x38;
	[tilespmem:$0x1FF80] =	vst v63  }
0xed: {  	s25 =	simm.s32 $0x2;
	s10 =	simm.s32 $0x1;
	_ =	swait.ge @!p0 [sflag:s16], $0x1C80  }
0xee: {  	s24 =	simm.s32 $0xFFFFFFFB;
	[sflag:s16] =	ssyncset.done @!p0 $0x0;
	s30 =	rddreg [dreg:$0x16]  }
0xef: {  	[sflag:s16] =	ssyncadd.s32 @!p0 $0xFFFFE380;
	s14 =	sadd.s32 $0x1C80, s30;
	s16 =	sadd.s32 $0x390, s26  }
.LBB2_7:
0xf0: {  	[tilespmem:s13], [sflag:s15] =	stream.linear.gather @!p0 [spmem:s30], $0x1C80, $0x38;
	[tilespmem:$0x1FF80] =	vst v63  }
0xf1: {  	s26 =	smov.u32 s25;
	s30 =	smov.u32 s14  }
0xf2: {  	s25 =	sadd.s32 $0x1, s25;
	s0 =	smin.u32 s10, s24;
	s24 =	sadd.s32 $0xFFFFFFFA, s26  }
0xf3: {  	p1 =	sne.s32 s25, $0xB;
	s15 =	sadd.s32 $0x1, s0;
	s13 =	sshll.u32 s0, $0xD  }
0xf4: {  	p0 =	sgt.u32 s10, $0x4;
	s13 =	sand.u32 $0x3FFFE000, s13;
	_ =	swait.ge [sflag:s15], $0x1C80  }
0xf5: {  	s10 =	sadd.s32 s16, s9;
	s13 =	sadd.s32 $0x13F80, s13;
	[sflag:s15] =	ssyncset.done $0x0  }
.Ltmp4:
0xf6: {  	s0 =	sadd.s32 $0x7, s0;
	[sflag:s15] =	ssyncadd.s32 $0xFFFFE380;
	(pc) =	sbr.rel @p1 .LBB2_7-.Ltmp4, $4  }
0xf7: {  	[hbm4b:s10+s4] =	stream.linear.scatter [tilespmem:s13], [sflag:s0], $0x1C80, $0x38;
	[tilespmem:$0x1FF80] =	vst v63  }
0xf8: {  	s10 =	smov.u32 s26;
	_ =	swait.ge @!p0 [sflag:s0], $0x1C80  }
0xf9: {  	[sflag:s0] =	ssyncset.done @!p0 $0x0  }
0xfa: {  	s14 =	sadd.s32 $0x1C80, s14;
	s16 =	sadd.s32 $0x390, s16;
	[sflag:s0] =	ssyncadd.s32 @!p0 $0xFFFFE380  }
0xfb: {  	[tilespmem:s13], [sflag:s15] =	stream.linear.gather @!p0 [spmem:s30], $0x1C80, $0x38;
	[tilespmem:$0x1FF80] =	vst v63  }
0xfc: {  	s0 =	smin.u32 s10, s24  }
0xfd: {  	s13 =	sadd.s32 $0x1, s0  }
0xfe: {  	p0 =	sgt.u32 s10, $0x4;
	s24 =	sshll.u32 s0, $0xD;
	_ =	swait.ge [sflag:s13], $0x1C80  }
0xff: {  	s25 =	sadd.s32 s16, s9;
	s15 =	sand.u32 $0x3FFFE000, s24;
	[sflag:s13] =	ssyncset.done $0x0  }
0x100: {  	s0 =	sadd.s32 $0x7, s0;
	s10 =	sadd.s32 $0x13F80, s15;
	[sflag:s13] =	ssyncadd.s32 $0xFFFFE380  }
0x101: {  	[hbm4b:s25+s4] =	stream.linear.scatter [tilespmem:s10], [sflag:s0], $0x1C80, $0x38;
	[tilespmem:$0x1FF80] =	vst v63  }
0x102: {  	_ =	swait.ge @!p0 [sflag:s0], $0x1C80  }
0x103: {  	[sflag:s0] =	ssyncset.done @!p0 $0x0  }
0x104: {  	[sflag:s0] =	ssyncadd.s32 @!p0 $0xFFFFE380  }
0x105: {  	[tilespmem:s10], [sflag:s13] =	stream.linear.gather @!p0 [spmem:s14], $0x1C80, $0x38;
	[tilespmem:$0x1FF80] =	vst v63  }
0x106: {  	_ =	swait.ge [sflag:s12], $0x1C80  }
0x107: {  	[sflag:s12] =	ssyncset.done $0x0  }
0x108: {  	[sflag:s12] =	ssyncadd.s32 $0xFFFFE380  }
0x109: {  	_ =	swait.ge [sflag:s29], $0x1C80  }
0x10a: {  	[sflag:s29] =	ssyncset.done $0x0  }
0x10b: {  	[sflag:s29] =	ssyncadd.s32 $0xFFFFE380  }
0x10c: {  	_ =	swait.ge [sflag:s20], $0x1C80  }
0x10d: {  	[sflag:s20] =	ssyncset.done $0x0  }
0x10e: {  	[sflag:s20] =	ssyncadd.s32 $0xFFFFE380  }
0x10f: {  	_ =	swait.ge [sflag:s21], $0x1C80  }
0x110: {  	[sflag:s21] =	ssyncset.done $0x0  }
0x111: {  	[sflag:s21] =	ssyncadd.s32 $0xFFFFE380  }
0x112: {  	_ =	swait.ge [sflag:s22], $0x1C80  }
0x113: {  	[sflag:s22] =	ssyncset.done $0x0  }
0x114: {  	[sflag:s22] =	ssyncadd.s32 $0xFFFFE380  }
0x115: {  	_ =	swait.ge [sflag:s23], $0x1C80  }
0x116: {  	s26 =	rddreg [dreg:$0x18]  }
0x117: {  	s30 =	rddreg [dreg:$0x9];
	s10 =	sadd.s32 $0x1, s26  }
0x118: {  	p0 =	sne.s32 s10, s30  }
.Ltmp5:
0x119: {  	_ = 	snop;
	(pc) =	sbr.rel @p0 .LBB2_1-.Ltmp5, $3  }
0x11a: {  	_ =	sdelay $0x1  }
0x11b: {  	[sflag:s23] =	ssyncset.done $0x0;
	s14 =	rddreg [dreg:$0xa]  }
0x11c: {  	s24 =	simm.s32 $0x17F80;
	[sflag:s23] =	ssyncadd.s32 $0xFFFFE380;
	s26 =	rddreg [dreg:$0x8]  }
0x11d: {  	_ =	sfence.sel $0x180000  }
0x11e: {  	[bflag:$0x0] =	sbarrier.arrive $0xFFFF  }
0x11f: {  	_ =	strace $0x9000004D  }
0x120: {  	s0 =	stileid.u32;
	[bflag:$0x2] =	sbarrier.arrive $0xFFFF  }
0x121: {  	p0 =	sne.s32 s0, $0x0;
	s0 =	rddreg [dreg:$0x3]  }
0x122: {  	s0 =	sadd.s32 @!p0 $0x100000, s0  }
0x123: {  	[sflag:s0] =	ssyncadd.tile.s32 @!p0 $0x1;
	_ =	shalt  }
.Lfunc_end2:
_tile_overlayer_lowered:
.L_overlay_start_2:
0x124: {  	(tag) =	ssettag $0x2  }
0x125: {  	s0 =	rddreg [dreg:$0x0];
	s2 =	stileid.u32  }
0x126: {  	s1 =	rddreg [dreg:$0x1];
	p0 =	sne.s32 s2, $0x0  }
0x127: {  	s3 =	rddreg [dreg:$0x2];
	[bflag:$0x3] =	sbarrier.arrive $0xFFFF;
	s2 =	simm.s32 @!p0 $0x1C0F  }
0x128: {  	[timem:s3], [sflag:s2] =	dma.local @!p0 [hbm:s0], s1  }
0x129: {  	s0 =	simm.s32 @!p0 $0xF  }
0x12a: {  	_ =	swait.ge @!p0 [sflag:s0], s1  }
0x12b: {  	s1 =	ssub.s32 @!p0 $0x0, s1;
	[sflag:s0] =	ssyncset.done @!p0 $0x0  }
0x12c: {  	[sflag:s0] =	ssyncadd.s32 @!p0 s1  }
0x12d: {  	[bflag:$0x3] =	sbarrier.arrive $0xFFFF  }
0x12e: {  	_ =	shalt  }

// kernel: kernel.8.cloned.1.call-start
scs
__scs_entry_jumppad:
0x0: {  	(pc) =	sbr.rel $0x88, $3  }
0x1: {  	(tag) =	ssettag $0x0;
	lr =	simm.s32 $0x1  }
0x2: {  	[smem:$0x3F97] =	sst lr;
	_ =	strace $0xD0000000  }
0x3: {  	_ = 	snop  }
0x4: {  	_ = 	snop  }
0x5: {  	_ = 	snop  }
0x6: {  	_ = 	snop  }
0x7: {  	_ = 	snop  }
__scs_overlays_trampoline_lowered:
0x8: {  	[smem:$0x3FA6] =	sst s0  }
0x9: {  	[smem:$0x3FA7] =	sst s1  }
0xa: {  	[smem:$0x3FA8] =	sst s2  }
0xb: {  	[smem:$0x3FA9] =	sst s3  }
0xc: {  	[smem:$0x3FAA] =	sst s4  }
0xd: {  	[smem:$0x3FAB] =	sst s5  }
0xe: {  	[smem:$0x3FAC] =	sst s6  }
0xf: {  	[smem:$0x3FAD] =	sst s7  }
0x10: {  	[smem:$0x3FAE] =	sst s8  }
0x11: {  	[smem:$0x3FAF] =	sst s9;
	s0 =	simm.s32 @!p0 $0x0  }
0x12: {  	s1 =	sld [smem:$0x3F95];
	s0 =	simm.s32 @p0 $0x1  }
0x13: {  	[smem:$0x3FB0] =	sst s0;
	s0 =	simm.s32 @!p1 $0x0  }
0x14: {  	s2 =	sld [smem:$0x3F94];
	s0 =	simm.s32 @p1 $0x1  }
0x15: {  	[smem:$0x3FB1] =	sst s0;
	s0 =	simm.s32 @!p2 $0x0  }
0x16: {  	s3 =	sld [smem:$0x3FDB];
	s0 =	simm.s32 @p2 $0x1  }
0x17: {  	s4 =	simm.s32 $0x1BF5;
	[smem:$0x3FB3] =	sst s0  }
0x18: {  	s0 =	sld [smem:$0x3F96];
	_ =	swait.ge [sflag:s4], $0x0  }
0x19: {  	s7 =	sld [smem:$0x3F97]  }
0x1a: {  	s8 =	sadd.s32 $0xFFFFE003, lr  }
0x1b: {  	s9 =	sadd.s32 $0xFFFFFEF7, lr;
	s5 =	simm.s32 $0xFFFFFFFF;
	p2 =	slt.u32 s8, $0xFFFFF086  }
0x1c: {  	p1 =	slt.u32 s9, $0xF7A;
	s5 =	simm.s32 @!p2 $0x0  }
0x1d: {  	s5 =	simm.s32 @p1 $0x1;
	p0 =	seq.s32 s7, s2  }
0x1e: {  	s7 =	smul.u32 @!p0 $0xF7A, s2;
	p2 =	seq.s32 @!p0 s5, $0x0  }
0x1f: {  	s9 =	smul.u32 $0xF7A, s1;
	s8 =	simm.s32 @!p0 $0x1BF5;
	p2 =	por !p2, p0  }
0x20: {  	[sflag:s8] =	ssyncset.s32 @!p0 $0xFFFFF086;
	s6 =	sadd.s32 @!p0 s3, s7;
	s7 =	simm.s32 @!p0 $0x108  }
0x21: {  	s3 =	sadd.s32 s3, s9;
	s6 =	sadd.s32 @!p0 $0x88, s6;
	s7 =	simm.s32 @p2 $0x1082  }
0x22: {  	[simem:s7], [sflag:s8] =	dma.local @!p0 [hbm:s6], $0xF7A  }
0x23: {  	s9 =	sor.u32 $0xD0000000, s2;
	s6 =	simm.s32 $0x108;
	_ =	swait.ge @!p0 [sflag:s8], $0x0  }
0x24: {  	s3 =	sadd.s32 $0x88, s3;
	s6 =	simm.s32 @!p1 $0x1082;
	[sflag:s4] =	ssyncset.s32 $0xFFFFF086  }
0x25: {  	[simem:s6], [sflag:s4] =	dma.local [hbm:s3], $0xF7A  }
0x26: {  	[smem:$0x3F97] =	sst s1;
	(tag) =	ssettag s2;
	_ =	strace s9  }
0x27: {  	s1 =	sld [smem:$0x3FA7]  }
0x28: {  	s2 =	sld [smem:$0x3FA8]  }
0x29: {  	s4 =	sld [smem:$0x3FAA]  }
0x2a: {  	p0 =	seq.s32 s5, $0x0;
	s5 =	sld [smem:$0x3FAB]  }
0x2b: {  	s6 =	sld [smem:$0x3FAC]  }
0x2c: {  	s7 =	sld [smem:$0x3FAD]  }
0x2d: {  	s3 =	simm.s32 $0x108;
	s8 =	sld [smem:$0x3FAE]  }
0x2e: {  	s3 =	simm.s32 @!p0 $0x1082;
	s9 =	sld [smem:$0x3FAF]  }
0x2f: {  	lr =	sadd.s32 s0, s3;
	s0 =	sld [smem:$0x3FA6]  }
0x30: {  	s3 =	sld [smem:$0x3FA9]  }
0x31: {  	[smem:$0x3FB2] =	sst s10  }
0x32: {  	s10 =	sld [smem:$0x3FB0];
	_ =	sdelay $0x3  }
0x33: {  	p0 =	seq.s32 s10, $0x1;
	s10 =	sld [smem:$0x3FB2];
	_ =	sdelay $0x3  }
0x34: {  	[smem:$0x3FB2] =	sst s10  }
0x35: {  	s10 =	sld [smem:$0x3FB1];
	_ =	sdelay $0x3  }
0x36: {  	p1 =	seq.s32 s10, $0x1;
	s10 =	sld [smem:$0x3FB2];
	_ =	sdelay $0x3  }
0x37: {  	[smem:$0x3FB2] =	sst s10  }
0x38: {  	s10 =	sld [smem:$0x3FB3]  }
0x39: {  	_ = 	snop;
	(pc) =	sbr.ind lr, $3  }
0x3a: {  	_ = 	snop  }
0x3b: {  	_ = 	snop  }
0x3c: {  	p2 =	seq.s32 s10, $0x1;
	s10 =	sld [smem:$0x3FB2]  }
0x3d: {  	_ =	shalt  }
0x3e: {  	_ =	shalt  }
0x3f: {  	_ =	shalt  }
0x40: {  	_ =	shalt  }
0x41: {  	_ =	shalt  }
0x42: {  	_ =	shalt  }
0x43: {  	_ =	shalt  }
0x44: {  	_ =	shalt  }
0x45: {  	_ =	shalt  }
0x46: {  	_ =	shalt  }
0x47: {  	_ =	shalt  }
0x48: {  	_ =	shalt  }
0x49: {  	_ =	shalt  }
0x4a: {  	_ =	shalt  }
0x4b: {  	_ =	shalt  }
0x4c: {  	_ =	shalt  }
0x4d: {  	_ =	shalt  }
0x4e: {  	_ =	shalt  }
0x4f: {  	_ =	shalt  }
0x50: {  	_ =	shalt  }
0x51: {  	_ =	shalt  }
0x52: {  	_ =	shalt  }
0x53: {  	_ =	shalt  }
0x54: {  	_ =	shalt  }
0x55: {  	_ =	shalt  }
0x56: {  	_ =	shalt  }
0x57: {  	_ =	shalt  }
0x58: {  	_ =	shalt  }
0x59: {  	_ =	shalt  }
0x5a: {  	_ =	shalt  }
0x5b: {  	_ =	shalt  }
0x5c: {  	_ =	shalt  }
0x5d: {  	_ =	shalt  }
0x5e: {  	_ =	shalt  }
0x5f: {  	_ =	shalt  }
0x60: {  	_ =	shalt  }
0x61: {  	_ =	shalt  }
0x62: {  	_ =	shalt  }
0x63: {  	_ =	shalt  }
0x64: {  	_ =	shalt  }
0x65: {  	_ =	shalt  }
0x66: {  	_ =	shalt  }
0x67: {  	_ =	shalt  }
0x68: {  	_ =	shalt  }
0x69: {  	_ =	shalt  }
0x6a: {  	_ =	shalt  }
0x6b: {  	_ =	shalt  }
0x6c: {  	_ =	shalt  }
0x6d: {  	_ =	shalt  }
0x6e: {  	_ =	shalt  }
0x6f: {  	_ =	shalt  }
0x70: {  	_ =	shalt  }
0x71: {  	_ =	shalt  }
0x72: {  	_ =	shalt  }
0x73: {  	_ =	shalt  }
0x74: {  	_ =	shalt  }
0x75: {  	_ =	shalt  }
0x76: {  	_ =	shalt  }
0x77: {  	_ =	shalt  }
0x78: {  	_ =	shalt  }
0x79: {  	_ =	shalt  }
0x7a: {  	_ =	shalt  }
0x7b: {  	_ =	shalt  }
0x7c: {  	_ =	shalt  }
0x7d: {  	_ =	shalt  }
0x7e: {  	_ =	shalt  }
0x7f: {  	_ =	shalt  }
0x80: {  	_ =	shalt  }
0x81: {  	_ =	shalt  }
0x82: {  	_ =	shalt  }
0x83: {  	_ =	shalt  }
0x84: {  	_ =	shalt  }
0x85: {  	_ =	shalt  }
0x86: {  	_ =	shalt  }
0x87: {  	_ =	shalt  }
.Lfunc_end0:
.L_simem_size_0:
called_computation_lowered:
.L_overlay_start_0:
0x88: {  	s2 =	sld [smem:$0x3FD9]  }
0x89: {  	s3 =	sld [smem:$0x3FFE];
	_ =	sdelay $0x1  }
0x8a: {  	s1 =	srdreg.scid  }
0x8b: {  	s0 =	sand.u32 $0x1, s1  }
0x8c: {  	s17 =	sshll.u32 s0, $0xA;
	s2 =	sadd.s32 s3, s2  }
0x8d: {  	s2 =	sadd.s32 s2, s17  }
0x8e: {  	[smem:$0x3FBE] =	sst s2  }
0x8f: {  	_ = 	snop  }
0x90: {  	s2 =	sld [smem:$0x3FD0];
	(tm) =	ssettm $0x1  }
0x91: {  	s18 =	sld [smem:$0x3FFB];
	_ =	sdelay $0x3  }
0x92: {  	_ =	strace s18  }
0x93: {  	s3 =	sld [smem:$0x3FFC];
	_ =	sdelay $0x3  }
0x94: {  	_ =	strace s3  }
0x95: {  	s3 =	sld [smem:$0x3FFD];
	_ =	sdelay $0x3  }
0x96: {  	_ =	strace s3  }
0x97: {  	_ =	strace $0x8FFFFFFF  }
0x98: {  	s19 =	sld [smem:$0x3FDB];
	_ =	sdelay $0x1  }
0x99: {  	s4 =	simm.s32 $_scs_section_size  }
0x9a: {  	s5 =	simm.s32 $_size__tile_overlayer_lowered;
	s6 =	simm.s32 $_tile_overlayer_lowered  }
0x9b: {  	s22 =	simm.s32 $0x1BFF;
	s21 =	sshll.u32 s6, $0x1;
	s3 =	sadd.s32 s4, s19  }
0x9c: {  	s7 =	simm.s32 $0x0;
	s20 =	sshll.u32 s5, $0x1;
	s5 =	sadd.s32 s21, s3  }
0x9d: {  	[timem:s7], [sflag:s22] =	dma.local [hbm:s5], s20  }
0x9e: {  	_ =	swait.ge [sflag:s22], s20  }
0x9f: {  	s4 =	ssub.s32 $0x0, s20;
	[sflag:s22] =	ssyncset.done $0x0  }
0xa0: {  	[sflag:s22] =	ssyncadd.s32 s4;
	_ =	sdelay $0x1  }
0xa1: {  	s23 =	simm.s32 $0x1B8B  }
0xa2: {  	_ =	swait.ge [sflag:s23], $0x1  }
0xa3: {  	[sflag:s23] =	ssyncset.done $0x0  }
0xa4: {  	s25 =	simm.s32 $0x1B8E;
	s24 =	sld [smem:$0x3FFE];
	[sflag:s23] =	ssyncadd.s32 $0xFFFFFFFF  }
0xa5: {  	s26 =	simm.s32 $execute0_lowered;
	[smem:$0x3FD2] =	sst s25  }
0xa6: {  	s5 =	sshll.u32 s26, $0x1;
	_ =	strace $0x80000046;
	[dreg:$0x1] =	wrdreg $0xFFFFFFFF  }
0xa7: {  	s28 =	simm.s32 $_size_execute0_lowered;
	s3 =	sadd.s32 s3, s5;
	[dreg:$0x0] =	wrdreg $0x0  }
0xa8: {  	s5 =	sshll.u32 s28, $0x1;
	[dreg:$0x2] =	wrdreg s3  }
0xa9: {  	[dreg:$0x3] =	wrdreg s5  }
0xaa: {  	[dreg:$0x4] =	wrdreg $0xC0  }
0xab: {  	_ =	task [dreg:s7], $0x5FFFF  }
0xac: {  	[dreg:$0x1] =	wrdreg $0xFFFFFFFF  }
0xad: {  	[dreg:$0x0] =	wrdreg $0x60  }
0xae: {  	[dreg:$0x2] =	wrdreg s24  }
0xaf: {  	[dreg:$0x3] =	wrdreg s2  }
0xb0: {  	[dreg:$0x4] =	wrdreg $0x0  }
0xb1: {  	[dreg:$0x5] =	wrdreg $0x9  }
0xb2: {  	_ =	task.clear_ibuf [dreg:s7], $0x6FFFF;
	_ =	strace $0x90000046  }
0xb3: {  	s29 =	simm.s32 $0x9;
	_ =	strace $0x80000048  }
0xb4: {  	_ =	swait.ge [sflag:s29], $0x1  }
0xb5: {  	[sflag:s29] =	ssyncadd.s32 $0xFFFFFFFF  }
0xb6: {  	_ =	strace $0x90000048  }
0xb7: {  	_ =	sfence  }
0xb8: {  	s30 =	sld [smem:$0x0];
	_ =	sdelay $0x2  }
0xb9: {  	s31 =	sshll.u32 s1, $0xD;
	s1 =	sshrl.u32 s1, $0x2  }
0xba: {  	s3 =	sand.u32 $0x4000, s31;
	s1 =	sadd.s32 s1, s30  }
0xbb: {  	s0 =	sor.u32 s3, s0;
	s1 =	sshll.u32 s1, $0x11  }
0xbc: {  	s0 =	sor.u32 s1, s0  }
0xbd: {  	s0 =	sadd.s32 $0x8F2B, s0  }
0xbe: {  	[sflag:s0] =	ssyncadd.remote.s32 $0x1  }
0xbf: {  	_ =	sfence.sel $0xFFFF  }
0xc0: {  	[dreg:$0x0] =	wrdreg $0xFFFFFFFF;
	(pc) =	sbr.abs _section_cstart, $3  }
0xc1: {  	[dreg:$0x1] =	wrdreg $0xFFFFFFFF  }
0xc2: {  	_ =	task.clear_ibuf [dreg:s7], $0x2FFFF;
	_ =	strace $0x9FFFFFFF  }
0xc3: {  	(tm) =	ssettm $0x7FFFFFFF  }
tec
execute0_lowered:
.L_overlay_start_1:
0x0: {  	(tag) =	ssettag $0x1  }
0x1: {  	s4 =	rddreg [dreg:$0x0]  }
0x2: {  	s0 =	srdreg.scid;
	s7 =	rddreg [dreg:$0x1]  }
0x3: {  	s2 =	rddreg [dreg:$0x2];
	s1 =	stileid.u32;
	s3 =	simm.s32 $0x0  }
0x4: {  	s11 =	simm.s32 $0x40;
	s12 =	simm.s32 $0x2B00;
	s13 =	simm.s32 $0x1  }
0x5: {  	s14 =	simm.s32 $0x0;
	s5 =	sand.u32 $0x1, s0;
	s0 =	rddreg [dreg:$0x3]  }
0x6: {  	[smem:$0x7FF] =	sst s3;
	s9 =	smul.u32 $0x280, s1;
	s6 =	sshll.u32 s5, $0x4  }
0x7: {  	s10 =	sadd.s32 $0x17200, s4;
	_ =	strace $0x80000047;
	s6 =	sor.u32 s1, s6  }
0x8: {  	s8 =	ssub.s32 $0x2, s5;
	p0 =	seq.s32 s5, $0x1;
	s6 =	smul.u32 $0x510, s6  }
0x9: {  	s31 =	sshrl.u32 s8, $0x1;
	s7 =	smov.u32 @p0 s10;
	s10 =	simm.s32 $0x280  }
0xa: {  	s8 =	ssub.s32 s8, s31;
	s6 =	sadd.s32 s6, s4;
	s4 =	sadd.s32 s9, s2  }
0xb: {  	s9 =	sshrl.u32 s9, $0x3;
	s5 =	sadd.s32 $0xD000, s6;
	s6 =	smax.u32 s8, $0x1  }
0xc: {  	v0 =	vimm.f32 $1.000000000e+00;
	v1 =	vimm.f32 $0.0e+00;
	s7 =	sadd.s32 s7, s9;
	s8 =	simm.s32 $0x2B40;
	s9 =	simm.s32 $0x2  }
.LBB2_1:
0xd: {  	[tilespmem:$0x2B00] =	vst v0  }
0xe: {  	[tilespmem:$0x2B10] =	vst v0  }
0xf: {  	[tilespmem:$0x2B20] =	vst v0  }
0x10: {  	[tilespmem:$0x2B30] =	vst v0  }
0x11: {  	[tilespmem:$0x2B40] =	vst v1  }
0x12: {  	[tilespmem:$0x2B50] =	vst v1  }
0x13: {  	[tilespmem:$0x2B60] =	vst v1  }
0x14: {  	[tilespmem:$0x2B70] =	vst v1  }
0x15: {  	[tilespmem:$0x2B80] =	vst v1  }
0x16: {  	[tilespmem:$0x2B90] =	vst v1  }
0x17: {  	[tilespmem:$0x2BA0] =	vst v1  }
0x18: {  	[tilespmem:$0x2BB0] =	vst v1  }
0x19: {  	[tilespmem:$0x2BC0] =	vst v1  }
0x1a: {  	[tilespmem:$0x2BD0] =	vst v1  }
0x1b: {  	[tilespmem:$0x2BE0] =	vst v1  }
0x1c: {  	[tilespmem:$0x2BF0] =	vst v1  }
0x1d: {  	[tilespmem:$0x2C00] =	vst v1  }
0x1e: {  	[tilespmem:$0x2C10] =	vst v1  }
0x1f: {  	[tilespmem:$0x2C20] =	vst v1  }
0x20: {  	[tilespmem:$0x2C30] =	vst v1  }
0x21: {  	[tilespmem:$0x2C40] =	vst v1  }
0x22: {  	[tilespmem:$0x2C50] =	vst v1  }
0x23: {  	[tilespmem:$0x2C60] =	vst v1  }
0x24: {  	[tilespmem:$0x2C70] =	vst v1  }
0x25: {  	[tilespmem:$0x2C80] =	vst v1  }
0x26: {  	[tilespmem:$0x2C90] =	vst v1  }
0x27: {  	[tilespmem:$0x2CA0] =	vst v1  }
0x28: {  	[tilespmem:$0x2CB0] =	vst v1  }
0x29: {  	[tilespmem:$0x2CC0] =	vst v1  }
0x2a: {  	[tilespmem:$0x2CD0] =	vst v1  }
0x2b: {  	[tilespmem:$0x2CE0] =	vst v1  }
0x2c: {  	[tilespmem:$0x2CF0] =	vst v1  }
0x2d: {  	[tilespmem:$0x2D00] =	vst v1  }
0x2e: {  	[tilespmem:$0x2D10] =	vst v1  }
0x2f: {  	[tilespmem:$0x2D20] =	vst v1  }
0x30: {  	[tilespmem:$0x2D30] =	vst v1  }
0x31: {  	[tilespmem:$0x2D40] =	vst v1  }
0x32: {  	[tilespmem:$0x2D50] =	vst v1  }
0x33: {  	[tilespmem:$0x2D60] =	vst v1  }
0x34: {  	[tilespmem:$0x2D70] =	vst v1  }
0x35: {  	[tilespmem:$0x2D80] =	vst v1  }
0x36: {  	[tilespmem:$0x2D90] =	vst v1  }
0x37: {  	[tilespmem:$0x2DA0] =	vst v1  }
0x38: {  	[tilespmem:$0x2DB0] =	vst v1  }
0x39: {  	[spmem:s4] =	stream.linear.scatter [tilespmem:s8], [sflag:$0x2], $0x280, $0x38;
	[tilespmem:$0x2DC0] =	vst v63  }
0x3a: {  	_ =	swait.ge [sflag:s9], $0x280  }
0x3b: {  	[sflag:s9] =	ssyncset.done $0x0  }
0x3c: {  	[sflag:s9] =	ssyncadd.s32 $0xFFFFFD80  }
0x3d: {  	[bflag:$0x0] =	sbarrier.arrive $0xFFFF  }
0x3e: {  	[tilespmem:s10], [sflag:$0x2] =	stream.linear.gather [hbm4b:s5+s3], $0x2880, $0x38;
	[tilespmem:$0x2DC0] =	vst v63  }
0x3f: {  	_ =	swait.ge [sflag:s9], $0x2880  }
0x40: {  	[sflag:s9] =	ssyncset.done $0x0  }
0x41: {  	s15 =	simm.s32 $0x280;
	[sflag:s9] =	ssyncadd.s32 $0xFFFFD780  }
0x42: {  	[spmem:s2] =	stream.indirect.scatter.add.f32 [tilespmem:s12], [sflag:$0x1], $0x1, s15, s11, $0xb8;
	[tilespmem:$0x2DC0] =	vst v63  }
0x43: {  	s23 =	simm.s32 $0x2C0  }
0x44: {  	[spmem:s2] =	stream.indirect.scatter.add.f32 [tilespmem:s12], [sflag:$0x1], $0x1, s23, s11, $0xb8;
	[tilespmem:$0x2DC0] =	vst v63  }
0x45: {  	s24 =	simm.s32 $0x300  }
0x46: {  	[spmem:s2] =	stream.indirect.scatter.add.f32 [tilespmem:s12], [sflag:$0x1], $0x1, s24, s11, $0xb8;
	[tilespmem:$0x2DC0] =	vst v63  }
0x47: {  	s25 =	simm.s32 $0x340  }
0x48: {  	[spmem:s2] =	stream.indirect.scatter.add.f32 [tilespmem:s12], [sflag:$0x1], $0x1, s25, s11, $0xb8;
	[tilespmem:$0x2DC0] =	vst v63  }
0x49: {  	s26 =	simm.s32 $0x380  }
0x4a: {  	[spmem:s2] =	stream.indirect.scatter.add.f32 [tilespmem:s12], [sflag:$0x1], $0x1, s26, s11, $0xb8;
	[tilespmem:$0x2DC0] =	vst v63  }
0x4b: {  	s28 =	simm.s32 $0x3C0  }
0x4c: {  	[spmem:s2] =	stream.indirect.scatter.add.f32 [tilespmem:s12], [sflag:$0x1], $0x1, s28, s11, $0xb8;
	[tilespmem:$0x2DC0] =	vst v63  }
0x4d: {  	s29 =	simm.s32 $0x400  }
0x4e: {  	[spmem:s2] =	stream.indirect.scatter.add.f32 [tilespmem:s12], [sflag:$0x1], $0x1, s29, s11, $0xb8;
	[tilespmem:$0x2DC0] =	vst v63  }
0x4f: {  	s30 =	simm.s32 $0x440  }
0x50: {  	[spmem:s2] =	stream.indirect.scatter.add.f32 [tilespmem:s12], [sflag:$0x1], $0x1, s30, s11, $0xb8;
	[tilespmem:$0x2DC0] =	vst v63  }
0x51: {  	s31 =	simm.s32 $0x480  }
0x52: {  	[spmem:s2] =	stream.indirect.scatter.add.f32 [tilespmem:s12], [sflag:$0x1], $0x1, s31, s11, $0xb8;
	[tilespmem:$0x2DC0] =	vst v63  }
0x53: {  	_ =	swait.ge [sflag:s13], $0x40  }
0x54: {  	[sflag:s13] =	ssyncset.done $0x0  }
0x55: {  	[sflag:s13] =	ssyncadd.s32 $0xFFFFFFC0  }
0x56: {  	_ =	swait.ge [sflag:s13], $0x40  }
0x57: {  	[sflag:s13] =	ssyncset.done $0x0  }
0x58: {  	[sflag:s13] =	ssyncadd.s32 $0xFFFFFFC0  }
0x59: {  	_ =	swait.ge [sflag:s13], $0x40  }
0x5a: {  	[sflag:s13] =	ssyncset.done $0x0  }
0x5b: {  	[sflag:s13] =	ssyncadd.s32 $0xFFFFFFC0  }
0x5c: {  	_ =	swait.ge [sflag:s13], $0x40  }
0x5d: {  	[sflag:s13] =	ssyncset.done $0x0  }
0x5e: {  	[sflag:s13] =	ssyncadd.s32 $0xFFFFFFC0  }
0x5f: {  	_ =	swait.ge [sflag:s13], $0x40  }
0x60: {  	[sflag:s13] =	ssyncset.done $0x0  }
0x61: {  	[sflag:s13] =	ssyncadd.s32 $0xFFFFFFC0  }
0x62: {  	_ =	swait.ge [sflag:s13], $0x40  }
0x63: {  	[sflag:s13] =	ssyncset.done $0x0  }
0x64: {  	[sflag:s13] =	ssyncadd.s32 $0xFFFFFFC0  }
0x65: {  	_ =	swait.ge [sflag:s13], $0x40  }
0x66: {  	[sflag:s13] =	ssyncset.done $0x0  }
0x67: {  	[sflag:s13] =	ssyncadd.s32 $0xFFFFFFC0  }
0x68: {  	_ =	swait.ge [sflag:s13], $0x40  }
0x69: {  	[sflag:s13] =	ssyncset.done $0x0  }
0x6a: {  	[sflag:s13] =	ssyncadd.s32 $0xFFFFFFC0  }
0x6b: {  	_ =	swait.ge [sflag:s13], $0x40  }
0x6c: {  	s18 =	simm.s32 $0x1200;
	s17 =	simm.s32 $0x240;
	[sflag:s13] =	ssyncset.done $0x0  }
.LBB2_2:
0x6d: {  	s19 =	sadd.s32 $0x280, s17  }
0x6e: {  	[sflag:s13] =	ssyncadd.s32 $0xFFFFFFC0;
	s16 =	smov.u32 s18;
	s15 =	sadd.s32 $0x900, s18  }
0x6f: {  	[spmem:s2] =	stream.indirect.scatter.add.f32 [tilespmem:s12], [sflag:$0x1], $0x1, s19, s11, $0xb8;
	[tilespmem:$0x2DC0] =	vst v63  }
0x70: {  	p0 =	sne.s32 s18, $0x9900;
	s18 =	sadd.s32 $0x2C0, s17  }
0x71: {  	[spmem:s2] =	stream.indirect.scatter.add.f32 [tilespmem:s12], [sflag:$0x1], $0x1, s18, s11, $0xb8;
	[tilespmem:$0x2DC0] =	vst v63  }
0x72: {  	s18 =	sadd.s32 $0x300, s17  }
0x73: {  	[spmem:s2] =	stream.indirect.scatter.add.f32 [tilespmem:s12], [sflag:$0x1], $0x1, s18, s11, $0xb8;
	[tilespmem:$0x2DC0] =	vst v63  }
0x74: {  	s18 =	sadd.s32 $0x340, s17  }
0x75: {  	[spmem:s2] =	stream.indirect.scatter.add.f32 [tilespmem:s12], [sflag:$0x1], $0x1, s18, s11, $0xb8;
	[tilespmem:$0x2DC0] =	vst v63  }
0x76: {  	s18 =	sadd.s32 $0x380, s17  }
0x77: {  	[spmem:s2] =	stream.indirect.scatter.add.f32 [tilespmem:s12], [sflag:$0x1], $0x1, s18, s11, $0xb8;
	[tilespmem:$0x2DC0] =	vst v63  }
0x78: {  	s18 =	sadd.s32 $0x3C0, s17  }
0x79: {  	[spmem:s2] =	stream.indirect.scatter.add.f32 [tilespmem:s12], [sflag:$0x1], $0x1, s18, s11, $0xb8;
	[tilespmem:$0x2DC0] =	vst v63  }
0x7a: {  	s18 =	sadd.s32 $0x400, s17  }
0x7b: {  	[spmem:s2] =	stream.indirect.scatter.add.f32 [tilespmem:s12], [sflag:$0x1], $0x1, s18, s11, $0xb8;
	[tilespmem:$0x2DC0] =	vst v63  }
0x7c: {  	s18 =	sadd.s32 $0x440, s17  }
0x7d: {  	[spmem:s2] =	stream.indirect.scatter.add.f32 [tilespmem:s12], [sflag:$0x1], $0x1, s18, s11, $0xb8;
	[tilespmem:$0x2DC0] =	vst v63  }
0x7e: {  	s17 =	sadd.s32 $0x480, s17  }
0x7f: {  	[spmem:s2] =	stream.indirect.scatter.add.f32 [tilespmem:s12], [sflag:$0x1], $0x1, s17, s11, $0xb8;
	[tilespmem:$0x2DC0] =	vst v63  }
0x80: {  	_ =	swait.ge [sflag:s13], $0x40  }
0x81: {  	[sflag:s13] =	ssyncset.done $0x0  }
0x82: {  	[sflag:s13] =	ssyncadd.s32 $0xFFFFFFC0  }
0x83: {  	_ =	swait.ge [sflag:s13], $0x40  }
0x84: {  	[sflag:s13] =	ssyncset.done $0x0  }
0x85: {  	[sflag:s13] =	ssyncadd.s32 $0xFFFFFFC0  }
0x86: {  	_ =	swait.ge [sflag:s13], $0x40  }
0x87: {  	[sflag:s13] =	ssyncset.done $0x0  }
0x88: {  	[sflag:s13] =	ssyncadd.s32 $0xFFFFFFC0  }
0x89: {  	_ =	swait.ge [sflag:s13], $0x40  }
0x8a: {  	[sflag:s13] =	ssyncset.done $0x0  }
0x8b: {  	[sflag:s13] =	ssyncadd.s32 $0xFFFFFFC0  }
0x8c: {  	_ =	swait.ge [sflag:s13], $0x40  }
0x8d: {  	[sflag:s13] =	ssyncset.done $0x0  }
0x8e: {  	[sflag:s13] =	ssyncadd.s32 $0xFFFFFFC0  }
0x8f: {  	_ =	swait.ge [sflag:s13], $0x40  }
0x90: {  	[sflag:s13] =	ssyncset.done $0x0  }
0x91: {  	[sflag:s13] =	ssyncadd.s32 $0xFFFFFFC0  }
0x92: {  	_ =	swait.ge [sflag:s13], $0x40  }
0x93: {  	[sflag:s13] =	ssyncset.done $0x0  }
0x94: {  	[sflag:s13] =	ssyncadd.s32 $0xFFFFFFC0  }
.Ltmp0:
0x95: {  	_ =	swait.ge [sflag:s13], $0x40;
	(pc) =	sbr.rel @p0 .LBB2_2-.Ltmp0, $4  }
0x96: {  	[sflag:s13] =	ssyncset.done $0x0  }
0x97: {  	[sflag:s13] =	ssyncadd.s32 $0xFFFFFFC0  }
0x98: {  	_ =	swait.ge [sflag:s13], $0x40  }
0x99: {  	s18 =	smov.u32 s15;
	s17 =	sshra.s32 s16, $0x2;
	[sflag:s13] =	ssyncset.done $0x0  }
0x9a: {  	s15 =	sadd.s32 $0x280, s17;
	[sflag:s13] =	ssyncadd.s32 $0xFFFFFFC0  }
0x9b: {  	[spmem:s2] =	stream.indirect.scatter.add.f32 [tilespmem:s12], [sflag:$0x1], $0x1, s15, s11, $0xb8;
	[tilespmem:$0x2DC0] =	vst v63  }
0x9c: {  	s23 =	sadd.s32 $0x2C0, s17  }
0x9d: {  	[spmem:s2] =	stream.indirect.scatter.add.f32 [tilespmem:s12], [sflag:$0x1], $0x1, s23, s11, $0xb8;
	[tilespmem:$0x2DC0] =	vst v63  }
0x9e: {  	s24 =	sadd.s32 $0x300, s17  }
0x9f: {  	[spmem:s2] =	stream.indirect.scatter.add.f32 [tilespmem:s12], [sflag:$0x1], $0x1, s24, s11, $0xb8;
	[tilespmem:$0x2DC0] =	vst v63  }
0xa0: {  	s25 =	sadd.s32 $0x340, s17  }
0xa1: {  	[spmem:s2] =	stream.indirect.scatter.add.f32 [tilespmem:s12], [sflag:$0x1], $0x1, s25, s11, $0xb8;
	[tilespmem:$0x2DC0] =	vst v63  }
0xa2: {  	s26 =	sadd.s32 $0x380, s17  }
0xa3: {  	[spmem:s2] =	stream.indirect.scatter.add.f32 [tilespmem:s12], [sflag:$0x1], $0x1, s26, s11, $0xb8;
	[tilespmem:$0x2DC0] =	vst v63  }
0xa4: {  	s28 =	sadd.s32 $0x3C0, s17  }
0xa5: {  	[spmem:s2] =	stream.indirect.scatter.add.f32 [tilespmem:s12], [sflag:$0x1], $0x1, s28, s11, $0xb8;
	[tilespmem:$0x2DC0] =	vst v63  }
0xa6: {  	s29 =	sadd.s32 $0x400, s17  }
0xa7: {  	[spmem:s2] =	stream.indirect.scatter.add.f32 [tilespmem:s12], [sflag:$0x1], $0x1, s29, s11, $0xb8;
	[tilespmem:$0x2DC0] =	vst v63  }
0xa8: {  	s30 =	sadd.s32 $0x440, s17  }
0xa9: {  	[spmem:s2] =	stream.indirect.scatter.add.f32 [tilespmem:s12], [sflag:$0x1], $0x1, s30, s11, $0xb8;
	[tilespmem:$0x2DC0] =	vst v63  }
0xaa: {  	s31 =	sadd.s32 $0x480, s17  }
0xab: {  	[spmem:s2] =	stream.indirect.scatter.add.f32 [tilespmem:s12], [sflag:$0x1], $0x1, s31, s11, $0xb8;
	[tilespmem:$0x2DC0] =	vst v63  }
0xac: {  	_ =	swait.ge [sflag:s13], $0x40  }
0xad: {  	[sflag:s13] =	ssyncset.done $0x0  }
0xae: {  	[sflag:s13] =	ssyncadd.s32 $0xFFFFFFC0  }
0xaf: {  	_ =	swait.ge [sflag:s13], $0x40  }
0xb0: {  	[sflag:s13] =	ssyncset.done $0x0  }
0xb1: {  	[sflag:s13] =	ssyncadd.s32 $0xFFFFFFC0  }
0xb2: {  	_ =	swait.ge [sflag:s13], $0x40  }
0xb3: {  	[sflag:s13] =	ssyncset.done $0x0  }
0xb4: {  	[sflag:s13] =	ssyncadd.s32 $0xFFFFFFC0  }
0xb5: {  	_ =	swait.ge [sflag:s13], $0x40  }
0xb6: {  	[sflag:s13] =	ssyncset.done $0x0  }
0xb7: {  	[sflag:s13] =	ssyncadd.s32 $0xFFFFFFC0  }
0xb8: {  	_ =	swait.ge [sflag:s13], $0x40  }
0xb9: {  	[sflag:s13] =	ssyncset.done $0x0  }
0xba: {  	[sflag:s13] =	ssyncadd.s32 $0xFFFFFFC0  }
0xbb: {  	_ =	swait.ge [sflag:s13], $0x40  }
0xbc: {  	[sflag:s13] =	ssyncset.done $0x0  }
0xbd: {  	[sflag:s13] =	ssyncadd.s32 $0xFFFFFFC0  }
0xbe: {  	_ =	swait.ge [sflag:s13], $0x40  }
0xbf: {  	[sflag:s13] =	ssyncset.done $0x0  }
0xc0: {  	[sflag:s13] =	ssyncadd.s32 $0xFFFFFFC0  }
0xc1: {  	_ =	swait.ge [sflag:s13], $0x40  }
0xc2: {  	[sflag:s13] =	ssyncset.done $0x0  }
0xc3: {  	[sflag:s13] =	ssyncadd.s32 $0xFFFFFFC0  }
0xc4: {  	_ =	swait.ge [sflag:s13], $0x40  }
0xc5: {  	[sflag:s13] =	ssyncset.done $0x0  }
0xc6: {  	[sflag:s13] =	ssyncadd.s32 $0xFFFFFFC0  }
0xc7: {  	[bflag:$0x0] =	sbarrier.arrive $0xFFFF  }
0xc8: {  	[tilespmem:s8], [sflag:$0x2] =	stream.linear.gather [spmem:s4], $0x280, $0x38;
	[tilespmem:$0x2DC0] =	vst v63  }
0xc9: {  	s14 =	sadd.s32 $0x1, s14;
	_ =	swait.ge [sflag:s9], $0x280  }
0xca: {  	p0 =	sne.s32 s14, s6;
	[sflag:s9] =	ssyncset.done $0x0  }
.Ltmp1:
0xcb: {  	[sflag:s9] =	ssyncadd.s32 $0xFFFFFD80;
	(pc) =	sbr.rel @p0 .LBB2_1-.Ltmp1, $4  }
0xcc: {  	[hbm4b:s7+s3] =	stream.linear.scatter [tilespmem:s8], [sflag:$0x2], $0x280, $0x38;
	[tilespmem:$0x2DC0] =	vst v63  }
0xcd: {  	_ =	swait.ge [sflag:s9], $0x280  }
0xce: {  	[sflag:s9] =	ssyncset.done $0x0  }
0xcf: {  	[sflag:s9] =	ssyncadd.s32 $0xFFFFFD80  }
0xd0: {  	_ =	sfence.sel $0x180000  }
0xd1: {  	[bflag:$0x0] =	sbarrier.arrive $0xFFFF  }
0xd2: {  	p0 =	sne.s32 s1, $0x0;
	_ =	strace $0x90000047  }
0xd3: {  	s0 =	sadd.s32 @!p0 $0x100000, s0;
	[bflag:$0x2] =	sbarrier.arrive $0xFFFF  }
0xd4: {  	[sflag:s0] =	ssyncadd.tile.s32 @!p0 $0x1;
	_ =	shalt  }
.Lfunc_end2:
_tile_overlayer_lowered:
.L_overlay_start_2:
0xd5: {  	(tag) =	ssettag $0x2  }
0xd6: {  	s0 =	rddreg [dreg:$0x0];
	s2 =	stileid.u32  }
0xd7: {  	s1 =	rddreg [dreg:$0x1];
	p0 =	sne.s32 s2, $0x0  }
0xd8: {  	s3 =	rddreg [dreg:$0x2];
	[bflag:$0x3] =	sbarrier.arrive $0xFFFF;
	s2 =	simm.s32 @!p0 $0x1C02  }
0xd9: {  	[timem:s3], [sflag:s2] =	dma.local @!p0 [hbm:s0], s1  }
0xda: {  	s0 =	simm.s32 @!p0 $0x2  }
0xdb: {  	_ =	swait.ge @!p0 [sflag:s0], s1  }
0xdc: {  	s1 =	ssub.s32 @!p0 $0x0, s1;
	[sflag:s0] =	ssyncset.done @!p0 $0x0  }
0xdd: {  	[sflag:s0] =	ssyncadd.s32 @!p0 s1  }
0xde: {  	[bflag:$0x3] =	sbarrier.arrive $0xFFFF  }
0xdf: {  	_ =	shalt  }

</sc_bundles>
